<compile_context>
chip_gen: v7x
topology: tpu7x:2x2x1
jax: 0.10.2.dev20260603
libtpu: 0.0.44.dev20260713+nightly
codegen_flags: <defaults>
</compile_context>

<pallas_src>
import dataclasses

import jax
import jax.numpy as jnp
from jax import lax
from jax.experimental import pallas as pl
from jax.experimental.pallas import tpu as pltpu
from jax.experimental.pallas import tpu_sc as plsc

CONF = 0.3
MAX_WH = 4096.0
MAX_DET = 300
N = 20000
NCLS = 15
B = 4
D = 200
REC = 32
RECROWS = B * N * REC // 128
ROWS_PER_SUB = 1248
ROWS_MAX = 1280
GROUPS = ROWS_MAX // 16
DET_PAD = 304
NCHUNK = DET_PAD // 16
TC_R = 10240
BM_LANE = 6 + NCLS
DEG = 0.017453292519943295




def _tc_body(x_ref, rec_ref, bm_ref):
    blk = x_ref[0]
    conf = blk[4, :]
    mc = conf > CONF
    bmv = jnp.where(mc, 1 << 15, 0)
    for j in range(NCLS):
        vj = jnp.logical_and(mc, blk[5 + j, :] * conf > CONF)
        bmv = bmv + jnp.where(vj, 1 << j, 0)
    ang = blk[5 + NCLS:D, :]
    m = jnp.max(ang, axis=0, keepdims=True)
    i180 = lax.broadcasted_iota(jnp.int32, ang.shape, 0)
    aidx = jnp.min(jnp.where(ang == m, i180, jnp.int32(10**9)), axis=0)
    theta = (aidx.astype(jnp.float32) - 90.0) * jnp.float32(DEG)
    rect = jnp.concatenate([blk[0:5, :], theta[None, :], blk[5:5 + NCLS, :]],
                           axis=0)
    rec = jnp.transpose(rect)
    rec_ref[0] = jnp.concatenate(
        [rec, jnp.zeros((TC_R, 128 - 6 - NCLS), jnp.float32)], axis=1)
    bm_ref[0, 0] = bmv


def _make_prepass(b0):
    grid = (N + TC_R - 1) // TC_R
    return pl.pallas_call(
        _tc_body,
        grid=(2, grid),
        in_specs=[pl.BlockSpec((1, D, TC_R), lambda b, i: (b0 + b, 0, i))],
        out_specs=[
            pl.BlockSpec((1, TC_R, 128), lambda b, i: (b, i, 0)),
            pl.BlockSpec((1, 1, TC_R), lambda b, i: (b, 0, i)),
        ],
        out_shape=[
            jax.ShapeDtypeStruct((2, N, 128), jnp.float32),
            jax.ShapeDtypeStruct((2, 1, N), jnp.int32),
        ],
        compiler_params=pltpu.CompilerParams(
            dimension_semantics=("parallel", "parallel")),
    )




def _iota():
    return lax.iota(jnp.int32, 16)


def _splat_i32(v):
    return jnp.zeros((16,), jnp.int32) + v


def _cfun(pc_ref, bm_ref, q, t_scalar):
    lo = jnp.zeros((16,), jnp.int32)
    hi = _splat_i32(N)
    nm1 = _splat_i32(N - 1)
    for _ in range(15):
        mid = jnp.minimum(lax.shift_right_logical(lo + hi, 1), nm1)
        pv = plsc.load_gather(pc_ref, [mid])
        cond = pv > q
        hi = jnp.where(cond, mid, hi)
        lo = jnp.where(cond, lo, mid + 1)
    in_t = q < t_scalar
    r = jnp.where(in_t, lo, 0)
    pcm1 = plsc.load_gather(pc_ref, [jnp.maximum(r - 1, 0)])
    pcx = jnp.where(r > 0, pcm1, 0)
    rem = q - pcx
    bmv = plsc.load_gather(bm_ref, [r])
    col = jnp.zeros((16,), jnp.int32)
    seen = jnp.zeros((16,), jnp.int32)
    found = jnp.zeros((16,), jnp.bool_)
    for t in range(NCLS):
        bit = lax.shift_right_logical(bmv, t) & 1
        hit = (bit == 1) & (seen == rem) & jnp.logical_not(found)
        col = jnp.where(hit, t, col)
        found = jnp.logical_or(found, hit)
        seen = seen + bit
    col = jnp.where(in_t, col, 0)
    return r, col


def _sc_body(rec_ref, bm_ref, out_ref, lbm, lpc, lrank, pc_all, bm_all,
             idx3, rowbuf, outbuf, c2buf, tot_v, cnt_all,
             spm_pc, spm_bm, spm_cnt, sem):
    c = lax.axis_index("c")
    s = lax.axis_index("s")
    iv = _iota()
    rowbase = ROWS_PER_SUB * s
    nrows = jnp.where(s == 15, ROWS_MAX, ROWS_PER_SUB)

    if True:
        b = c

        pltpu.sync_copy(bm_ref.at[b].at[0].at[pl.ds(rowbase, ROWS_MAX)], lbm)

        def p1_group(g, carry):
            vcar, ccar = carry
            rid = iv + 16 * g
            rmask = rid < nrows
            bmv = lbm[pl.ds(16 * g, 16)]
            mc = (lax.shift_right_logical(bmv, 15) == 1) & rmask
            v = bmv & 0x7FFF
            v = v - (lax.shift_right_logical(v, 1) & 0x5555)
            v = (v & 0x3333) + (lax.shift_right_logical(v, 2) & 0x3333)
            v = (v + lax.shift_right_logical(v, 4)) & 0x0F0F
            cntv = (v + lax.shift_right_logical(v, 8)) & 0x1F
            cntv = jnp.where(rmask, cntv, 0)
            pcv = plsc.cumsum(cntv) + vcar
            lpc[pl.ds(16 * g, 16)] = pcv
            mci = jnp.where(mc, 1, 0)
            rkv = plsc.cumsum(mci) + ccar
            lrank[pl.ds(16 * g, 16)] = rkv
            return vcar + jnp.sum(cntv), ccar + jnp.sum(mci)

        vc_tot, cc_tot = lax.fori_loop(
            0, GROUPS, p1_group, (jnp.int32(0), jnp.int32(0)))

        totv = jnp.where(iv == 0, vc_tot, jnp.where(iv == 1, cc_tot, 0))
        tot_v[...] = totv
        pltpu.sync_copy(tot_v, spm_cnt.at[s])
        plsc.subcore_barrier()

        pltpu.sync_copy(spm_cnt, cnt_all)
        vc_col = plsc.load_gather(cnt_all, [iv, _splat_i32(0)])
        cc_col = plsc.load_gather(cnt_all, [iv, _splat_i32(1)])
        before = iv < s
        vstart = jnp.sum(jnp.where(before, vc_col, 0))
        cstart = jnp.sum(jnp.where(before, cc_col, 0))
        t_total = jnp.sum(vc_col)

        @pl.loop(0, GROUPS)
        def _adjust(g):
            sl = pl.ds(16 * g, 16)
            lpc[sl] = lpc[sl] + vstart
            lbm[sl] = (lbm[sl] & 0xFFFF) + lax.shift_left(
                lrank[sl] + cstart, 16)

        pltpu.sync_copy(lpc.at[pl.ds(0, ROWS_PER_SUB)],
                        spm_pc.at[pl.ds(rowbase, ROWS_PER_SUB)])
        pltpu.sync_copy(lbm.at[pl.ds(0, ROWS_PER_SUB)],
                        spm_bm.at[pl.ds(rowbase, ROWS_PER_SUB)])

        @pl.when(s == 15)
        def _tail():
            tail = ROWS_MAX - ROWS_PER_SUB
            src = pl.ds(ROWS_PER_SUB, tail)
            dst = pl.ds(16 * ROWS_PER_SUB, tail)
            pltpu.sync_copy(lpc.at[src], spm_pc.at[dst])
            pltpu.sync_copy(lbm.at[src], spm_bm.at[dst])

        plsc.subcore_barrier()

        pltpu.sync_copy(spm_pc, pc_all)
        pltpu.sync_copy(spm_bm, bm_all)

        def do_chunk(ch):
            jv = 16 * ch + iv
            r1, _c1 = _cfun(pc_all, bm_all, jv, t_total)
            rk = lax.shift_right_logical(
                plsc.load_gather(bm_all, [r1]), 16) - 1
            tm1 = jnp.maximum(t_total - 1, 0)
            keep = jnp.clip(rk, 0, tm1)
            r2, c2 = _cfun(pc_all, bm_all, keep, t_total)
            idx3[...] = b * N + r2
            c2buf[...] = c2
            pltpu.async_copy(rec_ref.at[idx3], rowbuf, sem).wait()

            @pl.loop(0, 16)
            def _det(d):
                c2s = plsc.load_gather(c2buf, [_splat_i32(d)])
                hdr = rowbuf[d, pl.ds(0, 16)]
                clsv = rowbuf[d, pl.ds(6, 16)]
                conf_s = plsc.load_gather(
                    rowbuf, [_splat_i32(d), _splat_i32(4)])
                theta = plsc.load_gather(
                    rowbuf, [_splat_i32(d), _splat_i32(5)])
                coff = c2s.astype(jnp.float32) * MAX_WH
                score = jnp.sum(jnp.where(iv == c2s, clsv, 0.0)) * conf_s
                outv = jnp.where(
                    iv < 4, hdr + coff,
                    jnp.where(iv == 4, theta,
                              jnp.where(iv == 5, score,
                                        jnp.where(iv == 6,
                                                  c2s.astype(jnp.float32),
                                                  0.0))))
                live = jnp.where(16 * ch + d < t_total,
                                 jnp.float32(1.0), jnp.float32(0.0))
                outbuf[d, :] = outv * live

            pltpu.sync_copy(outbuf,
                            out_ref.at[b].at[pl.ds(16 * ch, 16), :])

        do_chunk(s)

        @pl.when(s < NCHUNK - 16)
        def _extra():
            do_chunk(16 + s)

        plsc.subcore_barrier()


@jax.jit
def _nms_sc(rec, bm):
    mesh = plsc.VectorSubcoreMesh(core_axis_name="c", subcore_axis_name="s")
    cp = pltpu.CompilerParams()
    fields = pltpu.CompilerParams.__dataclass_fields__
    if "needs_layout_passes" in fields:
        cp = dataclasses.replace(cp, needs_layout_passes=False)
    if "use_tc_tiling_on_sc" in fields:
        cp = dataclasses.replace(cp, use_tc_tiling_on_sc=True)
    kfn = pl.kernel(
        _sc_body,
        out_type=jax.ShapeDtypeStruct((2, DET_PAD, 16), jnp.float32),
        mesh=mesh,
        scratch_types=[
            pltpu.VMEM((ROWS_MAX,), jnp.int32),
            pltpu.VMEM((ROWS_MAX,), jnp.int32),
            pltpu.VMEM((ROWS_MAX,), jnp.int32),
            pltpu.VMEM((N,), jnp.int32),
            pltpu.VMEM((N,), jnp.int32),
            pltpu.VMEM((16,), jnp.int32),
            pltpu.VMEM((16, 128), jnp.float32),
            pltpu.VMEM((16, 16), jnp.float32),
            pltpu.VMEM((16,), jnp.int32),
            pltpu.VMEM((16,), jnp.int32),
            pltpu.VMEM((16, 16), jnp.int32),
            pltpu.VMEM_SHARED((N,), jnp.int32),
            pltpu.VMEM_SHARED((N,), jnp.int32),
            pltpu.VMEM_SHARED((16, 16), jnp.int32),
            pltpu.SemaphoreType.DMA,
        ],
        compiler_params=cp,
    )
    return kfn(rec, bm)


@jax.jit
def _run(xt):
    rec_a, bm_a = _make_prepass(0)(xt)
    rec_b, bm_b = _make_prepass(2)(xt)
    out_a = _nms_sc(rec_a.reshape(2 * N, 128), bm_a)
    bm_b, out_a = lax.optimization_barrier((bm_b, out_a))
    out_b = _nms_sc(rec_b.reshape(2 * N, 128), bm_b)
    return jnp.concatenate([out_a, out_b], axis=0)


def kernel(x):
    xt = x.reshape(B, N, D).transpose(0, 2, 1)
    outpad = _run(xt)
    return outpad[:, :MAX_DET, :7]

# --- scband reference (transcript-rebuilt; emitter-appended) ---
"""Pipeline reference for scband-nms-58497454571603 (READ-ONLY COPY).

The authoritative reference and input builder live on the scoring server;
editing this copy changes nothing except your own understanding.
"""

import jax, jax.numpy as jnp
import numpy as np

CONF = 0.3
MAX_WH = 4096.0
MAX_DET = 300
N_ANGLE = 180


def setup_inputs(seed: int = 0):
    key = jax.random.key(seed)
    x = jax.random.uniform(key, (1, 4, 20000, 200), dtype=jnp.float32)
    return {"x": x}


def _detect_image(pred_b, ci):
    N = pred_b.shape[0]
    nc = ci - 5
    F = N * nc
    mask_conf = pred_b[:, 4] > CONF
    rank = jnp.cumsum(mask_conf.astype(jnp.int32)) - 1
    cls_full = pred_b[:, 5:ci] * pred_b[:, 4:5]  # x[:, 5:ci] *= x[:, 4:5]
    valid = mask_conf[:, None] & (cls_full > CONF)
    vflat = valid.reshape(-1)
    order = jnp.cumsum(vflat.astype(jnp.int32)) - 1
    T = order[-1] + 1
    idx = jnp.arange(F, dtype=jnp.int32)
    slot_all = jnp.where(vflat, order, F)
    buf = jnp.zeros(F + 1, jnp.int32).at[slot_all].set(idx)
    fk = buf[:MAX_DET]
    row_k = fk // nc
    keep = jnp.clip(rank[row_k], 0, jnp.maximum(T - 1, 0))
    fm = buf[keep]
    row_m = fm // nc
    col_m = fm % nc
    angle = pred_b[:, ci:]
    aidx = jnp.argmax(angle, axis=1).astype(jnp.float32)
    theta = (aidx - 90.0) * (np.pi / 180.0)
    c = col_m[:, None].astype(jnp.float32) * MAX_WH  # class-offset boxes (agnostic=False)
    det = jnp.concatenate(
        [
            pred_b[row_m, :4] + c,
            theta[row_m][:, None],
            cls_full[row_m, col_m][:, None],
            col_m[:, None].astype(jnp.float32),
        ],
        axis=1,
    )
    k = jnp.arange(MAX_DET)
    out = jnp.where((k < T)[:, None], det, jnp.zeros((), jnp.float32))
    return out


def reference(x):
    pred = x[0]
    B, N, D = pred.shape
    nc = D - 5 - N_ANGLE
    ci = nc + 5
    outs = []
    for b in range(B):
        outs.append(_detect_image(pred[b], ci))
    return jnp.stack(outs)

if __name__ == "__main__":
    import jax
    _d = setup_inputs()
    print(jax.jit(kernel)(*tuple(_d.values())))

</pallas_src>

<mosaic_0001>
#map = affine_map<(d0, d1) -> (0, 0)>
#map1 = affine_map<(d0, d1) -> (0, 0, 0)>
module attributes {stable_mosaic.version = 14 : i64} {
  func.func @_sc_body(%arg0: i32, %arg1: i32, %arg2: memref<40000x128xf32, #tpu.memory_space<hbm>>, %arg3: memref<2x1x20000xi32, #tpu.memory_space<hbm>>, %arg4: memref<2x304x16xf32, #tpu.memory_space<hbm>>, %arg5: memref<1280xi32, #tpu.memory_space<vmem>>, %arg6: memref<1280xi32, #tpu.memory_space<vmem>>, %arg7: memref<1280xi32, #tpu.memory_space<vmem>>, %arg8: memref<20000xi32, #tpu.memory_space<vmem>>, %arg9: memref<20000xi32, #tpu.memory_space<vmem>>, %arg10: memref<16xi32, #tpu.memory_space<vmem>>, %arg11: memref<16x128xf32, #tpu.memory_space<vmem>>, %arg12: memref<16x16xf32, #tpu.memory_space<vmem>>, %arg13: memref<16xi32, #tpu.memory_space<vmem>>, %arg14: memref<16xi32, #tpu.memory_space<vmem>>, %arg15: memref<16x16xi32, #tpu.memory_space<vmem>>, %arg16: memref<20000xi32, #tpu.memory_space<vmem_shared>>, %arg17: memref<20000xi32, #tpu.memory_space<vmem_shared>>, %arg18: memref<16x16xi32, #tpu.memory_space<vmem_shared>>, %arg19: memref<!tpu.dma_semaphore, #tpu.memory_space<semaphore_mem>>) attributes {dimension_semantics = [#tpu.dimension_semantics<core_parallel>, #tpu.dimension_semantics<subcore_parallel>], iteration_bounds = array<i64: 2, 16>, scalar_prefetch = 0 : i64, scratch_operands = 15 : i64, tpu.core_type = #tpu.core_type<sc_vector_subcore>, window_params = [{transform_indices = #map}, {transform_indices = #map1}, {transform_indices = #map1}]} {
    %iota3A = tpu.iota {dimensions = array<i32: 0>} : vector<16xi32>
    %mul3A = arith.constant 1248 : i32
    %mul3A_0 = arith.muli %mul3A, %arg1 : i32
    %eq3A = arith.constant 15 : i32
    %eq3A_1 = arith.cmpi eq, %arg1, %eq3A : i32
    %jit3A = arith.constant 1280 : i32
    %jit3A_2 = arith.constant 1248 : i32
    %select_n3A = arith.select %eq3A_1, %jit3A, %jit3A_2 : i32
    %run_scoped3A = arith.constant 0 : i32
    "tpu.region"() ({
      %run_scoped3A_1108 = tpu.sem_alloc : memref<!tpu.dma_semaphore, #tpu.memory_space<semaphore_mem>>
      %dma_start3A_1109 = arith.constant 0 : i32
      %dma_start3A_1110 = arith.constant 0 : i32
      %dma_start3A_1111 = tpu.memref_slice %arg3[%arg0, %dma_start3A_1109, %dma_start3A_1110] : memref<2x1x20000xi32, #tpu.memory_space<hbm>> -> memref<1x1x20000xi32, #tpu.memory_space<hbm>>
      %dma_start3A_1112 = tpu.memref_squeeze %dma_start3A_1111 : memref<1x1x20000xi32, #tpu.memory_space<hbm>> -> memref<1x20000xi32, #tpu.memory_space<hbm>>
      %dma_start3A_1113 = arith.constant 0 : i32
      %dma_start3A_1114 = tpu.memref_slice %dma_start3A_1112[%run_scoped3A, %dma_start3A_1113] : memref<1x20000xi32, #tpu.memory_space<hbm>> -> memref<1x20000xi32, #tpu.memory_space<hbm>>
      %dma_start3A_1115 = tpu.memref_squeeze %dma_start3A_1114 : memref<1x20000xi32, #tpu.memory_space<hbm>> -> memref<20000xi32, #tpu.memory_space<hbm>>
      %dma_start3A_1116 = tpu.memref_slice %dma_start3A_1115[%mul3A_0] : memref<20000xi32, #tpu.memory_space<hbm>> -> memref<1280xi32, #tpu.memory_space<hbm>>
      %dma_start3A_1117 = arith.constant 0 : i32
      %dma_start3A_1118 = arith.constant 0 : i32
      %dma_start3A_1119 = tpu.memref_slice %arg3[%arg0, %dma_start3A_1117, %dma_start3A_1118] : memref<2x1x20000xi32, #tpu.memory_space<hbm>> -> memref<1x1x20000xi32, #tpu.memory_space<hbm>>
      %dma_start3A_1120 = tpu.memref_squeeze %dma_start3A_1119 : memref<1x1x20000xi32, #tpu.memory_space<hbm>> -> memref<1x20000xi32, #tpu.memory_space<hbm>>
      %dma_start3A_1121 = arith.constant 0 : i32
      %dma_start3A_1122 = tpu.memref_slice %dma_start3A_1120[%run_scoped3A, %dma_start3A_1121] : memref<1x20000xi32, #tpu.memory_space<hbm>> -> memref<1x20000xi32, #tpu.memory_space<hbm>>
      %dma_start3A_1123 = tpu.memref_squeeze %dma_start3A_1122 : memref<1x20000xi32, #tpu.memory_space<hbm>> -> memref<20000xi32, #tpu.memory_space<hbm>>
      %dma_start3A_1124 = tpu.memref_slice %dma_start3A_1123[%mul3A_0] : memref<20000xi32, #tpu.memory_space<hbm>> -> memref<1280xi32, #tpu.memory_space<hbm>>
      tpu.enqueue_dma source(%dma_start3A_1124 : memref<1280xi32, #tpu.memory_space<hbm>>) target(%arg5 : memref<1280xi32, #tpu.memory_space<vmem>>) target_semaphore(%run_scoped3A_1108 : memref<!tpu.dma_semaphore, #tpu.memory_space<semaphore_mem>>)
      %dma_wait3A_1125 = arith.constant 0 : i32
      %dma_wait3A_1126 = arith.constant 0 : i32
      %dma_wait3A_1127 = tpu.memref_slice %arg3[%arg0, %dma_wait3A_1125, %dma_wait3A_1126] : memref<2x1x20000xi32, #tpu.memory_space<hbm>> -> memref<1x1x20000xi32, #tpu.memory_space<hbm>>
      %dma_wait3A_1128 = tpu.memref_squeeze %dma_wait3A_1127 : memref<1x1x20000xi32, #tpu.memory_space<hbm>> -> memref<1x20000xi32, #tpu.memory_space<hbm>>
      %dma_wait3A_1129 = arith.constant 0 : i32
      %dma_wait3A_1130 = tpu.memref_slice %dma_wait3A_1128[%run_scoped3A, %dma_wait3A_1129] : memref<1x20000xi32, #tpu.memory_space<hbm>> -> memref<1x20000xi32, #tpu.memory_space<hbm>>
      %dma_wait3A_1131 = tpu.memref_squeeze %dma_wait3A_1130 : memref<1x20000xi32, #tpu.memory_space<hbm>> -> memref<20000xi32, #tpu.memory_space<hbm>>
      %dma_wait3A_1132 = tpu.memref_slice %dma_wait3A_1131[%mul3A_0] : memref<20000xi32, #tpu.memory_space<hbm>> -> memref<1280xi32, #tpu.memory_space<hbm>>
      %dma_wait3A_1133 = arith.constant 0 : i32
      %dma_wait3A_1134 = arith.constant 0 : i32
      %dma_wait3A_1135 = tpu.memref_slice %arg3[%arg0, %dma_wait3A_1133, %dma_wait3A_1134] : memref<2x1x20000xi32, #tpu.memory_space<hbm>> -> memref<1x1x20000xi32, #tpu.memory_space<hbm>>
      %dma_wait3A_1136 = tpu.memref_squeeze %dma_wait3A_1135 : memref<1x1x20000xi32, #tpu.memory_space<hbm>> -> memref<1x20000xi32, #tpu.memory_space<hbm>>
      %dma_wait3A_1137 = arith.constant 0 : i32
      %dma_wait3A_1138 = tpu.memref_slice %dma_wait3A_1136[%run_scoped3A, %dma_wait3A_1137] : memref<1x20000xi32, #tpu.memory_space<hbm>> -> memref<1x20000xi32, #tpu.memory_space<hbm>>
      %dma_wait3A_1139 = tpu.memref_squeeze %dma_wait3A_1138 : memref<1x20000xi32, #tpu.memory_space<hbm>> -> memref<20000xi32, #tpu.memory_space<hbm>>
      %dma_wait3A_1140 = tpu.memref_slice %dma_wait3A_1139[%mul3A_0] : memref<20000xi32, #tpu.memory_space<hbm>> -> memref<1280xi32, #tpu.memory_space<hbm>>
      tpu.wait_dma2 semaphore(%run_scoped3A_1108 : memref<!tpu.dma_semaphore, #tpu.memory_space<semaphore_mem>>) src(%dma_wait3A_1140 : memref<1280xi32, #tpu.memory_space<hbm>>) dst(%arg5 : memref<1280xi32, #tpu.memory_space<vmem>>)
      tpu.yield
    }) : () -> ()
    %scan3A = arith.constant 0 : i32
    %scan3A_3 = arith.constant 0 : i32
    %scan3A_4 = arith.constant 0 : i32
    %scan3A_5 = arith.constant 80 : i32
    %scan3A_6 = arith.addi %scan3A_4, %scan3A_5 : i32
    %scan3A_7 = arith.constant 1 : i32
    %scan3A_8:2 = scf.for %scan3A_1108 = %scan3A_4 to %scan3A_6 step %scan3A_7 iter_args(%scan3A_1109 = %scan3A, %scan3A_1110 = %scan3A_3) -> (i32, i32)  : i32 {
      %mul3A_1111 = arith.constant 16 : i32
      %mul3A_1112 = arith.muli %mul3A_1111, %scan3A_1108 : i32
      %add3A_1113 = vector.broadcast %mul3A_1112 : i32 to vector<16xi32>
      %add3A_1114 = arith.addi %iota3A, %add3A_1113 : vector<16xi32>
      %lt3A_1115 = vector.broadcast %select_n3A : i32 to vector<16xi32>
      %lt3A_1116 = arith.cmpi slt, %add3A_1114, %lt3A_1115 : vector<16xi32>
      %mul3A_1117 = arith.constant 16 : i32
      %mul3A_1118 = arith.muli %mul3A_1117, %scan3A_1108 : i32
      %get3A = arith.index_cast %mul3A_1118 : i32 to index
      %get3A_1119 = tpu.vector_load %arg5[%get3A] {strides = array<i32>} : memref<1280xi32, #tpu.memory_space<vmem>>, vector<16xi32>,
      %shift_right_logical3A_1120 = arith.constant 15 : i32
      %shift_right_logical3A_1121 = vector.broadcast %shift_right_logical3A_1120 : i32 to vector<16xi32>
      %shift_right_logical3A_1122 = arith.shrui %get3A_1119, %shift_right_logical3A_1121 : vector<16xi32>
      %eq3A_1123 = arith.constant 1 : i32
      %eq3A_1124 = vector.broadcast %eq3A_1123 : i32 to vector<16xi32>
      %eq3A_1125 = arith.cmpi eq, %shift_right_logical3A_1122, %eq3A_1124 : vector<16xi32>
      %and3A_1126 = arith.andi %eq3A_1125, %lt3A_1116 : vector<16xi1>
      %and3A_1127 = arith.constant 32767 : i32
      %and3A_1128 = vector.broadcast %and3A_1127 : i32 to vector<16xi32>
      %and3A_1129 = arith.andi %get3A_1119, %and3A_1128 : vector<16xi32>
      %shift_right_logical3A_1130 = arith.constant 1 : i32
      %shift_right_logical3A_1131 = vector.broadcast %shift_right_logical3A_1130 : i32 to vector<16xi32>
      %shift_right_logical3A_1132 = arith.shrui %and3A_1129, %shift_right_logical3A_1131 : vector<16xi32>
      %and3A_1133 = arith.constant 21845 : i32
      %and3A_1134 = vector.broadcast %and3A_1133 : i32 to vector<16xi32>
      %and3A_1135 = arith.andi %shift_right_logical3A_1132, %and3A_1134 : vector<16xi32>
      %sub3A_1136 = arith.subi %and3A_1129, %and3A_1135 : vector<16xi32>
      %and3A_1137 = arith.constant 13107 : i32
      %and3A_1138 = vector.broadcast %and3A_1137 : i32 to vector<16xi32>
      %and3A_1139 = arith.andi %sub3A_1136, %and3A_1138 : vector<16xi32>
      %shift_right_logical3A_1140 = arith.constant 2 : i32
      %shift_right_logical3A_1141 = vector.broadcast %shift_right_logical3A_1140 : i32 to vector<16xi32>
      %shift_right_logical3A_1142 = arith.shrui %sub3A_1136, %shift_right_logical3A_1141 : vector<16xi32>
      %and3A_1143 = arith.constant 13107 : i32
      %and3A_1144 = vector.broadcast %and3A_1143 : i32 to vector<16xi32>
      %and3A_1145 = arith.andi %shift_right_logical3A_1142, %and3A_1144 : vector<16xi32>
      %add3A_1146 = arith.addi %and3A_1139, %and3A_1145 : vector<16xi32>
      %shift_right_logical3A_1147 = arith.constant 4 : i32
      %shift_right_logical3A_1148 = vector.broadcast %shift_right_logical3A_1147 : i32 to vector<16xi32>
      %shift_right_logical3A_1149 = arith.shrui %add3A_1146, %shift_right_logical3A_1148 : vector<16xi32>
      %add3A_1150 = arith.addi %add3A_1146, %shift_right_logical3A_1149 : vector<16xi32>
      %and3A_1151 = arith.constant 3855 : i32
      %and3A_1152 = vector.broadcast %and3A_1151 : i32 to vector<16xi32>
      %and3A_1153 = arith.andi %add3A_1150, %and3A_1152 : vector<16xi32>
      %shift_right_logical3A_1154 = arith.constant 8 : i32
      %shift_right_logical3A_1155 = vector.broadcast %shift_right_logical3A_1154 : i32 to vector<16xi32>
      %shift_right_logical3A_1156 = arith.shrui %and3A_1153, %shift_right_logical3A_1155 : vector<16xi32>
      %add3A_1157 = arith.addi %and3A_1153, %shift_right_logical3A_1156 : vector<16xi32>
      %and3A_1158 = arith.constant 31 : i32
      %and3A_1159 = vector.broadcast %and3A_1158 : i32 to vector<16xi32>
      %and3A_1160 = arith.andi %add3A_1157, %and3A_1159 : vector<16xi32>
      %jit3A_1161 = arith.constant 0 : i32
      %broadcast_in_dim3A_1162 = vector.broadcast %jit3A_1161 : i32 to vector<16xi32>
      %select_n3A_1163 = arith.select %lt3A_1116, %and3A_1160, %broadcast_in_dim3A_1162 : vector<16xi1>, vector<16xi32>
      %broadcast_in_dim3A_1164 = arith.constant true
      %broadcast_in_dim3A_1165 = vector.broadcast %broadcast_in_dim3A_1164 : i1 to vector<16xi1>
      %masked_cumsum3A = tpu.scan <sum>, %select_n3A_1163 masked %broadcast_in_dim3A_1165 : vector<16xi32>, vector<16xi1> -> vector<16xi32>
      %add3A_1166 = vector.broadcast %scan3A_1109 : i32 to vector<16xi32>
      %add3A_1167 = arith.addi %masked_cumsum3A, %add3A_1166 : vector<16xi32>
      %mul3A_1168 = arith.constant 16 : i32
      %mul3A_1169 = arith.muli %mul3A_1168, %scan3A_1108 : i32
      %swap3A_1170 = arith.index_cast %mul3A_1169 : i32 to index
      %swap3A_1171 = tpu.vector_load %arg6[%swap3A_1170] {strides = array<i32>} : memref<1280xi32, #tpu.memory_space<vmem>>, vector<16xi32>,
      tpu.vector_store %arg6[%swap3A_1170], %add3A_1167 {strides = array<i32>} : memref<1280xi32, #tpu.memory_space<vmem>>, vector<16xi32>,
      %jit3A_1172 = arith.constant 1 : i32
      %jit3A_1173 = arith.constant 0 : i32
      %broadcast_in_dim3A_1174 = vector.broadcast %jit3A_1172 : i32 to vector<16xi32>
      %broadcast_in_dim3A_1175 = vector.broadcast %jit3A_1173 : i32 to vector<16xi32>
      %select_n3A_1176 = arith.select %and3A_1126, %broadcast_in_dim3A_1174, %broadcast_in_dim3A_1175 : vector<16xi1>, vector<16xi32>
      %broadcast_in_dim3A_1177 = arith.constant true
      %broadcast_in_dim3A_1178 = vector.broadcast %broadcast_in_dim3A_1177 : i1 to vector<16xi1>
      %masked_cumsum3A_1179 = tpu.scan <sum>, %select_n3A_1176 masked %broadcast_in_dim3A_1178 : vector<16xi32>, vector<16xi1> -> vector<16xi32>
      %add3A_1180 = vector.broadcast %scan3A_1110 : i32 to vector<16xi32>
      %add3A_1181 = arith.addi %masked_cumsum3A_1179, %add3A_1180 : vector<16xi32>
      %mul3A_1182 = arith.constant 16 : i32
      %mul3A_1183 = arith.muli %mul3A_1182, %scan3A_1108 : i32
      %swap3A_1184 = arith.index_cast %mul3A_1183 : i32 to index
      %swap3A_1185 = tpu.vector_load %arg7[%swap3A_1184] {strides = array<i32>} : memref<1280xi32, #tpu.memory_space<vmem>>, vector<16xi32>,
      tpu.vector_store %arg7[%swap3A_1184], %add3A_1181 {strides = array<i32>} : memref<1280xi32, #tpu.memory_space<vmem>>, vector<16xi32>,
      %reduce_sum3A_1186 = arith.constant true
      %reduce_sum3A_1187 = vector.broadcast %reduce_sum3A_1186 : i1 to vector<16xi1>
      %reduce_sum3A_1188 = tpu.scan <sum>, %select_n3A_1163 masked %reduce_sum3A_1187 : vector<16xi32>, vector<16xi1> -> vector<16xi32>
      %reduce_sum3A_1189 = vector.extract %reduce_sum3A_1188[15] : i32 from vector<16xi32>
      %add3A_1190 = arith.addi %scan3A_1109, %reduce_sum3A_1189 : i32
      %reduce_sum3A_1191 = arith.constant true
      %reduce_sum3A_1192 = vector.broadcast %reduce_sum3A_1191 : i1 to vector<16xi1>
      %reduce_sum3A_1193 = tpu.scan <sum>, %select_n3A_1176 masked %reduce_sum3A_1192 : vector<16xi32>, vector<16xi1> -> vector<16xi32>
      %reduce_sum3A_1194 = vector.extract %reduce_sum3A_1193[15] : i32 from vector<16xi32>
      %add3A_1195 = arith.addi %scan3A_1110, %reduce_sum3A_1194 : i32
      scf.yield %add3A_1190, %add3A_1195 : i32, i32
    }
    %scan3A_9 = arith.constant 80 : i32
    %eq3A_10 = arith.constant 0 : i32
    %eq3A_11 = vector.broadcast %eq3A_10 : i32 to vector<16xi32>
    %eq3A_12 = arith.cmpi eq, %iota3A, %eq3A_11 : vector<16xi32>
    %eq3A_13 = arith.constant 1 : i32
    %eq3A_14 = vector.broadcast %eq3A_13 : i32 to vector<16xi32>
    %eq3A_15 = arith.cmpi eq, %iota3A, %eq3A_14 : vector<16xi32>
    %jit3A_16 = arith.constant 0 : i32
    %broadcast_in_dim3A = vector.broadcast %scan3A_8#1 : i32 to vector<16xi32>
    %broadcast_in_dim3A_17 = vector.broadcast %jit3A_16 : i32 to vector<16xi32>
    %select_n3A_18 = arith.select %eq3A_15, %broadcast_in_dim3A, %broadcast_in_dim3A_17 : vector<16xi1>, vector<16xi32>
    %broadcast_in_dim3A_19 = vector.broadcast %scan3A_8#0 : i32 to vector<16xi32>
    %select_n3A_20 = arith.select %eq3A_12, %broadcast_in_dim3A_19, %select_n3A_18 : vector<16xi1>, vector<16xi32>
    %swap3A = arith.constant 0 : index
    %swap3A_21 = tpu.vector_load %arg14[%swap3A] {strides = array<i32>} : memref<16xi32, #tpu.memory_space<vmem>>, vector<16xi32>,
    tpu.vector_store %arg14[%swap3A], %select_n3A_20 {strides = array<i32>} : memref<16xi32, #tpu.memory_space<vmem>>, vector<16xi32>,
    "tpu.region"() ({
      %run_scoped3A_1108 = tpu.sem_alloc : memref<!tpu.dma_semaphore, #tpu.memory_space<semaphore_mem>>
      %dma_start3A_1109 = arith.constant 0 : i32
      %dma_start3A_1110 = tpu.memref_slice %arg18[%arg1, %dma_start3A_1109] : memref<16x16xi32, #tpu.memory_space<vmem_shared>> -> memref<1x16xi32, #tpu.memory_space<vmem_shared>>
      %dma_start3A_1111 = tpu.memref_squeeze %dma_start3A_1110 : memref<1x16xi32, #tpu.memory_space<vmem_shared>> -> memref<16xi32, #tpu.memory_space<vmem_shared>>
      %dma_start3A_1112 = arith.constant 0 : i32
      %dma_start3A_1113 = tpu.memref_slice %arg18[%arg1, %dma_start3A_1112] : memref<16x16xi32, #tpu.memory_space<vmem_shared>> -> memref<1x16xi32, #tpu.memory_space<vmem_shared>>
      %dma_start3A_1114 = tpu.memref_squeeze %dma_start3A_1113 : memref<1x16xi32, #tpu.memory_space<vmem_shared>> -> memref<16xi32, #tpu.memory_space<vmem_shared>>
      tpu.enqueue_dma source(%arg14 : memref<16xi32, #tpu.memory_space<vmem>>) target(%dma_start3A_1114 : memref<16xi32, #tpu.memory_space<vmem_shared>>) target_semaphore(%run_scoped3A_1108 : memref<!tpu.dma_semaphore, #tpu.memory_space<semaphore_mem>>)
      %dma_wait3A_1115 = arith.constant 0 : i32
      %dma_wait3A_1116 = tpu.memref_slice %arg18[%arg1, %dma_wait3A_1115] : memref<16x16xi32, #tpu.memory_space<vmem_shared>> -> memref<1x16xi32, #tpu.memory_space<vmem_shared>>
      %dma_wait3A_1117 = tpu.memref_squeeze %dma_wait3A_1116 : memref<1x16xi32, #tpu.memory_space<vmem_shared>> -> memref<16xi32, #tpu.memory_space<vmem_shared>>
      %dma_wait3A_1118 = arith.constant 0 : i32
      %dma_wait3A_1119 = tpu.memref_slice %arg18[%arg1, %dma_wait3A_1118] : memref<16x16xi32, #tpu.memory_space<vmem_shared>> -> memref<1x16xi32, #tpu.memory_space<vmem_shared>>
      %dma_wait3A_1120 = tpu.memref_squeeze %dma_wait3A_1119 : memref<1x16xi32, #tpu.memory_space<vmem_shared>> -> memref<16xi32, #tpu.memory_space<vmem_shared>>
      tpu.wait_dma2 semaphore(%run_scoped3A_1108 : memref<!tpu.dma_semaphore, #tpu.memory_space<semaphore_mem>>) src(%arg14 : memref<16xi32, #tpu.memory_space<vmem>>) dst(%dma_wait3A_1120 : memref<16xi32, #tpu.memory_space<vmem_shared>>)
      tpu.yield
    }) : () -> ()
    %barrier3A = arith.constant 0 : index
    tpu.barrier barrier_id(%barrier3A)
    "tpu.region"() ({
      %run_scoped3A_1108 = tpu.sem_alloc : memref<!tpu.dma_semaphore, #tpu.memory_space<semaphore_mem>>
      tpu.enqueue_dma source(%arg18 : memref<16x16xi32, #tpu.memory_space<vmem_shared>>) target(%arg15 : memref<16x16xi32, #tpu.memory_space<vmem>>) target_semaphore(%run_scoped3A_1108 : memref<!tpu.dma_semaphore, #tpu.memory_space<semaphore_mem>>)
      tpu.wait_dma2 semaphore(%run_scoped3A_1108 : memref<!tpu.dma_semaphore, #tpu.memory_space<semaphore_mem>>) src(%arg18 : memref<16x16xi32, #tpu.memory_space<vmem_shared>>) dst(%arg15 : memref<16x16xi32, #tpu.memory_space<vmem>>)
      tpu.yield
    }) : () -> ()
    %broadcast_in_dim3A_22 = arith.constant 0 : i32
    %broadcast_in_dim3A_23 = vector.broadcast %broadcast_in_dim3A_22 : i32 to vector<16xi32>
    %add3A = arith.constant 0 : i32
    %add3A_24 = vector.broadcast %add3A : i32 to vector<16xi32>
    %add3A_25 = arith.addi %broadcast_in_dim3A_23, %add3A_24 : vector<16xi32>
    %gather3A = tpu.vector_load_idx %arg15[%iota3A, %add3A_25] : memref<16x16xi32, #tpu.memory_space<vmem>>[vector<16xi32>, vector<16xi32>], vector<16xi32>,
    %broadcast_in_dim3A_26 = arith.constant 0 : i32
    %broadcast_in_dim3A_27 = vector.broadcast %broadcast_in_dim3A_26 : i32 to vector<16xi32>
    %add3A_28 = arith.constant 1 : i32
    %add3A_29 = vector.broadcast %add3A_28 : i32 to vector<16xi32>
    %add3A_30 = arith.addi %broadcast_in_dim3A_27, %add3A_29 : vector<16xi32>
    %gather3A_31 = tpu.vector_load_idx %arg15[%iota3A, %add3A_30] : memref<16x16xi32, #tpu.memory_space<vmem>>[vector<16xi32>, vector<16xi32>], vector<16xi32>,
    %lt3A = vector.broadcast %arg1 : i32 to vector<16xi32>
    %lt3A_32 = arith.cmpi slt, %iota3A, %lt3A : vector<16xi32>
    %jit3A_33 = arith.constant 0 : i32
    %broadcast_in_dim3A_34 = vector.broadcast %jit3A_33 : i32 to vector<16xi32>
    %select_n3A_35 = arith.select %lt3A_32, %gather3A, %broadcast_in_dim3A_34 : vector<16xi1>, vector<16xi32>
    %reduce_sum3A = arith.constant true
    %reduce_sum3A_36 = vector.broadcast %reduce_sum3A : i1 to vector<16xi1>
    %reduce_sum3A_37 = tpu.scan <sum>, %select_n3A_35 masked %reduce_sum3A_36 : vector<16xi32>, vector<16xi1> -> vector<16xi32>
    %reduce_sum3A_38 = vector.extract %reduce_sum3A_37[15] : i32 from vector<16xi32>
    %jit3A_39 = arith.constant 0 : i32
    %broadcast_in_dim3A_40 = vector.broadcast %jit3A_39 : i32 to vector<16xi32>
    %select_n3A_41 = arith.select %lt3A_32, %gather3A_31, %broadcast_in_dim3A_40 : vector<16xi1>, vector<16xi32>
    %reduce_sum3A_42 = arith.constant true
    %reduce_sum3A_43 = vector.broadcast %reduce_sum3A_42 : i1 to vector<16xi1>
    %reduce_sum3A_44 = tpu.scan <sum>, %select_n3A_41 masked %reduce_sum3A_43 : vector<16xi32>, vector<16xi1> -> vector<16xi32>
    %reduce_sum3A_45 = vector.extract %reduce_sum3A_44[15] : i32 from vector<16xi32>
    %reduce_sum3A_46 = arith.constant true
    %reduce_sum3A_47 = vector.broadcast %reduce_sum3A_46 : i1 to vector<16xi1>
    %reduce_sum3A_48 = tpu.scan <sum>, %gather3A masked %reduce_sum3A_47 : vector<16xi32>, vector<16xi1> -> vector<16xi32>
    %reduce_sum3A_49 = vector.extract %reduce_sum3A_48[15] : i32 from vector<16xi32>
    %scan3A_50 = arith.constant 0 : i32
    %scan3A_51 = arith.constant 80 : i32
    %scan3A_52 = arith.addi %scan3A_50, %scan3A_51 : i32
    %scan3A_53 = arith.constant 1 : i32
    scf.for %scan3A_1108 = %scan3A_50 to %scan3A_52 step %scan3A_53  : i32 {
      %mul3A_1109 = arith.constant 1 : i32
      %mul3A_1110 = arith.muli %scan3A_1108, %mul3A_1109 : i32
      %add3A_1111 = arith.constant 0 : i32
      %add3A_1112 = arith.addi %add3A_1111, %mul3A_1110 : i32
      %mul3A_1113 = arith.constant 16 : i32
      %mul3A_1114 = arith.muli %mul3A_1113, %add3A_1112 : i32
      %get3A = arith.index_cast %mul3A_1114 : i32 to index
      %get3A_1115 = tpu.vector_load %arg6[%get3A] {strides = array<i32>} : memref<1280xi32, #tpu.memory_space<vmem>>, vector<16xi32>,
      %add3A_1116 = vector.broadcast %reduce_sum3A_38 : i32 to vector<16xi32>
      %add3A_1117 = arith.addi %get3A_1115, %add3A_1116 : vector<16xi32>
      %swap3A_1118 = arith.index_cast %mul3A_1114 : i32 to index
      %swap3A_1119 = tpu.vector_load %arg6[%swap3A_1118] {strides = array<i32>} : memref<1280xi32, #tpu.memory_space<vmem>>, vector<16xi32>,
      tpu.vector_store %arg6[%swap3A_1118], %add3A_1117 {strides = array<i32>} : memref<1280xi32, #tpu.memory_space<vmem>>, vector<16xi32>,
      %get3A_1120 = arith.index_cast %mul3A_1114 : i32 to index
      %get3A_1121 = tpu.vector_load %arg5[%get3A_1120] {strides = array<i32>} : memref<1280xi32, #tpu.memory_space<vmem>>, vector<16xi32>,
      %and3A_1122 = arith.constant 65535 : i32
      %and3A_1123 = vector.broadcast %and3A_1122 : i32 to vector<16xi32>
      %and3A_1124 = arith.andi %get3A_1121, %and3A_1123 : vector<16xi32>
      %get3A_1125 = arith.index_cast %mul3A_1114 : i32 to index
      %get3A_1126 = tpu.vector_load %arg7[%get3A_1125] {strides = array<i32>} : memref<1280xi32, #tpu.memory_space<vmem>>, vector<16xi32>,
      %add3A_1127 = vector.broadcast %reduce_sum3A_45 : i32 to vector<16xi32>
      %add3A_1128 = arith.addi %get3A_1126, %add3A_1127 : vector<16xi32>
      %shift_left3A = arith.constant 16 : i32
      %shift_left3A_1129 = vector.broadcast %shift_left3A : i32 to vector<16xi32>
      %shift_left3A_1130 = arith.shli %add3A_1128, %shift_left3A_1129 : vector<16xi32>
      %add3A_1131 = arith.addi %and3A_1124, %shift_left3A_1130 : vector<16xi32>
      %swap3A_1132 = arith.index_cast %mul3A_1114 : i32 to index
      %swap3A_1133 = tpu.vector_load %arg5[%swap3A_1132] {strides = array<i32>} : memref<1280xi32, #tpu.memory_space<vmem>>, vector<16xi32>,
      tpu.vector_store %arg5[%swap3A_1132], %add3A_1131 {strides = array<i32>} : memref<1280xi32, #tpu.memory_space<vmem>>, vector<16xi32>,
    }
    %scan3A_54 = arith.constant 80 : i32
    "tpu.region"() ({
      %run_scoped3A_1108 = tpu.sem_alloc : memref<!tpu.dma_semaphore, #tpu.memory_space<semaphore_mem>>
      %dma_start3A_1109 = arith.constant 0 : i32
      %dma_start3A_1110 = tpu.memref_slice %arg6[%dma_start3A_1109] : memref<1280xi32, #tpu.memory_space<vmem>> -> memref<1248xi32, #tpu.memory_space<vmem>>
      %dma_start3A_1111 = tpu.memref_slice %arg16[%mul3A_0] : memref<20000xi32, #tpu.memory_space<vmem_shared>> -> memref<1248xi32, #tpu.memory_space<vmem_shared>>
      %dma_start3A_1112 = tpu.memref_slice %arg16[%mul3A_0] : memref<20000xi32, #tpu.memory_space<vmem_shared>> -> memref<1248xi32, #tpu.memory_space<vmem_shared>>
      %dma_start3A_1113 = arith.constant 0 : i32
      %dma_start3A_1114 = tpu.memref_slice %arg6[%dma_start3A_1113] : memref<1280xi32, #tpu.memory_space<vmem>> -> memref<1248xi32, #tpu.memory_space<vmem>>
      tpu.enqueue_dma source(%dma_start3A_1114 : memref<1248xi32, #tpu.memory_space<vmem>>) target(%dma_start3A_1112 : memref<1248xi32, #tpu.memory_space<vmem_shared>>) target_semaphore(%run_scoped3A_1108 : memref<!tpu.dma_semaphore, #tpu.memory_space<semaphore_mem>>)
      %dma_wait3A_1115 = arith.constant 0 : i32
      %dma_wait3A_1116 = tpu.memref_slice %arg6[%dma_wait3A_1115] : memref<1280xi32, #tpu.memory_space<vmem>> -> memref<1248xi32, #tpu.memory_space<vmem>>
      %dma_wait3A_1117 = tpu.memref_slice %arg16[%mul3A_0] : memref<20000xi32, #tpu.memory_space<vmem_shared>> -> memref<1248xi32, #tpu.memory_space<vmem_shared>>
      %dma_wait3A_1118 = tpu.memref_slice %arg16[%mul3A_0] : memref<20000xi32, #tpu.memory_space<vmem_shared>> -> memref<1248xi32, #tpu.memory_space<vmem_shared>>
      %dma_wait3A_1119 = arith.constant 0 : i32
      %dma_wait3A_1120 = tpu.memref_slice %arg6[%dma_wait3A_1119] : memref<1280xi32, #tpu.memory_space<vmem>> -> memref<1248xi32, #tpu.memory_space<vmem>>
      tpu.wait_dma2 semaphore(%run_scoped3A_1108 : memref<!tpu.dma_semaphore, #tpu.memory_space<semaphore_mem>>) src(%dma_wait3A_1120 : memref<1248xi32, #tpu.memory_space<vmem>>) dst(%dma_wait3A_1118 : memref<1248xi32, #tpu.memory_space<vmem_shared>>)
      tpu.yield
    }) : () -> ()
    "tpu.region"() ({
      %run_scoped3A_1108 = tpu.sem_alloc : memref<!tpu.dma_semaphore, #tpu.memory_space<semaphore_mem>>
      %dma_start3A_1109 = arith.constant 0 : i32
      %dma_start3A_1110 = tpu.memref_slice %arg5[%dma_start3A_1109] : memref<1280xi32, #tpu.memory_space<vmem>> -> memref<1248xi32, #tpu.memory_space<vmem>>
      %dma_start3A_1111 = tpu.memref_slice %arg17[%mul3A_0] : memref<20000xi32, #tpu.memory_space<vmem_shared>> -> memref<1248xi32, #tpu.memory_space<vmem_shared>>
      %dma_start3A_1112 = tpu.memref_slice %arg17[%mul3A_0] : memref<20000xi32, #tpu.memory_space<vmem_shared>> -> memref<1248xi32, #tpu.memory_space<vmem_shared>>
      %dma_start3A_1113 = arith.constant 0 : i32
      %dma_start3A_1114 = tpu.memref_slice %arg5[%dma_start3A_1113] : memref<1280xi32, #tpu.memory_space<vmem>> -> memref<1248xi32, #tpu.memory_space<vmem>>
      tpu.enqueue_dma source(%dma_start3A_1114 : memref<1248xi32, #tpu.memory_space<vmem>>) target(%dma_start3A_1112 : memref<1248xi32, #tpu.memory_space<vmem_shared>>) target_semaphore(%run_scoped3A_1108 : memref<!tpu.dma_semaphore, #tpu.memory_space<semaphore_mem>>)
      %dma_wait3A_1115 = arith.constant 0 : i32
      %dma_wait3A_1116 = tpu.memref_slice %arg5[%dma_wait3A_1115] : memref<1280xi32, #tpu.memory_space<vmem>> -> memref<1248xi32, #tpu.memory_space<vmem>>
      %dma_wait3A_1117 = tpu.memref_slice %arg17[%mul3A_0] : memref<20000xi32, #tpu.memory_space<vmem_shared>> -> memref<1248xi32, #tpu.memory_space<vmem_shared>>
      %dma_wait3A_1118 = tpu.memref_slice %arg17[%mul3A_0] : memref<20000xi32, #tpu.memory_space<vmem_shared>> -> memref<1248xi32, #tpu.memory_space<vmem_shared>>
      %dma_wait3A_1119 = arith.constant 0 : i32
      %dma_wait3A_1120 = tpu.memref_slice %arg5[%dma_wait3A_1119] : memref<1280xi32, #tpu.memory_space<vmem>> -> memref<1248xi32, #tpu.memory_space<vmem>>
      tpu.wait_dma2 semaphore(%run_scoped3A_1108 : memref<!tpu.dma_semaphore, #tpu.memory_space<semaphore_mem>>) src(%dma_wait3A_1120 : memref<1248xi32, #tpu.memory_space<vmem>>) dst(%dma_wait3A_1118 : memref<1248xi32, #tpu.memory_space<vmem_shared>>)
      tpu.yield
    }) : () -> ()
    %eq3A_55 = arith.constant 15 : i32
    %eq3A_56 = arith.cmpi eq, %arg1, %eq3A_55 : i32
    %convert_element_type3A = arith.extui %eq3A_56 : i1 to i32
    %cond3A = arith.constant 0 : i32
    %cond3A_57 = arith.cmpi ne, %convert_element_type3A, %cond3A : i32
    scf.if %cond3A_57 {
      "tpu.region"() ({
        %run_scoped3A_1108 = tpu.sem_alloc : memref<!tpu.dma_semaphore, #tpu.memory_space<semaphore_mem>>
        %dma_start3A_1109 = arith.constant 1248 : i32
        %dma_start3A_1110 = tpu.memref_slice %arg6[%dma_start3A_1109] : memref<1280xi32, #tpu.memory_space<vmem>> -> memref<32xi32, #tpu.memory_space<vmem>>
        %dma_start3A_1111 = arith.constant 19968 : i32
        %dma_start3A_1112 = tpu.memref_slice %arg16[%dma_start3A_1111] : memref<20000xi32, #tpu.memory_space<vmem_shared>> -> memref<32xi32, #tpu.memory_space<vmem_shared>>
        %dma_start3A_1113 = arith.constant 19968 : i32
        %dma_start3A_1114 = tpu.memref_slice %arg16[%dma_start3A_1113] : memref<20000xi32, #tpu.memory_space<vmem_shared>> -> memref<32xi32, #tpu.memory_space<vmem_shared>>
        %dma_start3A_1115 = arith.constant 1248 : i32
        %dma_start3A_1116 = tpu.memref_slice %arg6[%dma_start3A_1115] : memref<1280xi32, #tpu.memory_space<vmem>> -> memref<32xi32, #tpu.memory_space<vmem>>
        tpu.enqueue_dma source(%dma_start3A_1116 : memref<32xi32, #tpu.memory_space<vmem>>) target(%dma_start3A_1114 : memref<32xi32, #tpu.memory_space<vmem_shared>>) target_semaphore(%run_scoped3A_1108 : memref<!tpu.dma_semaphore, #tpu.memory_space<semaphore_mem>>)
        %dma_wait3A_1117 = arith.constant 1248 : i32
        %dma_wait3A_1118 = tpu.memref_slice %arg6[%dma_wait3A_1117] : memref<1280xi32, #tpu.memory_space<vmem>> -> memref<32xi32, #tpu.memory_space<vmem>>
        %dma_wait3A_1119 = arith.constant 19968 : i32
        %dma_wait3A_1120 = tpu.memref_slice %arg16[%dma_wait3A_1119] : memref<20000xi32, #tpu.memory_space<vmem_shared>> -> memref<32xi32, #tpu.memory_space<vmem_shared>>
        %dma_wait3A_1121 = arith.constant 19968 : i32
        %dma_wait3A_1122 = tpu.memref_slice %arg16[%dma_wait3A_1121] : memref<20000xi32, #tpu.memory_space<vmem_shared>> -> memref<32xi32, #tpu.memory_space<vmem_shared>>
        %dma_wait3A_1123 = arith.constant 1248 : i32
        %dma_wait3A_1124 = tpu.memref_slice %arg6[%dma_wait3A_1123] : memref<1280xi32, #tpu.memory_space<vmem>> -> memref<32xi32, #tpu.memory_space<vmem>>
        tpu.wait_dma2 semaphore(%run_scoped3A_1108 : memref<!tpu.dma_semaphore, #tpu.memory_space<semaphore_mem>>) src(%dma_wait3A_1124 : memref<32xi32, #tpu.memory_space<vmem>>) dst(%dma_wait3A_1122 : memref<32xi32, #tpu.memory_space<vmem_shared>>)
        tpu.yield
      }) : () -> ()
      "tpu.region"() ({
        %run_scoped3A_1108 = tpu.sem_alloc : memref<!tpu.dma_semaphore, #tpu.memory_space<semaphore_mem>>
        %dma_start3A_1109 = arith.constant 1248 : i32
        %dma_start3A_1110 = tpu.memref_slice %arg5[%dma_start3A_1109] : memref<1280xi32, #tpu.memory_space<vmem>> -> memref<32xi32, #tpu.memory_space<vmem>>
        %dma_start3A_1111 = arith.constant 19968 : i32
        %dma_start3A_1112 = tpu.memref_slice %arg17[%dma_start3A_1111] : memref<20000xi32, #tpu.memory_space<vmem_shared>> -> memref<32xi32, #tpu.memory_space<vmem_shared>>
        %dma_start3A_1113 = arith.constant 19968 : i32
        %dma_start3A_1114 = tpu.memref_slice %arg17[%dma_start3A_1113] : memref<20000xi32, #tpu.memory_space<vmem_shared>> -> memref<32xi32, #tpu.memory_space<vmem_shared>>
        %dma_start3A_1115 = arith.constant 1248 : i32
        %dma_start3A_1116 = tpu.memref_slice %arg5[%dma_start3A_1115] : memref<1280xi32, #tpu.memory_space<vmem>> -> memref<32xi32, #tpu.memory_space<vmem>>
        tpu.enqueue_dma source(%dma_start3A_1116 : memref<32xi32, #tpu.memory_space<vmem>>) target(%dma_start3A_1114 : memref<32xi32, #tpu.memory_space<vmem_shared>>) target_semaphore(%run_scoped3A_1108 : memref<!tpu.dma_semaphore, #tpu.memory_space<semaphore_mem>>)
        %dma_wait3A_1117 = arith.constant 1248 : i32
        %dma_wait3A_1118 = tpu.memref_slice %arg5[%dma_wait3A_1117] : memref<1280xi32, #tpu.memory_space<vmem>> -> memref<32xi32, #tpu.memory_space<vmem>>
        %dma_wait3A_1119 = arith.constant 19968 : i32
        %dma_wait3A_1120 = tpu.memref_slice %arg17[%dma_wait3A_1119] : memref<20000xi32, #tpu.memory_space<vmem_shared>> -> memref<32xi32, #tpu.memory_space<vmem_shared>>
        %dma_wait3A_1121 = arith.constant 19968 : i32
        %dma_wait3A_1122 = tpu.memref_slice %arg17[%dma_wait3A_1121] : memref<20000xi32, #tpu.memory_space<vmem_shared>> -> memref<32xi32, #tpu.memory_space<vmem_shared>>
        %dma_wait3A_1123 = arith.constant 1248 : i32
        %dma_wait3A_1124 = tpu.memref_slice %arg5[%dma_wait3A_1123] : memref<1280xi32, #tpu.memory_space<vmem>> -> memref<32xi32, #tpu.memory_space<vmem>>
        tpu.wait_dma2 semaphore(%run_scoped3A_1108 : memref<!tpu.dma_semaphore, #tpu.memory_space<semaphore_mem>>) src(%dma_wait3A_1124 : memref<32xi32, #tpu.memory_space<vmem>>) dst(%dma_wait3A_1122 : memref<32xi32, #tpu.memory_space<vmem_shared>>)
        tpu.yield
      }) : () -> ()
    } else {
    }
    %barrier3A_58 = arith.constant 0 : index
    tpu.barrier barrier_id(%barrier3A_58)
    "tpu.region"() ({
      %run_scoped3A_1108 = tpu.sem_alloc : memref<!tpu.dma_semaphore, #tpu.memory_space<semaphore_mem>>
      tpu.enqueue_dma source(%arg16 : memref<20000xi32, #tpu.memory_space<vmem_shared>>) target(%arg8 : memref<20000xi32, #tpu.memory_space<vmem>>) target_semaphore(%run_scoped3A_1108 : memref<!tpu.dma_semaphore, #tpu.memory_space<semaphore_mem>>)
      tpu.wait_dma2 semaphore(%run_scoped3A_1108 : memref<!tpu.dma_semaphore, #tpu.memory_space<semaphore_mem>>) src(%arg16 : memref<20000xi32, #tpu.memory_space<vmem_shared>>) dst(%arg8 : memref<20000xi32, #tpu.memory_space<vmem>>)
      tpu.yield
    }) : () -> ()
    "tpu.region"() ({
      %run_scoped3A_1108 = tpu.sem_alloc : memref<!tpu.dma_semaphore, #tpu.memory_space<semaphore_mem>>
      tpu.enqueue_dma source(%arg17 : memref<20000xi32, #tpu.memory_space<vmem_shared>>) target(%arg9 : memref<20000xi32, #tpu.memory_space<vmem>>) target_semaphore(%run_scoped3A_1108 : memref<!tpu.dma_semaphore, #tpu.memory_space<semaphore_mem>>)
      tpu.wait_dma2 semaphore(%run_scoped3A_1108 : memref<!tpu.dma_semaphore, #tpu.memory_space<semaphore_mem>>) src(%arg17 : memref<20000xi32, #tpu.memory_space<vmem_shared>>) dst(%arg9 : memref<20000xi32, #tpu.memory_space<vmem>>)
      tpu.yield
    }) : () -> ()
    %mul3A_59 = arith.constant 16 : i32
    %mul3A_60 = arith.muli %mul3A_59, %arg1 : i32
    %add3A_61 = vector.broadcast %mul3A_60 : i32 to vector<16xi32>
    %add3A_62 = arith.addi %add3A_61, %iota3A : vector<16xi32>
    %broadcast_in_dim3A_63 = arith.constant 0 : i32
    %broadcast_in_dim3A_64 = vector.broadcast %broadcast_in_dim3A_63 : i32 to vector<16xi32>
    %broadcast_in_dim3A_65 = arith.constant 0 : i32
    %broadcast_in_dim3A_66 = vector.broadcast %broadcast_in_dim3A_65 : i32 to vector<16xi32>
    %add3A_67 = arith.constant 20000 : i32
    %add3A_68 = vector.broadcast %add3A_67 : i32 to vector<16xi32>
    %add3A_69 = arith.addi %broadcast_in_dim3A_66, %add3A_68 : vector<16xi32>
    %broadcast_in_dim3A_70 = arith.constant 0 : i32
    %broadcast_in_dim3A_71 = vector.broadcast %broadcast_in_dim3A_70 : i32 to vector<16xi32>
    %add3A_72 = arith.constant 19999 : i32
    %add3A_73 = vector.broadcast %add3A_72 : i32 to vector<16xi32>
    %add3A_74 = arith.addi %broadcast_in_dim3A_71, %add3A_73 : vector<16xi32>
    %add3A_75 = arith.addi %broadcast_in_dim3A_64, %add3A_69 : vector<16xi32>
    %shift_right_logical3A = arith.constant 1 : i32
    %shift_right_logical3A_76 = vector.broadcast %shift_right_logical3A : i32 to vector<16xi32>
    %shift_right_logical3A_77 = arith.shrui %add3A_75, %shift_right_logical3A_76 : vector<16xi32>
    %min3A = arith.minsi %shift_right_logical3A_77, %add3A_74 : vector<16xi32>
    %gather3A_78 = tpu.vector_load_idx %arg8[%min3A] : memref<20000xi32, #tpu.memory_space<vmem>>[vector<16xi32>], vector<16xi32>,
    %gt3A = arith.cmpi sgt, %gather3A_78, %add3A_62 : vector<16xi32>
    %select_n3A_79 = arith.select %gt3A, %min3A, %add3A_69 : vector<16xi1>, vector<16xi32>
    %add3A_80 = arith.constant 1 : i32
    %add3A_81 = vector.broadcast %add3A_80 : i32 to vector<16xi32>
    %add3A_82 = arith.addi %min3A, %add3A_81 : vector<16xi32>
    %select_n3A_83 = arith.select %gt3A, %broadcast_in_dim3A_64, %add3A_82 : vector<16xi1>, vector<16xi32>
    %add3A_84 = arith.addi %select_n3A_83, %select_n3A_79 : vector<16xi32>
    %shift_right_logical3A_85 = arith.constant 1 : i32
    %shift_right_logical3A_86 = vector.broadcast %shift_right_logical3A_85 : i32 to vector<16xi32>
    %shift_right_logical3A_87 = arith.shrui %add3A_84, %shift_right_logical3A_86 : vector<16xi32>
    %min3A_88 = arith.minsi %shift_right_logical3A_87, %add3A_74 : vector<16xi32>
    %gather3A_89 = tpu.vector_load_idx %arg8[%min3A_88] : memref<20000xi32, #tpu.memory_space<vmem>>[vector<16xi32>], vector<16xi32>,
    %gt3A_90 = arith.cmpi sgt, %gather3A_89, %add3A_62 : vector<16xi32>
    %select_n3A_91 = arith.select %gt3A_90, %min3A_88, %select_n3A_79 : vector<16xi1>, vector<16xi32>
    %add3A_92 = arith.constant 1 : i32
    %add3A_93 = vector.broadcast %add3A_92 : i32 to vector<16xi32>
    %add3A_94 = arith.addi %min3A_88, %add3A_93 : vector<16xi32>
    %select_n3A_95 = arith.select %gt3A_90, %select_n3A_83, %add3A_94 : vector<16xi1>, vector<16xi32>
    %add3A_96 = arith.addi %select_n3A_95, %select_n3A_91 : vector<16xi32>
    %shift_right_logical3A_97 = arith.constant 1 : i32
    %shift_right_logical3A_98 = vector.broadcast %shift_right_logical3A_97 : i32 to vector<16xi32>
    %shift_right_logical3A_99 = arith.shrui %add3A_96, %shift_right_logical3A_98 : vector<16xi32>
    %min3A_100 = arith.minsi %shift_right_logical3A_99, %add3A_74 : vector<16xi32>
    %gather3A_101 = tpu.vector_load_idx %arg8[%min3A_100] : memref<20000xi32, #tpu.memory_space<vmem>>[vector<16xi32>], vector<16xi32>,
    %gt3A_102 = arith.cmpi sgt, %gather3A_101, %add3A_62 : vector<16xi32>
    %select_n3A_103 = arith.select %gt3A_102, %min3A_100, %select_n3A_91 : vector<16xi1>, vector<16xi32>
    %add3A_104 = arith.constant 1 : i32
    %add3A_105 = vector.broadcast %add3A_104 : i32 to vector<16xi32>
    %add3A_106 = arith.addi %min3A_100, %add3A_105 : vector<16xi32>
    %select_n3A_107 = arith.select %gt3A_102, %select_n3A_95, %add3A_106 : vector<16xi1>, vector<16xi32>
    %add3A_108 = arith.addi %select_n3A_107, %select_n3A_103 : vector<16xi32>
    %shift_right_logical3A_109 = arith.constant 1 : i32
    %shift_right_logical3A_110 = vector.broadcast %shift_right_logical3A_109 : i32 to vector<16xi32>
    %shift_right_logical3A_111 = arith.shrui %add3A_108, %shift_right_logical3A_110 : vector<16xi32>
    %min3A_112 = arith.minsi %shift_right_logical3A_111, %add3A_74 : vector<16xi32>
    %gather3A_113 = tpu.vector_load_idx %arg8[%min3A_112] : memref<20000xi32, #tpu.memory_space<vmem>>[vector<16xi32>], vector<16xi32>,
    %gt3A_114 = arith.cmpi sgt, %gather3A_113, %add3A_62 : vector<16xi32>
    %select_n3A_115 = arith.select %gt3A_114, %min3A_112, %select_n3A_103 : vector<16xi1>, vector<16xi32>
    %add3A_116 = arith.constant 1 : i32
    %add3A_117 = vector.broadcast %add3A_116 : i32 to vector<16xi32>
    %add3A_118 = arith.addi %min3A_112, %add3A_117 : vector<16xi32>
    %select_n3A_119 = arith.select %gt3A_114, %select_n3A_107, %add3A_118 : vector<16xi1>, vector<16xi32>
    %add3A_120 = arith.addi %select_n3A_119, %select_n3A_115 : vector<16xi32>
    %shift_right_logical3A_121 = arith.constant 1 : i32
    %shift_right_logical3A_122 = vector.broadcast %shift_right_logical3A_121 : i32 to vector<16xi32>
    %shift_right_logical3A_123 = arith.shrui %add3A_120, %shift_right_logical3A_122 : vector<16xi32>
    %min3A_124 = arith.minsi %shift_right_logical3A_123, %add3A_74 : vector<16xi32>
    %gather3A_125 = tpu.vector_load_idx %arg8[%min3A_124] : memref<20000xi32, #tpu.memory_space<vmem>>[vector<16xi32>], vector<16xi32>,
    %gt3A_126 = arith.cmpi sgt, %gather3A_125, %add3A_62 : vector<16xi32>
    %select_n3A_127 = arith.select %gt3A_126, %min3A_124, %select_n3A_115 : vector<16xi1>, vector<16xi32>
    %add3A_128 = arith.constant 1 : i32
    %add3A_129 = vector.broadcast %add3A_128 : i32 to vector<16xi32>
    %add3A_130 = arith.addi %min3A_124, %add3A_129 : vector<16xi32>
    %select_n3A_131 = arith.select %gt3A_126, %select_n3A_119, %add3A_130 : vector<16xi1>, vector<16xi32>
    %add3A_132 = arith.addi %select_n3A_131, %select_n3A_127 : vector<16xi32>
    %shift_right_logical3A_133 = arith.constant 1 : i32
    %shift_right_logical3A_134 = vector.broadcast %shift_right_logical3A_133 : i32 to vector<16xi32>
    %shift_right_logical3A_135 = arith.shrui %add3A_132, %shift_right_logical3A_134 : vector<16xi32>
    %min3A_136 = arith.minsi %shift_right_logical3A_135, %add3A_74 : vector<16xi32>
    %gather3A_137 = tpu.vector_load_idx %arg8[%min3A_136] : memref<20000xi32, #tpu.memory_space<vmem>>[vector<16xi32>], vector<16xi32>,
    %gt3A_138 = arith.cmpi sgt, %gather3A_137, %add3A_62 : vector<16xi32>
    %select_n3A_139 = arith.select %gt3A_138, %min3A_136, %select_n3A_127 : vector<16xi1>, vector<16xi32>
    %add3A_140 = arith.constant 1 : i32
    %add3A_141 = vector.broadcast %add3A_140 : i32 to vector<16xi32>
    %add3A_142 = arith.addi %min3A_136, %add3A_141 : vector<16xi32>
    %select_n3A_143 = arith.select %gt3A_138, %select_n3A_131, %add3A_142 : vector<16xi1>, vector<16xi32>
    %add3A_144 = arith.addi %select_n3A_143, %select_n3A_139 : vector<16xi32>
    %shift_right_logical3A_145 = arith.constant 1 : i32
    %shift_right_logical3A_146 = vector.broadcast %shift_right_logical3A_145 : i32 to vector<16xi32>
    %shift_right_logical3A_147 = arith.shrui %add3A_144, %shift_right_logical3A_146 : vector<16xi32>
    %min3A_148 = arith.minsi %shift_right_logical3A_147, %add3A_74 : vector<16xi32>
    %gather3A_149 = tpu.vector_load_idx %arg8[%min3A_148] : memref<20000xi32, #tpu.memory_space<vmem>>[vector<16xi32>], vector<16xi32>,
    %gt3A_150 = arith.cmpi sgt, %gather3A_149, %add3A_62 : vector<16xi32>
    %select_n3A_151 = arith.select %gt3A_150, %min3A_148, %select_n3A_139 : vector<16xi1>, vector<16xi32>
    %add3A_152 = arith.constant 1 : i32
    %add3A_153 = vector.broadcast %add3A_152 : i32 to vector<16xi32>
    %add3A_154 = arith.addi %min3A_148, %add3A_153 : vector<16xi32>
    %select_n3A_155 = arith.select %gt3A_150, %select_n3A_143, %add3A_154 : vector<16xi1>, vector<16xi32>
    %add3A_156 = arith.addi %select_n3A_155, %select_n3A_151 : vector<16xi32>
    %shift_right_logical3A_157 = arith.constant 1 : i32
    %shift_right_logical3A_158 = vector.broadcast %shift_right_logical3A_157 : i32 to vector<16xi32>
    %shift_right_logical3A_159 = arith.shrui %add3A_156, %shift_right_logical3A_158 : vector<16xi32>
    %min3A_160 = arith.minsi %shift_right_logical3A_159, %add3A_74 : vector<16xi32>
    %gather3A_161 = tpu.vector_load_idx %arg8[%min3A_160] : memref<20000xi32, #tpu.memory_space<vmem>>[vector<16xi32>], vector<16xi32>,
    %gt3A_162 = arith.cmpi sgt, %gather3A_161, %add3A_62 : vector<16xi32>
    %select_n3A_163 = arith.select %gt3A_162, %min3A_160, %select_n3A_151 : vector<16xi1>, vector<16xi32>
    %add3A_164 = arith.constant 1 : i32
    %add3A_165 = vector.broadcast %add3A_164 : i32 to vector<16xi32>
    %add3A_166 = arith.addi %min3A_160, %add3A_165 : vector<16xi32>
    %select_n3A_167 = arith.select %gt3A_162, %select_n3A_155, %add3A_166 : vector<16xi1>, vector<16xi32>
    %add3A_168 = arith.addi %select_n3A_167, %select_n3A_163 : vector<16xi32>
    %shift_right_logical3A_169 = arith.constant 1 : i32
    %shift_right_logical3A_170 = vector.broadcast %shift_right_logical3A_169 : i32 to vector<16xi32>
    %shift_right_logical3A_171 = arith.shrui %add3A_168, %shift_right_logical3A_170 : vector<16xi32>
    %min3A_172 = arith.minsi %shift_right_logical3A_171, %add3A_74 : vector<16xi32>
    %gather3A_173 = tpu.vector_load_idx %arg8[%min3A_172] : memref<20000xi32, #tpu.memory_space<vmem>>[vector<16xi32>], vector<16xi32>,
    %gt3A_174 = arith.cmpi sgt, %gather3A_173, %add3A_62 : vector<16xi32>
    %select_n3A_175 = arith.select %gt3A_174, %min3A_172, %select_n3A_163 : vector<16xi1>, vector<16xi32>
    %add3A_176 = arith.constant 1 : i32
    %add3A_177 = vector.broadcast %add3A_176 : i32 to vector<16xi32>
    %add3A_178 = arith.addi %min3A_172, %add3A_177 : vector<16xi32>
    %select_n3A_179 = arith.select %gt3A_174, %select_n3A_167, %add3A_178 : vector<16xi1>, vector<16xi32>
    %add3A_180 = arith.addi %select_n3A_179, %select_n3A_175 : vector<16xi32>
    %shift_right_logical3A_181 = arith.constant 1 : i32
    %shift_right_logical3A_182 = vector.broadcast %shift_right_logical3A_181 : i32 to vector<16xi32>
    %shift_right_logical3A_183 = arith.shrui %add3A_180, %shift_right_logical3A_182 : vector<16xi32>
    %min3A_184 = arith.minsi %shift_right_logical3A_183, %add3A_74 : vector<16xi32>
    %gather3A_185 = tpu.vector_load_idx %arg8[%min3A_184] : memref<20000xi32, #tpu.memory_space<vmem>>[vector<16xi32>], vector<16xi32>,
    %gt3A_186 = arith.cmpi sgt, %gather3A_185, %add3A_62 : vector<16xi32>
    %select_n3A_187 = arith.select %gt3A_186, %min3A_184, %select_n3A_175 : vector<16xi1>, vector<16xi32>
    %add3A_188 = arith.constant 1 : i32
    %add3A_189 = vector.broadcast %add3A_188 : i32 to vector<16xi32>
    %add3A_190 = arith.addi %min3A_184, %add3A_189 : vector<16xi32>
    %select_n3A_191 = arith.select %gt3A_186, %select_n3A_179, %add3A_190 : vector<16xi1>, vector<16xi32>
    %add3A_192 = arith.addi %select_n3A_191, %select_n3A_187 : vector<16xi32>
    %shift_right_logical3A_193 = arith.constant 1 : i32
    %shift_right_logical3A_194 = vector.broadcast %shift_right_logical3A_193 : i32 to vector<16xi32>
    %shift_right_logical3A_195 = arith.shrui %add3A_192, %shift_right_logical3A_194 : vector<16xi32>
    %min3A_196 = arith.minsi %shift_right_logical3A_195, %add3A_74 : vector<16xi32>
    %gather3A_197 = tpu.vector_load_idx %arg8[%min3A_196] : memref<20000xi32, #tpu.memory_space<vmem>>[vector<16xi32>], vector<16xi32>,
    %gt3A_198 = arith.cmpi sgt, %gather3A_197, %add3A_62 : vector<16xi32>
    %select_n3A_199 = arith.select %gt3A_198, %min3A_196, %select_n3A_187 : vector<16xi1>, vector<16xi32>
    %add3A_200 = arith.constant 1 : i32
    %add3A_201 = vector.broadcast %add3A_200 : i32 to vector<16xi32>
    %add3A_202 = arith.addi %min3A_196, %add3A_201 : vector<16xi32>
    %select_n3A_203 = arith.select %gt3A_198, %select_n3A_191, %add3A_202 : vector<16xi1>, vector<16xi32>
    %add3A_204 = arith.addi %select_n3A_203, %select_n3A_199 : vector<16xi32>
    %shift_right_logical3A_205 = arith.constant 1 : i32
    %shift_right_logical3A_206 = vector.broadcast %shift_right_logical3A_205 : i32 to vector<16xi32>
    %shift_right_logical3A_207 = arith.shrui %add3A_204, %shift_right_logical3A_206 : vector<16xi32>
    %min3A_208 = arith.minsi %shift_right_logical3A_207, %add3A_74 : vector<16xi32>
    %gather3A_209 = tpu.vector_load_idx %arg8[%min3A_208] : memref<20000xi32, #tpu.memory_space<vmem>>[vector<16xi32>], vector<16xi32>,
    %gt3A_210 = arith.cmpi sgt, %gather3A_209, %add3A_62 : vector<16xi32>
    %select_n3A_211 = arith.select %gt3A_210, %min3A_208, %select_n3A_199 : vector<16xi1>, vector<16xi32>
    %add3A_212 = arith.constant 1 : i32
    %add3A_213 = vector.broadcast %add3A_212 : i32 to vector<16xi32>
    %add3A_214 = arith.addi %min3A_208, %add3A_213 : vector<16xi32>
    %select_n3A_215 = arith.select %gt3A_210, %select_n3A_203, %add3A_214 : vector<16xi1>, vector<16xi32>
    %add3A_216 = arith.addi %select_n3A_215, %select_n3A_211 : vector<16xi32>
    %shift_right_logical3A_217 = arith.constant 1 : i32
    %shift_right_logical3A_218 = vector.broadcast %shift_right_logical3A_217 : i32 to vector<16xi32>
    %shift_right_logical3A_219 = arith.shrui %add3A_216, %shift_right_logical3A_218 : vector<16xi32>
    %min3A_220 = arith.minsi %shift_right_logical3A_219, %add3A_74 : vector<16xi32>
    %gather3A_221 = tpu.vector_load_idx %arg8[%min3A_220] : memref<20000xi32, #tpu.memory_space<vmem>>[vector<16xi32>], vector<16xi32>,
    %gt3A_222 = arith.cmpi sgt, %gather3A_221, %add3A_62 : vector<16xi32>
    %select_n3A_223 = arith.select %gt3A_222, %min3A_220, %select_n3A_211 : vector<16xi1>, vector<16xi32>
    %add3A_224 = arith.constant 1 : i32
    %add3A_225 = vector.broadcast %add3A_224 : i32 to vector<16xi32>
    %add3A_226 = arith.addi %min3A_220, %add3A_225 : vector<16xi32>
    %select_n3A_227 = arith.select %gt3A_222, %select_n3A_215, %add3A_226 : vector<16xi1>, vector<16xi32>
    %add3A_228 = arith.addi %select_n3A_227, %select_n3A_223 : vector<16xi32>
    %shift_right_logical3A_229 = arith.constant 1 : i32
    %shift_right_logical3A_230 = vector.broadcast %shift_right_logical3A_229 : i32 to vector<16xi32>
    %shift_right_logical3A_231 = arith.shrui %add3A_228, %shift_right_logical3A_230 : vector<16xi32>
    %min3A_232 = arith.minsi %shift_right_logical3A_231, %add3A_74 : vector<16xi32>
    %gather3A_233 = tpu.vector_load_idx %arg8[%min3A_232] : memref<20000xi32, #tpu.memory_space<vmem>>[vector<16xi32>], vector<16xi32>,
    %gt3A_234 = arith.cmpi sgt, %gather3A_233, %add3A_62 : vector<16xi32>
    %select_n3A_235 = arith.select %gt3A_234, %min3A_232, %select_n3A_223 : vector<16xi1>, vector<16xi32>
    %add3A_236 = arith.constant 1 : i32
    %add3A_237 = vector.broadcast %add3A_236 : i32 to vector<16xi32>
    %add3A_238 = arith.addi %min3A_232, %add3A_237 : vector<16xi32>
    %select_n3A_239 = arith.select %gt3A_234, %select_n3A_227, %add3A_238 : vector<16xi1>, vector<16xi32>
    %add3A_240 = arith.addi %select_n3A_239, %select_n3A_235 : vector<16xi32>
    %shift_right_logical3A_241 = arith.constant 1 : i32
    %shift_right_logical3A_242 = vector.broadcast %shift_right_logical3A_241 : i32 to vector<16xi32>
    %shift_right_logical3A_243 = arith.shrui %add3A_240, %shift_right_logical3A_242 : vector<16xi32>
    %min3A_244 = arith.minsi %shift_right_logical3A_243, %add3A_74 : vector<16xi32>
    %gather3A_245 = tpu.vector_load_idx %arg8[%min3A_244] : memref<20000xi32, #tpu.memory_space<vmem>>[vector<16xi32>], vector<16xi32>,
    %gt3A_246 = arith.cmpi sgt, %gather3A_245, %add3A_62 : vector<16xi32>
    %select_n3A_247 = arith.select %gt3A_246, %min3A_244, %select_n3A_235 : vector<16xi1>, vector<16xi32>
    %add3A_248 = arith.constant 1 : i32
    %add3A_249 = vector.broadcast %add3A_248 : i32 to vector<16xi32>
    %add3A_250 = arith.addi %min3A_244, %add3A_249 : vector<16xi32>
    %select_n3A_251 = arith.select %gt3A_246, %select_n3A_239, %add3A_250 : vector<16xi1>, vector<16xi32>
    %lt3A_252 = vector.broadcast %reduce_sum3A_49 : i32 to vector<16xi32>
    %lt3A_253 = arith.cmpi slt, %add3A_62, %lt3A_252 : vector<16xi32>
    %jit3A_254 = arith.constant 0 : i32
    %broadcast_in_dim3A_255 = vector.broadcast %jit3A_254 : i32 to vector<16xi32>
    %select_n3A_256 = arith.select %lt3A_253, %select_n3A_251, %broadcast_in_dim3A_255 : vector<16xi1>, vector<16xi32>
    %sub3A = arith.constant 1 : i32
    %sub3A_257 = vector.broadcast %sub3A : i32 to vector<16xi32>
    %sub3A_258 = arith.subi %select_n3A_256, %sub3A_257 : vector<16xi32>
    %max3A = arith.constant 0 : i32
    %max3A_259 = vector.broadcast %max3A : i32 to vector<16xi32>
    %max3A_260 = arith.maxsi %sub3A_258, %max3A_259 : vector<16xi32>
    %gather3A_261 = tpu.vector_load_idx %arg8[%max3A_260] : memref<20000xi32, #tpu.memory_space<vmem>>[vector<16xi32>], vector<16xi32>,
    %gt3A_262 = arith.constant 0 : i32
    %gt3A_263 = vector.broadcast %gt3A_262 : i32 to vector<16xi32>
    %gt3A_264 = arith.cmpi sgt, %select_n3A_256, %gt3A_263 : vector<16xi32>
    %jit3A_265 = arith.constant 0 : i32
    %broadcast_in_dim3A_266 = vector.broadcast %jit3A_265 : i32 to vector<16xi32>
    %select_n3A_267 = arith.select %gt3A_264, %gather3A_261, %broadcast_in_dim3A_266 : vector<16xi1>, vector<16xi32>
    %sub3A_268 = arith.subi %add3A_62, %select_n3A_267 : vector<16xi32>
    %gather3A_269 = tpu.vector_load_idx %arg9[%select_n3A_256] : memref<20000xi32, #tpu.memory_space<vmem>>[vector<16xi32>], vector<16xi32>,
    %broadcast_in_dim3A_270 = arith.constant 0 : i32
    %broadcast_in_dim3A_271 = vector.broadcast %broadcast_in_dim3A_270 : i32 to vector<16xi32>
    %broadcast_in_dim3A_272 = arith.constant 0 : i32
    %broadcast_in_dim3A_273 = vector.broadcast %broadcast_in_dim3A_272 : i32 to vector<16xi32>
    %broadcast_in_dim3A_274 = arith.constant false
    %broadcast_in_dim3A_275 = vector.broadcast %broadcast_in_dim3A_274 : i1 to vector<16xi1>
    %shift_right_logical3A_276 = arith.constant 0 : i32
    %shift_right_logical3A_277 = vector.broadcast %shift_right_logical3A_276 : i32 to vector<16xi32>
    %shift_right_logical3A_278 = arith.shrui %gather3A_269, %shift_right_logical3A_277 : vector<16xi32>
    %and3A = arith.constant 1 : i32
    %and3A_279 = vector.broadcast %and3A : i32 to vector<16xi32>
    %and3A_280 = arith.andi %shift_right_logical3A_278, %and3A_279 : vector<16xi32>
    %eq3A_281 = arith.constant 1 : i32
    %eq3A_282 = vector.broadcast %eq3A_281 : i32 to vector<16xi32>
    %eq3A_283 = arith.cmpi eq, %and3A_280, %eq3A_282 : vector<16xi32>
    %eq3A_284 = arith.cmpi eq, %broadcast_in_dim3A_273, %sub3A_268 : vector<16xi32>
    %and3A_285 = arith.andi %eq3A_283, %eq3A_284 : vector<16xi1>
    %not3A = arith.constant dense<true> : vector<16xi1>
    %not3A_286 = arith.xori %broadcast_in_dim3A_275, %not3A : vector<16xi1>
    %and3A_287 = arith.andi %and3A_285, %not3A_286 : vector<16xi1>
    %jit3A_288 = arith.constant 0 : i32
    %broadcast_in_dim3A_289 = vector.broadcast %jit3A_288 : i32 to vector<16xi32>
    %select_n3A_290 = arith.select %and3A_287, %broadcast_in_dim3A_289, %broadcast_in_dim3A_271 : vector<16xi1>, vector<16xi32>
    %or3A = arith.ori %broadcast_in_dim3A_275, %and3A_287 : vector<16xi1>
    %add3A_291 = arith.addi %broadcast_in_dim3A_273, %and3A_280 : vector<16xi32>
    %shift_right_logical3A_292 = arith.constant 1 : i32
    %shift_right_logical3A_293 = vector.broadcast %shift_right_logical3A_292 : i32 to vector<16xi32>
    %shift_right_logical3A_294 = arith.shrui %gather3A_269, %shift_right_logical3A_293 : vector<16xi32>
    %and3A_295 = arith.constant 1 : i32
    %and3A_296 = vector.broadcast %and3A_295 : i32 to vector<16xi32>
    %and3A_297 = arith.andi %shift_right_logical3A_294, %and3A_296 : vector<16xi32>
    %eq3A_298 = arith.constant 1 : i32
    %eq3A_299 = vector.broadcast %eq3A_298 : i32 to vector<16xi32>
    %eq3A_300 = arith.cmpi eq, %and3A_297, %eq3A_299 : vector<16xi32>
    %eq3A_301 = arith.cmpi eq, %add3A_291, %sub3A_268 : vector<16xi32>
    %and3A_302 = arith.andi %eq3A_300, %eq3A_301 : vector<16xi1>
    %not3A_303 = arith.constant dense<true> : vector<16xi1>
    %not3A_304 = arith.xori %or3A, %not3A_303 : vector<16xi1>
    %and3A_305 = arith.andi %and3A_302, %not3A_304 : vector<16xi1>
    %jit3A_306 = arith.constant 1 : i32
    %broadcast_in_dim3A_307 = vector.broadcast %jit3A_306 : i32 to vector<16xi32>
    %select_n3A_308 = arith.select %and3A_305, %broadcast_in_dim3A_307, %select_n3A_290 : vector<16xi1>, vector<16xi32>
    %or3A_309 = arith.ori %or3A, %and3A_305 : vector<16xi1>
    %add3A_310 = arith.addi %add3A_291, %and3A_297 : vector<16xi32>
    %shift_right_logical3A_311 = arith.constant 2 : i32
    %shift_right_logical3A_312 = vector.broadcast %shift_right_logical3A_311 : i32 to vector<16xi32>
    %shift_right_logical3A_313 = arith.shrui %gather3A_269, %shift_right_logical3A_312 : vector<16xi32>
    %and3A_314 = arith.constant 1 : i32
    %and3A_315 = vector.broadcast %and3A_314 : i32 to vector<16xi32>
    %and3A_316 = arith.andi %shift_right_logical3A_313, %and3A_315 : vector<16xi32>
    %eq3A_317 = arith.constant 1 : i32
    %eq3A_318 = vector.broadcast %eq3A_317 : i32 to vector<16xi32>
    %eq3A_319 = arith.cmpi eq, %and3A_316, %eq3A_318 : vector<16xi32>
    %eq3A_320 = arith.cmpi eq, %add3A_310, %sub3A_268 : vector<16xi32>
    %and3A_321 = arith.andi %eq3A_319, %eq3A_320 : vector<16xi1>
    %not3A_322 = arith.constant dense<true> : vector<16xi1>
    %not3A_323 = arith.xori %or3A_309, %not3A_322 : vector<16xi1>
    %and3A_324 = arith.andi %and3A_321, %not3A_323 : vector<16xi1>
    %jit3A_325 = arith.constant 2 : i32
    %broadcast_in_dim3A_326 = vector.broadcast %jit3A_325 : i32 to vector<16xi32>
    %select_n3A_327 = arith.select %and3A_324, %broadcast_in_dim3A_326, %select_n3A_308 : vector<16xi1>, vector<16xi32>
    %or3A_328 = arith.ori %or3A_309, %and3A_324 : vector<16xi1>
    %add3A_329 = arith.addi %add3A_310, %and3A_316 : vector<16xi32>
    %shift_right_logical3A_330 = arith.constant 3 : i32
    %shift_right_logical3A_331 = vector.broadcast %shift_right_logical3A_330 : i32 to vector<16xi32>
    %shift_right_logical3A_332 = arith.shrui %gather3A_269, %shift_right_logical3A_331 : vector<16xi32>
    %and3A_333 = arith.constant 1 : i32
    %and3A_334 = vector.broadcast %and3A_333 : i32 to vector<16xi32>
    %and3A_335 = arith.andi %shift_right_logical3A_332, %and3A_334 : vector<16xi32>
    %eq3A_336 = arith.constant 1 : i32
    %eq3A_337 = vector.broadcast %eq3A_336 : i32 to vector<16xi32>
    %eq3A_338 = arith.cmpi eq, %and3A_335, %eq3A_337 : vector<16xi32>
    %eq3A_339 = arith.cmpi eq, %add3A_329, %sub3A_268 : vector<16xi32>
    %and3A_340 = arith.andi %eq3A_338, %eq3A_339 : vector<16xi1>
    %not3A_341 = arith.constant dense<true> : vector<16xi1>
    %not3A_342 = arith.xori %or3A_328, %not3A_341 : vector<16xi1>
    %and3A_343 = arith.andi %and3A_340, %not3A_342 : vector<16xi1>
    %jit3A_344 = arith.constant 3 : i32
    %broadcast_in_dim3A_345 = vector.broadcast %jit3A_344 : i32 to vector<16xi32>
    %select_n3A_346 = arith.select %and3A_343, %broadcast_in_dim3A_345, %select_n3A_327 : vector<16xi1>, vector<16xi32>
    %or3A_347 = arith.ori %or3A_328, %and3A_343 : vector<16xi1>
    %add3A_348 = arith.addi %add3A_329, %and3A_335 : vector<16xi32>
    %shift_right_logical3A_349 = arith.constant 4 : i32
    %shift_right_logical3A_350 = vector.broadcast %shift_right_logical3A_349 : i32 to vector<16xi32>
    %shift_right_logical3A_351 = arith.shrui %gather3A_269, %shift_right_logical3A_350 : vector<16xi32>
    %and3A_352 = arith.constant 1 : i32
    %and3A_353 = vector.broadcast %and3A_352 : i32 to vector<16xi32>
    %and3A_354 = arith.andi %shift_right_logical3A_351, %and3A_353 : vector<16xi32>
    %eq3A_355 = arith.constant 1 : i32
    %eq3A_356 = vector.broadcast %eq3A_355 : i32 to vector<16xi32>
    %eq3A_357 = arith.cmpi eq, %and3A_354, %eq3A_356 : vector<16xi32>
    %eq3A_358 = arith.cmpi eq, %add3A_348, %sub3A_268 : vector<16xi32>
    %and3A_359 = arith.andi %eq3A_357, %eq3A_358 : vector<16xi1>
    %not3A_360 = arith.constant dense<true> : vector<16xi1>
    %not3A_361 = arith.xori %or3A_347, %not3A_360 : vector<16xi1>
    %and3A_362 = arith.andi %and3A_359, %not3A_361 : vector<16xi1>
    %jit3A_363 = arith.constant 4 : i32
    %broadcast_in_dim3A_364 = vector.broadcast %jit3A_363 : i32 to vector<16xi32>
    %select_n3A_365 = arith.select %and3A_362, %broadcast_in_dim3A_364, %select_n3A_346 : vector<16xi1>, vector<16xi32>
    %or3A_366 = arith.ori %or3A_347, %and3A_362 : vector<16xi1>
    %add3A_367 = arith.addi %add3A_348, %and3A_354 : vector<16xi32>
    %shift_right_logical3A_368 = arith.constant 5 : i32
    %shift_right_logical3A_369 = vector.broadcast %shift_right_logical3A_368 : i32 to vector<16xi32>
    %shift_right_logical3A_370 = arith.shrui %gather3A_269, %shift_right_logical3A_369 : vector<16xi32>
    %and3A_371 = arith.constant 1 : i32
    %and3A_372 = vector.broadcast %and3A_371 : i32 to vector<16xi32>
    %and3A_373 = arith.andi %shift_right_logical3A_370, %and3A_372 : vector<16xi32>
    %eq3A_374 = arith.constant 1 : i32
    %eq3A_375 = vector.broadcast %eq3A_374 : i32 to vector<16xi32>
    %eq3A_376 = arith.cmpi eq, %and3A_373, %eq3A_375 : vector<16xi32>
    %eq3A_377 = arith.cmpi eq, %add3A_367, %sub3A_268 : vector<16xi32>
    %and3A_378 = arith.andi %eq3A_376, %eq3A_377 : vector<16xi1>
    %not3A_379 = arith.constant dense<true> : vector<16xi1>
    %not3A_380 = arith.xori %or3A_366, %not3A_379 : vector<16xi1>
    %and3A_381 = arith.andi %and3A_378, %not3A_380 : vector<16xi1>
    %jit3A_382 = arith.constant 5 : i32
    %broadcast_in_dim3A_383 = vector.broadcast %jit3A_382 : i32 to vector<16xi32>
    %select_n3A_384 = arith.select %and3A_381, %broadcast_in_dim3A_383, %select_n3A_365 : vector<16xi1>, vector<16xi32>
    %or3A_385 = arith.ori %or3A_366, %and3A_381 : vector<16xi1>
    %add3A_386 = arith.addi %add3A_367, %and3A_373 : vector<16xi32>
    %shift_right_logical3A_387 = arith.constant 6 : i32
    %shift_right_logical3A_388 = vector.broadcast %shift_right_logical3A_387 : i32 to vector<16xi32>
    %shift_right_logical3A_389 = arith.shrui %gather3A_269, %shift_right_logical3A_388 : vector<16xi32>
    %and3A_390 = arith.constant 1 : i32
    %and3A_391 = vector.broadcast %and3A_390 : i32 to vector<16xi32>
    %and3A_392 = arith.andi %shift_right_logical3A_389, %and3A_391 : vector<16xi32>
    %eq3A_393 = arith.constant 1 : i32
    %eq3A_394 = vector.broadcast %eq3A_393 : i32 to vector<16xi32>
    %eq3A_395 = arith.cmpi eq, %and3A_392, %eq3A_394 : vector<16xi32>
    %eq3A_396 = arith.cmpi eq, %add3A_386, %sub3A_268 : vector<16xi32>
    %and3A_397 = arith.andi %eq3A_395, %eq3A_396 : vector<16xi1>
    %not3A_398 = arith.constant dense<true> : vector<16xi1>
    %not3A_399 = arith.xori %or3A_385, %not3A_398 : vector<16xi1>
    %and3A_400 = arith.andi %and3A_397, %not3A_399 : vector<16xi1>
    %jit3A_401 = arith.constant 6 : i32
    %broadcast_in_dim3A_402 = vector.broadcast %jit3A_401 : i32 to vector<16xi32>
    %select_n3A_403 = arith.select %and3A_400, %broadcast_in_dim3A_402, %select_n3A_384 : vector<16xi1>, vector<16xi32>
    %or3A_404 = arith.ori %or3A_385, %and3A_400 : vector<16xi1>
    %add3A_405 = arith.addi %add3A_386, %and3A_392 : vector<16xi32>
    %shift_right_logical3A_406 = arith.constant 7 : i32
    %shift_right_logical3A_407 = vector.broadcast %shift_right_logical3A_406 : i32 to vector<16xi32>
    %shift_right_logical3A_408 = arith.shrui %gather3A_269, %shift_right_logical3A_407 : vector<16xi32>
    %and3A_409 = arith.constant 1 : i32
    %and3A_410 = vector.broadcast %and3A_409 : i32 to vector<16xi32>
    %and3A_411 = arith.andi %shift_right_logical3A_408, %and3A_410 : vector<16xi32>
    %eq3A_412 = arith.constant 1 : i32
    %eq3A_413 = vector.broadcast %eq3A_412 : i32 to vector<16xi32>
    %eq3A_414 = arith.cmpi eq, %and3A_411, %eq3A_413 : vector<16xi32>
    %eq3A_415 = arith.cmpi eq, %add3A_405, %sub3A_268 : vector<16xi32>
    %and3A_416 = arith.andi %eq3A_414, %eq3A_415 : vector<16xi1>
    %not3A_417 = arith.constant dense<true> : vector<16xi1>
    %not3A_418 = arith.xori %or3A_404, %not3A_417 : vector<16xi1>
    %and3A_419 = arith.andi %and3A_416, %not3A_418 : vector<16xi1>
    %jit3A_420 = arith.constant 7 : i32
    %broadcast_in_dim3A_421 = vector.broadcast %jit3A_420 : i32 to vector<16xi32>
    %select_n3A_422 = arith.select %and3A_419, %broadcast_in_dim3A_421, %select_n3A_403 : vector<16xi1>, vector<16xi32>
    %or3A_423 = arith.ori %or3A_404, %and3A_419 : vector<16xi1>
    %add3A_424 = arith.addi %add3A_405, %and3A_411 : vector<16xi32>
    %shift_right_logical3A_425 = arith.constant 8 : i32
    %shift_right_logical3A_426 = vector.broadcast %shift_right_logical3A_425 : i32 to vector<16xi32>
    %shift_right_logical3A_427 = arith.shrui %gather3A_269, %shift_right_logical3A_426 : vector<16xi32>
    %and3A_428 = arith.constant 1 : i32
    %and3A_429 = vector.broadcast %and3A_428 : i32 to vector<16xi32>
    %and3A_430 = arith.andi %shift_right_logical3A_427, %and3A_429 : vector<16xi32>
    %eq3A_431 = arith.constant 1 : i32
    %eq3A_432 = vector.broadcast %eq3A_431 : i32 to vector<16xi32>
    %eq3A_433 = arith.cmpi eq, %and3A_430, %eq3A_432 : vector<16xi32>
    %eq3A_434 = arith.cmpi eq, %add3A_424, %sub3A_268 : vector<16xi32>
    %and3A_435 = arith.andi %eq3A_433, %eq3A_434 : vector<16xi1>
    %not3A_436 = arith.constant dense<true> : vector<16xi1>
    %not3A_437 = arith.xori %or3A_423, %not3A_436 : vector<16xi1>
    %and3A_438 = arith.andi %and3A_435, %not3A_437 : vector<16xi1>
    %jit3A_439 = arith.constant 8 : i32
    %broadcast_in_dim3A_440 = vector.broadcast %jit3A_439 : i32 to vector<16xi32>
    %select_n3A_441 = arith.select %and3A_438, %broadcast_in_dim3A_440, %select_n3A_422 : vector<16xi1>, vector<16xi32>
    %or3A_442 = arith.ori %or3A_423, %and3A_438 : vector<16xi1>
    %add3A_443 = arith.addi %add3A_424, %and3A_430 : vector<16xi32>
    %shift_right_logical3A_444 = arith.constant 9 : i32
    %shift_right_logical3A_445 = vector.broadcast %shift_right_logical3A_444 : i32 to vector<16xi32>
    %shift_right_logical3A_446 = arith.shrui %gather3A_269, %shift_right_logical3A_445 : vector<16xi32>
    %and3A_447 = arith.constant 1 : i32
    %and3A_448 = vector.broadcast %and3A_447 : i32 to vector<16xi32>
    %and3A_449 = arith.andi %shift_right_logical3A_446, %and3A_448 : vector<16xi32>
    %eq3A_450 = arith.constant 1 : i32
    %eq3A_451 = vector.broadcast %eq3A_450 : i32 to vector<16xi32>
    %eq3A_452 = arith.cmpi eq, %and3A_449, %eq3A_451 : vector<16xi32>
    %eq3A_453 = arith.cmpi eq, %add3A_443, %sub3A_268 : vector<16xi32>
    %and3A_454 = arith.andi %eq3A_452, %eq3A_453 : vector<16xi1>
    %not3A_455 = arith.constant dense<true> : vector<16xi1>
    %not3A_456 = arith.xori %or3A_442, %not3A_455 : vector<16xi1>
    %and3A_457 = arith.andi %and3A_454, %not3A_456 : vector<16xi1>
    %jit3A_458 = arith.constant 9 : i32
    %broadcast_in_dim3A_459 = vector.broadcast %jit3A_458 : i32 to vector<16xi32>
    %select_n3A_460 = arith.select %and3A_457, %broadcast_in_dim3A_459, %select_n3A_441 : vector<16xi1>, vector<16xi32>
    %or3A_461 = arith.ori %or3A_442, %and3A_457 : vector<16xi1>
    %add3A_462 = arith.addi %add3A_443, %and3A_449 : vector<16xi32>
    %shift_right_logical3A_463 = arith.constant 10 : i32
    %shift_right_logical3A_464 = vector.broadcast %shift_right_logical3A_463 : i32 to vector<16xi32>
    %shift_right_logical3A_465 = arith.shrui %gather3A_269, %shift_right_logical3A_464 : vector<16xi32>
    %and3A_466 = arith.constant 1 : i32
    %and3A_467 = vector.broadcast %and3A_466 : i32 to vector<16xi32>
    %and3A_468 = arith.andi %shift_right_logical3A_465, %and3A_467 : vector<16xi32>
    %eq3A_469 = arith.constant 1 : i32
    %eq3A_470 = vector.broadcast %eq3A_469 : i32 to vector<16xi32>
    %eq3A_471 = arith.cmpi eq, %and3A_468, %eq3A_470 : vector<16xi32>
    %eq3A_472 = arith.cmpi eq, %add3A_462, %sub3A_268 : vector<16xi32>
    %and3A_473 = arith.andi %eq3A_471, %eq3A_472 : vector<16xi1>
    %not3A_474 = arith.constant dense<true> : vector<16xi1>
    %not3A_475 = arith.xori %or3A_461, %not3A_474 : vector<16xi1>
    %and3A_476 = arith.andi %and3A_473, %not3A_475 : vector<16xi1>
    %jit3A_477 = arith.constant 10 : i32
    %broadcast_in_dim3A_478 = vector.broadcast %jit3A_477 : i32 to vector<16xi32>
    %select_n3A_479 = arith.select %and3A_476, %broadcast_in_dim3A_478, %select_n3A_460 : vector<16xi1>, vector<16xi32>
    %or3A_480 = arith.ori %or3A_461, %and3A_476 : vector<16xi1>
    %add3A_481 = arith.addi %add3A_462, %and3A_468 : vector<16xi32>
    %shift_right_logical3A_482 = arith.constant 11 : i32
    %shift_right_logical3A_483 = vector.broadcast %shift_right_logical3A_482 : i32 to vector<16xi32>
    %shift_right_logical3A_484 = arith.shrui %gather3A_269, %shift_right_logical3A_483 : vector<16xi32>
    %and3A_485 = arith.constant 1 : i32
    %and3A_486 = vector.broadcast %and3A_485 : i32 to vector<16xi32>
    %and3A_487 = arith.andi %shift_right_logical3A_484, %and3A_486 : vector<16xi32>
    %eq3A_488 = arith.constant 1 : i32
    %eq3A_489 = vector.broadcast %eq3A_488 : i32 to vector<16xi32>
    %eq3A_490 = arith.cmpi eq, %and3A_487, %eq3A_489 : vector<16xi32>
    %eq3A_491 = arith.cmpi eq, %add3A_481, %sub3A_268 : vector<16xi32>
    %and3A_492 = arith.andi %eq3A_490, %eq3A_491 : vector<16xi1>
    %not3A_493 = arith.constant dense<true> : vector<16xi1>
    %not3A_494 = arith.xori %or3A_480, %not3A_493 : vector<16xi1>
    %and3A_495 = arith.andi %and3A_492, %not3A_494 : vector<16xi1>
    %jit3A_496 = arith.constant 11 : i32
    %broadcast_in_dim3A_497 = vector.broadcast %jit3A_496 : i32 to vector<16xi32>
    %select_n3A_498 = arith.select %and3A_495, %broadcast_in_dim3A_497, %select_n3A_479 : vector<16xi1>, vector<16xi32>
    %or3A_499 = arith.ori %or3A_480, %and3A_495 : vector<16xi1>
    %add3A_500 = arith.addi %add3A_481, %and3A_487 : vector<16xi32>
    %shift_right_logical3A_501 = arith.constant 12 : i32
    %shift_right_logical3A_502 = vector.broadcast %shift_right_logical3A_501 : i32 to vector<16xi32>
    %shift_right_logical3A_503 = arith.shrui %gather3A_269, %shift_right_logical3A_502 : vector<16xi32>
    %and3A_504 = arith.constant 1 : i32
    %and3A_505 = vector.broadcast %and3A_504 : i32 to vector<16xi32>
    %and3A_506 = arith.andi %shift_right_logical3A_503, %and3A_505 : vector<16xi32>
    %eq3A_507 = arith.constant 1 : i32
    %eq3A_508 = vector.broadcast %eq3A_507 : i32 to vector<16xi32>
    %eq3A_509 = arith.cmpi eq, %and3A_506, %eq3A_508 : vector<16xi32>
    %eq3A_510 = arith.cmpi eq, %add3A_500, %sub3A_268 : vector<16xi32>
    %and3A_511 = arith.andi %eq3A_509, %eq3A_510 : vector<16xi1>
    %not3A_512 = arith.constant dense<true> : vector<16xi1>
    %not3A_513 = arith.xori %or3A_499, %not3A_512 : vector<16xi1>
    %and3A_514 = arith.andi %and3A_511, %not3A_513 : vector<16xi1>
    %jit3A_515 = arith.constant 12 : i32
    %broadcast_in_dim3A_516 = vector.broadcast %jit3A_515 : i32 to vector<16xi32>
    %select_n3A_517 = arith.select %and3A_514, %broadcast_in_dim3A_516, %select_n3A_498 : vector<16xi1>, vector<16xi32>
    %or3A_518 = arith.ori %or3A_499, %and3A_514 : vector<16xi1>
    %add3A_519 = arith.addi %add3A_500, %and3A_506 : vector<16xi32>
    %shift_right_logical3A_520 = arith.constant 13 : i32
    %shift_right_logical3A_521 = vector.broadcast %shift_right_logical3A_520 : i32 to vector<16xi32>
    %shift_right_logical3A_522 = arith.shrui %gather3A_269, %shift_right_logical3A_521 : vector<16xi32>
    %and3A_523 = arith.constant 1 : i32
    %and3A_524 = vector.broadcast %and3A_523 : i32 to vector<16xi32>
    %and3A_525 = arith.andi %shift_right_logical3A_522, %and3A_524 : vector<16xi32>
    %eq3A_526 = arith.constant 1 : i32
    %eq3A_527 = vector.broadcast %eq3A_526 : i32 to vector<16xi32>
    %eq3A_528 = arith.cmpi eq, %and3A_525, %eq3A_527 : vector<16xi32>
    %eq3A_529 = arith.cmpi eq, %add3A_519, %sub3A_268 : vector<16xi32>
    %and3A_530 = arith.andi %eq3A_528, %eq3A_529 : vector<16xi1>
    %not3A_531 = arith.constant dense<true> : vector<16xi1>
    %not3A_532 = arith.xori %or3A_518, %not3A_531 : vector<16xi1>
    %and3A_533 = arith.andi %and3A_530, %not3A_532 : vector<16xi1>
    %jit3A_534 = arith.constant 13 : i32
    %broadcast_in_dim3A_535 = vector.broadcast %jit3A_534 : i32 to vector<16xi32>
    %select_n3A_536 = arith.select %and3A_533, %broadcast_in_dim3A_535, %select_n3A_517 : vector<16xi1>, vector<16xi32>
    %or3A_537 = arith.ori %or3A_518, %and3A_533 : vector<16xi1>
    %add3A_538 = arith.addi %add3A_519, %and3A_525 : vector<16xi32>
    %shift_right_logical3A_539 = arith.constant 14 : i32
    %shift_right_logical3A_540 = vector.broadcast %shift_right_logical3A_539 : i32 to vector<16xi32>
    %shift_right_logical3A_541 = arith.shrui %gather3A_269, %shift_right_logical3A_540 : vector<16xi32>
    %and3A_542 = arith.constant 1 : i32
    %and3A_543 = vector.broadcast %and3A_542 : i32 to vector<16xi32>
    %and3A_544 = arith.andi %shift_right_logical3A_541, %and3A_543 : vector<16xi32>
    %eq3A_545 = arith.constant 1 : i32
    %eq3A_546 = vector.broadcast %eq3A_545 : i32 to vector<16xi32>
    %eq3A_547 = arith.cmpi eq, %and3A_544, %eq3A_546 : vector<16xi32>
    %eq3A_548 = arith.cmpi eq, %add3A_538, %sub3A_268 : vector<16xi32>
    %and3A_549 = arith.andi %eq3A_547, %eq3A_548 : vector<16xi1>
    %not3A_550 = arith.constant dense<true> : vector<16xi1>
    %not3A_551 = arith.xori %or3A_537, %not3A_550 : vector<16xi1>
    %and3A_552 = arith.andi %and3A_549, %not3A_551 : vector<16xi1>
    %jit3A_553 = arith.constant 14 : i32
    %broadcast_in_dim3A_554 = vector.broadcast %jit3A_553 : i32 to vector<16xi32>
    %select_n3A_555 = arith.select %and3A_552, %broadcast_in_dim3A_554, %select_n3A_536 : vector<16xi1>, vector<16xi32>
    %or3A_556 = arith.ori %or3A_537, %and3A_552 : vector<16xi1>
    %add3A_557 = arith.addi %add3A_538, %and3A_544 : vector<16xi32>
    %jit3A_558 = arith.constant 0 : i32
    %broadcast_in_dim3A_559 = vector.broadcast %jit3A_558 : i32 to vector<16xi32>
    %select_n3A_560 = arith.select %lt3A_253, %select_n3A_555, %broadcast_in_dim3A_559 : vector<16xi1>, vector<16xi32>
    %gather3A_561 = tpu.vector_load_idx %arg9[%select_n3A_256] : memref<20000xi32, #tpu.memory_space<vmem>>[vector<16xi32>], vector<16xi32>,
    %shift_right_logical3A_562 = arith.constant 16 : i32
    %shift_right_logical3A_563 = vector.broadcast %shift_right_logical3A_562 : i32 to vector<16xi32>
    %shift_right_logical3A_564 = arith.shrui %gather3A_561, %shift_right_logical3A_563 : vector<16xi32>
    %sub3A_565 = arith.constant 1 : i32
    %sub3A_566 = vector.broadcast %sub3A_565 : i32 to vector<16xi32>
    %sub3A_567 = arith.subi %shift_right_logical3A_564, %sub3A_566 : vector<16xi32>
    %sub3A_568 = arith.constant 1 : i32
    %sub3A_569 = arith.subi %reduce_sum3A_49, %sub3A_568 : i32
    %max3A_570 = arith.constant 0 : i32
    %max3A_571 = arith.maxsi %sub3A_569, %max3A_570 : i32
    %jit3A_572 = arith.constant 0 : i32
    %max3A_573 = vector.broadcast %jit3A_572 : i32 to vector<16xi32>
    %max3A_574 = arith.maxsi %max3A_573, %sub3A_567 : vector<16xi32>
    %min3A_575 = vector.broadcast %max3A_571 : i32 to vector<16xi32>
    %min3A_576 = arith.minsi %min3A_575, %max3A_574 : vector<16xi32>
    %broadcast_in_dim3A_577 = arith.constant 0 : i32
    %broadcast_in_dim3A_578 = vector.broadcast %broadcast_in_dim3A_577 : i32 to vector<16xi32>
    %broadcast_in_dim3A_579 = arith.constant 0 : i32
    %broadcast_in_dim3A_580 = vector.broadcast %broadcast_in_dim3A_579 : i32 to vector<16xi32>
    %add3A_581 = arith.constant 20000 : i32
    %add3A_582 = vector.broadcast %add3A_581 : i32 to vector<16xi32>
    %add3A_583 = arith.addi %broadcast_in_dim3A_580, %add3A_582 : vector<16xi32>
    %broadcast_in_dim3A_584 = arith.constant 0 : i32
    %broadcast_in_dim3A_585 = vector.broadcast %broadcast_in_dim3A_584 : i32 to vector<16xi32>
    %add3A_586 = arith.constant 19999 : i32
    %add3A_587 = vector.broadcast %add3A_586 : i32 to vector<16xi32>
    %add3A_588 = arith.addi %broadcast_in_dim3A_585, %add3A_587 : vector<16xi32>
    %add3A_589 = arith.addi %broadcast_in_dim3A_578, %add3A_583 : vector<16xi32>
    %shift_right_logical3A_590 = arith.constant 1 : i32
    %shift_right_logical3A_591 = vector.broadcast %shift_right_logical3A_590 : i32 to vector<16xi32>
    %shift_right_logical3A_592 = arith.shrui %add3A_589, %shift_right_logical3A_591 : vector<16xi32>
    %min3A_593 = arith.minsi %shift_right_logical3A_592, %add3A_588 : vector<16xi32>
    %gather3A_594 = tpu.vector_load_idx %arg8[%min3A_593] : memref<20000xi32, #tpu.memory_space<vmem>>[vector<16xi32>], vector<16xi32>,
    %gt3A_595 = arith.cmpi sgt, %gather3A_594, %min3A_576 : vector<16xi32>
    %select_n3A_596 = arith.select %gt3A_595, %min3A_593, %add3A_583 : vector<16xi1>, vector<16xi32>
    %add3A_597 = arith.constant 1 : i32
    %add3A_598 = vector.broadcast %add3A_597 : i32 to vector<16xi32>
    %add3A_599 = arith.addi %min3A_593, %add3A_598 : vector<16xi32>
    %select_n3A_600 = arith.select %gt3A_595, %broadcast_in_dim3A_578, %add3A_599 : vector<16xi1>, vector<16xi32>
    %add3A_601 = arith.addi %select_n3A_600, %select_n3A_596 : vector<16xi32>
    %shift_right_logical3A_602 = arith.constant 1 : i32
    %shift_right_logical3A_603 = vector.broadcast %shift_right_logical3A_602 : i32 to vector<16xi32>
    %shift_right_logical3A_604 = arith.shrui %add3A_601, %shift_right_logical3A_603 : vector<16xi32>
    %min3A_605 = arith.minsi %shift_right_logical3A_604, %add3A_588 : vector<16xi32>
    %gather3A_606 = tpu.vector_load_idx %arg8[%min3A_605] : memref<20000xi32, #tpu.memory_space<vmem>>[vector<16xi32>], vector<16xi32>,
    %gt3A_607 = arith.cmpi sgt, %gather3A_606, %min3A_576 : vector<16xi32>
    %select_n3A_608 = arith.select %gt3A_607, %min3A_605, %select_n3A_596 : vector<16xi1>, vector<16xi32>
    %add3A_609 = arith.constant 1 : i32
    %add3A_610 = vector.broadcast %add3A_609 : i32 to vector<16xi32>
    %add3A_611 = arith.addi %min3A_605, %add3A_610 : vector<16xi32>
    %select_n3A_612 = arith.select %gt3A_607, %select_n3A_600, %add3A_611 : vector<16xi1>, vector<16xi32>
    %add3A_613 = arith.addi %select_n3A_612, %select_n3A_608 : vector<16xi32>
    %shift_right_logical3A_614 = arith.constant 1 : i32
    %shift_right_logical3A_615 = vector.broadcast %shift_right_logical3A_614 : i32 to vector<16xi32>
    %shift_right_logical3A_616 = arith.shrui %add3A_613, %shift_right_logical3A_615 : vector<16xi32>
    %min3A_617 = arith.minsi %shift_right_logical3A_616, %add3A_588 : vector<16xi32>
    %gather3A_618 = tpu.vector_load_idx %arg8[%min3A_617] : memref<20000xi32, #tpu.memory_space<vmem>>[vector<16xi32>], vector<16xi32>,
    %gt3A_619 = arith.cmpi sgt, %gather3A_618, %min3A_576 : vector<16xi32>
    %select_n3A_620 = arith.select %gt3A_619, %min3A_617, %select_n3A_608 : vector<16xi1>, vector<16xi32>
    %add3A_621 = arith.constant 1 : i32
    %add3A_622 = vector.broadcast %add3A_621 : i32 to vector<16xi32>
    %add3A_623 = arith.addi %min3A_617, %add3A_622 : vector<16xi32>
    %select_n3A_624 = arith.select %gt3A_619, %select_n3A_612, %add3A_623 : vector<16xi1>, vector<16xi32>
    %add3A_625 = arith.addi %select_n3A_624, %select_n3A_620 : vector<16xi32>
    %shift_right_logical3A_626 = arith.constant 1 : i32
    %shift_right_logical3A_627 = vector.broadcast %shift_right_logical3A_626 : i32 to vector<16xi32>
    %shift_right_logical3A_628 = arith.shrui %add3A_625, %shift_right_logical3A_627 : vector<16xi32>
    %min3A_629 = arith.minsi %shift_right_logical3A_628, %add3A_588 : vector<16xi32>
    %gather3A_630 = tpu.vector_load_idx %arg8[%min3A_629] : memref<20000xi32, #tpu.memory_space<vmem>>[vector<16xi32>], vector<16xi32>,
    %gt3A_631 = arith.cmpi sgt, %gather3A_630, %min3A_576 : vector<16xi32>
    %select_n3A_632 = arith.select %gt3A_631, %min3A_629, %select_n3A_620 : vector<16xi1>, vector<16xi32>
    %add3A_633 = arith.constant 1 : i32
    %add3A_634 = vector.broadcast %add3A_633 : i32 to vector<16xi32>
    %add3A_635 = arith.addi %min3A_629, %add3A_634 : vector<16xi32>
    %select_n3A_636 = arith.select %gt3A_631, %select_n3A_624, %add3A_635 : vector<16xi1>, vector<16xi32>
    %add3A_637 = arith.addi %select_n3A_636, %select_n3A_632 : vector<16xi32>
    %shift_right_logical3A_638 = arith.constant 1 : i32
    %shift_right_logical3A_639 = vector.broadcast %shift_right_logical3A_638 : i32 to vector<16xi32>
    %shift_right_logical3A_640 = arith.shrui %add3A_637, %shift_right_logical3A_639 : vector<16xi32>
    %min3A_641 = arith.minsi %shift_right_logical3A_640, %add3A_588 : vector<16xi32>
    %gather3A_642 = tpu.vector_load_idx %arg8[%min3A_641] : memref<20000xi32, #tpu.memory_space<vmem>>[vector<16xi32>], vector<16xi32>,
    %gt3A_643 = arith.cmpi sgt, %gather3A_642, %min3A_576 : vector<16xi32>
    %select_n3A_644 = arith.select %gt3A_643, %min3A_641, %select_n3A_632 : vector<16xi1>, vector<16xi32>
    %add3A_645 = arith.constant 1 : i32
    %add3A_646 = vector.broadcast %add3A_645 : i32 to vector<16xi32>
    %add3A_647 = arith.addi %min3A_641, %add3A_646 : vector<16xi32>
    %select_n3A_648 = arith.select %gt3A_643, %select_n3A_636, %add3A_647 : vector<16xi1>, vector<16xi32>
    %add3A_649 = arith.addi %select_n3A_648, %select_n3A_644 : vector<16xi32>
    %shift_right_logical3A_650 = arith.constant 1 : i32
    %shift_right_logical3A_651 = vector.broadcast %shift_right_logical3A_650 : i32 to vector<16xi32>
    %shift_right_logical3A_652 = arith.shrui %add3A_649, %shift_right_logical3A_651 : vector<16xi32>
    %min3A_653 = arith.minsi %shift_right_logical3A_652, %add3A_588 : vector<16xi32>
    %gather3A_654 = tpu.vector_load_idx %arg8[%min3A_653] : memref<20000xi32, #tpu.memory_space<vmem>>[vector<16xi32>], vector<16xi32>,
    %gt3A_655 = arith.cmpi sgt, %gather3A_654, %min3A_576 : vector<16xi32>
    %select_n3A_656 = arith.select %gt3A_655, %min3A_653, %select_n3A_644 : vector<16xi1>, vector<16xi32>
    %add3A_657 = arith.constant 1 : i32
    %add3A_658 = vector.broadcast %add3A_657 : i32 to vector<16xi32>
    %add3A_659 = arith.addi %min3A_653, %add3A_658 : vector<16xi32>
    %select_n3A_660 = arith.select %gt3A_655, %select_n3A_648, %add3A_659 : vector<16xi1>, vector<16xi32>
    %add3A_661 = arith.addi %select_n3A_660, %select_n3A_656 : vector<16xi32>
    %shift_right_logical3A_662 = arith.constant 1 : i32
    %shift_right_logical3A_663 = vector.broadcast %shift_right_logical3A_662 : i32 to vector<16xi32>
    %shift_right_logical3A_664 = arith.shrui %add3A_661, %shift_right_logical3A_663 : vector<16xi32>
    %min3A_665 = arith.minsi %shift_right_logical3A_664, %add3A_588 : vector<16xi32>
    %gather3A_666 = tpu.vector_load_idx %arg8[%min3A_665] : memref<20000xi32, #tpu.memory_space<vmem>>[vector<16xi32>], vector<16xi32>,
    %gt3A_667 = arith.cmpi sgt, %gather3A_666, %min3A_576 : vector<16xi32>
    %select_n3A_668 = arith.select %gt3A_667, %min3A_665, %select_n3A_656 : vector<16xi1>, vector<16xi32>
    %add3A_669 = arith.constant 1 : i32
    %add3A_670 = vector.broadcast %add3A_669 : i32 to vector<16xi32>
    %add3A_671 = arith.addi %min3A_665, %add3A_670 : vector<16xi32>
    %select_n3A_672 = arith.select %gt3A_667, %select_n3A_660, %add3A_671 : vector<16xi1>, vector<16xi32>
    %add3A_673 = arith.addi %select_n3A_672, %select_n3A_668 : vector<16xi32>
    %shift_right_logical3A_674 = arith.constant 1 : i32
    %shift_right_logical3A_675 = vector.broadcast %shift_right_logical3A_674 : i32 to vector<16xi32>
    %shift_right_logical3A_676 = arith.shrui %add3A_673, %shift_right_logical3A_675 : vector<16xi32>
    %min3A_677 = arith.minsi %shift_right_logical3A_676, %add3A_588 : vector<16xi32>
    %gather3A_678 = tpu.vector_load_idx %arg8[%min3A_677] : memref<20000xi32, #tpu.memory_space<vmem>>[vector<16xi32>], vector<16xi32>,
    %gt3A_679 = arith.cmpi sgt, %gather3A_678, %min3A_576 : vector<16xi32>
    %select_n3A_680 = arith.select %gt3A_679, %min3A_677, %select_n3A_668 : vector<16xi1>, vector<16xi32>
    %add3A_681 = arith.constant 1 : i32
    %add3A_682 = vector.broadcast %add3A_681 : i32 to vector<16xi32>
    %add3A_683 = arith.addi %min3A_677, %add3A_682 : vector<16xi32>
    %select_n3A_684 = arith.select %gt3A_679, %select_n3A_672, %add3A_683 : vector<16xi1>, vector<16xi32>
    %add3A_685 = arith.addi %select_n3A_684, %select_n3A_680 : vector<16xi32>
    %shift_right_logical3A_686 = arith.constant 1 : i32
    %shift_right_logical3A_687 = vector.broadcast %shift_right_logical3A_686 : i32 to vector<16xi32>
    %shift_right_logical3A_688 = arith.shrui %add3A_685, %shift_right_logical3A_687 : vector<16xi32>
    %min3A_689 = arith.minsi %shift_right_logical3A_688, %add3A_588 : vector<16xi32>
    %gather3A_690 = tpu.vector_load_idx %arg8[%min3A_689] : memref<20000xi32, #tpu.memory_space<vmem>>[vector<16xi32>], vector<16xi32>,
    %gt3A_691 = arith.cmpi sgt, %gather3A_690, %min3A_576 : vector<16xi32>
    %select_n3A_692 = arith.select %gt3A_691, %min3A_689, %select_n3A_680 : vector<16xi1>, vector<16xi32>
    %add3A_693 = arith.constant 1 : i32
    %add3A_694 = vector.broadcast %add3A_693 : i32 to vector<16xi32>
    %add3A_695 = arith.addi %min3A_689, %add3A_694 : vector<16xi32>
    %select_n3A_696 = arith.select %gt3A_691, %select_n3A_684, %add3A_695 : vector<16xi1>, vector<16xi32>
    %add3A_697 = arith.addi %select_n3A_696, %select_n3A_692 : vector<16xi32>
    %shift_right_logical3A_698 = arith.constant 1 : i32
    %shift_right_logical3A_699 = vector.broadcast %shift_right_logical3A_698 : i32 to vector<16xi32>
    %shift_right_logical3A_700 = arith.shrui %add3A_697, %shift_right_logical3A_699 : vector<16xi32>
    %min3A_701 = arith.minsi %shift_right_logical3A_700, %add3A_588 : vector<16xi32>
    %gather3A_702 = tpu.vector_load_idx %arg8[%min3A_701] : memref<20000xi32, #tpu.memory_space<vmem>>[vector<16xi32>], vector<16xi32>,
    %gt3A_703 = arith.cmpi sgt, %gather3A_702, %min3A_576 : vector<16xi32>
    %select_n3A_704 = arith.select %gt3A_703, %min3A_701, %select_n3A_692 : vector<16xi1>, vector<16xi32>
    %add3A_705 = arith.constant 1 : i32
    %add3A_706 = vector.broadcast %add3A_705 : i32 to vector<16xi32>
    %add3A_707 = arith.addi %min3A_701, %add3A_706 : vector<16xi32>
    %select_n3A_708 = arith.select %gt3A_703, %select_n3A_696, %add3A_707 : vector<16xi1>, vector<16xi32>
    %add3A_709 = arith.addi %select_n3A_708, %select_n3A_704 : vector<16xi32>
    %shift_right_logical3A_710 = arith.constant 1 : i32
    %shift_right_logical3A_711 = vector.broadcast %shift_right_logical3A_710 : i32 to vector<16xi32>
    %shift_right_logical3A_712 = arith.shrui %add3A_709, %shift_right_logical3A_711 : vector<16xi32>
    %min3A_713 = arith.minsi %shift_right_logical3A_712, %add3A_588 : vector<16xi32>
    %gather3A_714 = tpu.vector_load_idx %arg8[%min3A_713] : memref<20000xi32, #tpu.memory_space<vmem>>[vector<16xi32>], vector<16xi32>,
    %gt3A_715 = arith.cmpi sgt, %gather3A_714, %min3A_576 : vector<16xi32>
    %select_n3A_716 = arith.select %gt3A_715, %min3A_713, %select_n3A_704 : vector<16xi1>, vector<16xi32>
    %add3A_717 = arith.constant 1 : i32
    %add3A_718 = vector.broadcast %add3A_717 : i32 to vector<16xi32>
    %add3A_719 = arith.addi %min3A_713, %add3A_718 : vector<16xi32>
    %select_n3A_720 = arith.select %gt3A_715, %select_n3A_708, %add3A_719 : vector<16xi1>, vector<16xi32>
    %add3A_721 = arith.addi %select_n3A_720, %select_n3A_716 : vector<16xi32>
    %shift_right_logical3A_722 = arith.constant 1 : i32
    %shift_right_logical3A_723 = vector.broadcast %shift_right_logical3A_722 : i32 to vector<16xi32>
    %shift_right_logical3A_724 = arith.shrui %add3A_721, %shift_right_logical3A_723 : vector<16xi32>
    %min3A_725 = arith.minsi %shift_right_logical3A_724, %add3A_588 : vector<16xi32>
    %gather3A_726 = tpu.vector_load_idx %arg8[%min3A_725] : memref<20000xi32, #tpu.memory_space<vmem>>[vector<16xi32>], vector<16xi32>,
    %gt3A_727 = arith.cmpi sgt, %gather3A_726, %min3A_576 : vector<16xi32>
    %select_n3A_728 = arith.select %gt3A_727, %min3A_725, %select_n3A_716 : vector<16xi1>, vector<16xi32>
    %add3A_729 = arith.constant 1 : i32
    %add3A_730 = vector.broadcast %add3A_729 : i32 to vector<16xi32>
    %add3A_731 = arith.addi %min3A_725, %add3A_730 : vector<16xi32>
    %select_n3A_732 = arith.select %gt3A_727, %select_n3A_720, %add3A_731 : vector<16xi1>, vector<16xi32>
    %add3A_733 = arith.addi %select_n3A_732, %select_n3A_728 : vector<16xi32>
    %shift_right_logical3A_734 = arith.constant 1 : i32
    %shift_right_logical3A_735 = vector.broadcast %shift_right_logical3A_734 : i32 to vector<16xi32>
    %shift_right_logical3A_736 = arith.shrui %add3A_733, %shift_right_logical3A_735 : vector<16xi32>
    %min3A_737 = arith.minsi %shift_right_logical3A_736, %add3A_588 : vector<16xi32>
    %gather3A_738 = tpu.vector_load_idx %arg8[%min3A_737] : memref<20000xi32, #tpu.memory_space<vmem>>[vector<16xi32>], vector<16xi32>,
    %gt3A_739 = arith.cmpi sgt, %gather3A_738, %min3A_576 : vector<16xi32>
    %select_n3A_740 = arith.select %gt3A_739, %min3A_737, %select_n3A_728 : vector<16xi1>, vector<16xi32>
    %add3A_741 = arith.constant 1 : i32
    %add3A_742 = vector.broadcast %add3A_741 : i32 to vector<16xi32>
    %add3A_743 = arith.addi %min3A_737, %add3A_742 : vector<16xi32>
    %select_n3A_744 = arith.select %gt3A_739, %select_n3A_732, %add3A_743 : vector<16xi1>, vector<16xi32>
    %add3A_745 = arith.addi %select_n3A_744, %select_n3A_740 : vector<16xi32>
    %shift_right_logical3A_746 = arith.constant 1 : i32
    %shift_right_logical3A_747 = vector.broadcast %shift_right_logical3A_746 : i32 to vector<16xi32>
    %shift_right_logical3A_748 = arith.shrui %add3A_745, %shift_right_logical3A_747 : vector<16xi32>
    %min3A_749 = arith.minsi %shift_right_logical3A_748, %add3A_588 : vector<16xi32>
    %gather3A_750 = tpu.vector_load_idx %arg8[%min3A_749] : memref<20000xi32, #tpu.memory_space<vmem>>[vector<16xi32>], vector<16xi32>,
    %gt3A_751 = arith.cmpi sgt, %gather3A_750, %min3A_576 : vector<16xi32>
    %select_n3A_752 = arith.select %gt3A_751, %min3A_749, %select_n3A_740 : vector<16xi1>, vector<16xi32>
    %add3A_753 = arith.constant 1 : i32
    %add3A_754 = vector.broadcast %add3A_753 : i32 to vector<16xi32>
    %add3A_755 = arith.addi %min3A_749, %add3A_754 : vector<16xi32>
    %select_n3A_756 = arith.select %gt3A_751, %select_n3A_744, %add3A_755 : vector<16xi1>, vector<16xi32>
    %add3A_757 = arith.addi %select_n3A_756, %select_n3A_752 : vector<16xi32>
    %shift_right_logical3A_758 = arith.constant 1 : i32
    %shift_right_logical3A_759 = vector.broadcast %shift_right_logical3A_758 : i32 to vector<16xi32>
    %shift_right_logical3A_760 = arith.shrui %add3A_757, %shift_right_logical3A_759 : vector<16xi32>
    %min3A_761 = arith.minsi %shift_right_logical3A_760, %add3A_588 : vector<16xi32>
    %gather3A_762 = tpu.vector_load_idx %arg8[%min3A_761] : memref<20000xi32, #tpu.memory_space<vmem>>[vector<16xi32>], vector<16xi32>,
    %gt3A_763 = arith.cmpi sgt, %gather3A_762, %min3A_576 : vector<16xi32>
    %select_n3A_764 = arith.select %gt3A_763, %min3A_761, %select_n3A_752 : vector<16xi1>, vector<16xi32>
    %add3A_765 = arith.constant 1 : i32
    %add3A_766 = vector.broadcast %add3A_765 : i32 to vector<16xi32>
    %add3A_767 = arith.addi %min3A_761, %add3A_766 : vector<16xi32>
    %select_n3A_768 = arith.select %gt3A_763, %select_n3A_756, %add3A_767 : vector<16xi1>, vector<16xi32>
    %lt3A_769 = vector.broadcast %reduce_sum3A_49 : i32 to vector<16xi32>
    %lt3A_770 = arith.cmpi slt, %min3A_576, %lt3A_769 : vector<16xi32>
    %jit3A_771 = arith.constant 0 : i32
    %broadcast_in_dim3A_772 = vector.broadcast %jit3A_771 : i32 to vector<16xi32>
    %select_n3A_773 = arith.select %lt3A_770, %select_n3A_768, %broadcast_in_dim3A_772 : vector<16xi1>, vector<16xi32>
    %sub3A_774 = arith.constant 1 : i32
    %sub3A_775 = vector.broadcast %sub3A_774 : i32 to vector<16xi32>
    %sub3A_776 = arith.subi %select_n3A_773, %sub3A_775 : vector<16xi32>
    %max3A_777 = arith.constant 0 : i32
    %max3A_778 = vector.broadcast %max3A_777 : i32 to vector<16xi32>
    %max3A_779 = arith.maxsi %sub3A_776, %max3A_778 : vector<16xi32>
    %gather3A_780 = tpu.vector_load_idx %arg8[%max3A_779] : memref<20000xi32, #tpu.memory_space<vmem>>[vector<16xi32>], vector<16xi32>,
    %gt3A_781 = arith.constant 0 : i32
    %gt3A_782 = vector.broadcast %gt3A_781 : i32 to vector<16xi32>
    %gt3A_783 = arith.cmpi sgt, %select_n3A_773, %gt3A_782 : vector<16xi32>
    %jit3A_784 = arith.constant 0 : i32
    %broadcast_in_dim3A_785 = vector.broadcast %jit3A_784 : i32 to vector<16xi32>
    %select_n3A_786 = arith.select %gt3A_783, %gather3A_780, %broadcast_in_dim3A_785 : vector<16xi1>, vector<16xi32>
    %sub3A_787 = arith.subi %min3A_576, %select_n3A_786 : vector<16xi32>
    %gather3A_788 = tpu.vector_load_idx %arg9[%select_n3A_773] : memref<20000xi32, #tpu.memory_space<vmem>>[vector<16xi32>], vector<16xi32>,
    %broadcast_in_dim3A_789 = arith.constant 0 : i32
    %broadcast_in_dim3A_790 = vector.broadcast %broadcast_in_dim3A_789 : i32 to vector<16xi32>
    %broadcast_in_dim3A_791 = arith.constant 0 : i32
    %broadcast_in_dim3A_792 = vector.broadcast %broadcast_in_dim3A_791 : i32 to vector<16xi32>
    %broadcast_in_dim3A_793 = arith.constant false
    %broadcast_in_dim3A_794 = vector.broadcast %broadcast_in_dim3A_793 : i1 to vector<16xi1>
    %shift_right_logical3A_795 = arith.constant 0 : i32
    %shift_right_logical3A_796 = vector.broadcast %shift_right_logical3A_795 : i32 to vector<16xi32>
    %shift_right_logical3A_797 = arith.shrui %gather3A_788, %shift_right_logical3A_796 : vector<16xi32>
    %and3A_798 = arith.constant 1 : i32
    %and3A_799 = vector.broadcast %and3A_798 : i32 to vector<16xi32>
    %and3A_800 = arith.andi %shift_right_logical3A_797, %and3A_799 : vector<16xi32>
    %eq3A_801 = arith.constant 1 : i32
    %eq3A_802 = vector.broadcast %eq3A_801 : i32 to vector<16xi32>
    %eq3A_803 = arith.cmpi eq, %and3A_800, %eq3A_802 : vector<16xi32>
    %eq3A_804 = arith.cmpi eq, %broadcast_in_dim3A_792, %sub3A_787 : vector<16xi32>
    %and3A_805 = arith.andi %eq3A_803, %eq3A_804 : vector<16xi1>
    %not3A_806 = arith.constant dense<true> : vector<16xi1>
    %not3A_807 = arith.xori %broadcast_in_dim3A_794, %not3A_806 : vector<16xi1>
    %and3A_808 = arith.andi %and3A_805, %not3A_807 : vector<16xi1>
    %jit3A_809 = arith.constant 0 : i32
    %broadcast_in_dim3A_810 = vector.broadcast %jit3A_809 : i32 to vector<16xi32>
    %select_n3A_811 = arith.select %and3A_808, %broadcast_in_dim3A_810, %broadcast_in_dim3A_790 : vector<16xi1>, vector<16xi32>
    %or3A_812 = arith.ori %broadcast_in_dim3A_794, %and3A_808 : vector<16xi1>
    %add3A_813 = arith.addi %broadcast_in_dim3A_792, %and3A_800 : vector<16xi32>
    %shift_right_logical3A_814 = arith.constant 1 : i32
    %shift_right_logical3A_815 = vector.broadcast %shift_right_logical3A_814 : i32 to vector<16xi32>
    %shift_right_logical3A_816 = arith.shrui %gather3A_788, %shift_right_logical3A_815 : vector<16xi32>
    %and3A_817 = arith.constant 1 : i32
    %and3A_818 = vector.broadcast %and3A_817 : i32 to vector<16xi32>
    %and3A_819 = arith.andi %shift_right_logical3A_816, %and3A_818 : vector<16xi32>
    %eq3A_820 = arith.constant 1 : i32
    %eq3A_821 = vector.broadcast %eq3A_820 : i32 to vector<16xi32>
    %eq3A_822 = arith.cmpi eq, %and3A_819, %eq3A_821 : vector<16xi32>
    %eq3A_823 = arith.cmpi eq, %add3A_813, %sub3A_787 : vector<16xi32>
    %and3A_824 = arith.andi %eq3A_822, %eq3A_823 : vector<16xi1>
    %not3A_825 = arith.constant dense<true> : vector<16xi1>
    %not3A_826 = arith.xori %or3A_812, %not3A_825 : vector<16xi1>
    %and3A_827 = arith.andi %and3A_824, %not3A_826 : vector<16xi1>
    %jit3A_828 = arith.constant 1 : i32
    %broadcast_in_dim3A_829 = vector.broadcast %jit3A_828 : i32 to vector<16xi32>
    %select_n3A_830 = arith.select %and3A_827, %broadcast_in_dim3A_829, %select_n3A_811 : vector<16xi1>, vector<16xi32>
    %or3A_831 = arith.ori %or3A_812, %and3A_827 : vector<16xi1>
    %add3A_832 = arith.addi %add3A_813, %and3A_819 : vector<16xi32>
    %shift_right_logical3A_833 = arith.constant 2 : i32
    %shift_right_logical3A_834 = vector.broadcast %shift_right_logical3A_833 : i32 to vector<16xi32>
    %shift_right_logical3A_835 = arith.shrui %gather3A_788, %shift_right_logical3A_834 : vector<16xi32>
    %and3A_836 = arith.constant 1 : i32
    %and3A_837 = vector.broadcast %and3A_836 : i32 to vector<16xi32>
    %and3A_838 = arith.andi %shift_right_logical3A_835, %and3A_837 : vector<16xi32>
    %eq3A_839 = arith.constant 1 : i32
    %eq3A_840 = vector.broadcast %eq3A_839 : i32 to vector<16xi32>
    %eq3A_841 = arith.cmpi eq, %and3A_838, %eq3A_840 : vector<16xi32>
    %eq3A_842 = arith.cmpi eq, %add3A_832, %sub3A_787 : vector<16xi32>
    %and3A_843 = arith.andi %eq3A_841, %eq3A_842 : vector<16xi1>
    %not3A_844 = arith.constant dense<true> : vector<16xi1>
    %not3A_845 = arith.xori %or3A_831, %not3A_844 : vector<16xi1>
    %and3A_846 = arith.andi %and3A_843, %not3A_845 : vector<16xi1>
    %jit3A_847 = arith.constant 2 : i32
    %broadcast_in_dim3A_848 = vector.broadcast %jit3A_847 : i32 to vector<16xi32>
    %select_n3A_849 = arith.select %and3A_846, %broadcast_in_dim3A_848, %select_n3A_830 : vector<16xi1>, vector<16xi32>
    %or3A_850 = arith.ori %or3A_831, %and3A_846 : vector<16xi1>
    %add3A_851 = arith.addi %add3A_832, %and3A_838 : vector<16xi32>
    %shift_right_logical3A_852 = arith.constant 3 : i32
    %shift_right_logical3A_853 = vector.broadcast %shift_right_logical3A_852 : i32 to vector<16xi32>
    %shift_right_logical3A_854 = arith.shrui %gather3A_788, %shift_right_logical3A_853 : vector<16xi32>
    %and3A_855 = arith.constant 1 : i32
    %and3A_856 = vector.broadcast %and3A_855 : i32 to vector<16xi32>
    %and3A_857 = arith.andi %shift_right_logical3A_854, %and3A_856 : vector<16xi32>
    %eq3A_858 = arith.constant 1 : i32
    %eq3A_859 = vector.broadcast %eq3A_858 : i32 to vector<16xi32>
    %eq3A_860 = arith.cmpi eq, %and3A_857, %eq3A_859 : vector<16xi32>
    %eq3A_861 = arith.cmpi eq, %add3A_851, %sub3A_787 : vector<16xi32>
    %and3A_862 = arith.andi %eq3A_860, %eq3A_861 : vector<16xi1>
    %not3A_863 = arith.constant dense<true> : vector<16xi1>
    %not3A_864 = arith.xori %or3A_850, %not3A_863 : vector<16xi1>
    %and3A_865 = arith.andi %and3A_862, %not3A_864 : vector<16xi1>
    %jit3A_866 = arith.constant 3 : i32
    %broadcast_in_dim3A_867 = vector.broadcast %jit3A_866 : i32 to vector<16xi32>
    %select_n3A_868 = arith.select %and3A_865, %broadcast_in_dim3A_867, %select_n3A_849 : vector<16xi1>, vector<16xi32>
    %or3A_869 = arith.ori %or3A_850, %and3A_865 : vector<16xi1>
    %add3A_870 = arith.addi %add3A_851, %and3A_857 : vector<16xi32>
    %shift_right_logical3A_871 = arith.constant 4 : i32
    %shift_right_logical3A_872 = vector.broadcast %shift_right_logical3A_871 : i32 to vector<16xi32>
    %shift_right_logical3A_873 = arith.shrui %gather3A_788, %shift_right_logical3A_872 : vector<16xi32>
    %and3A_874 = arith.constant 1 : i32
    %and3A_875 = vector.broadcast %and3A_874 : i32 to vector<16xi32>
    %and3A_876 = arith.andi %shift_right_logical3A_873, %and3A_875 : vector<16xi32>
    %eq3A_877 = arith.constant 1 : i32
    %eq3A_878 = vector.broadcast %eq3A_877 : i32 to vector<16xi32>
    %eq3A_879 = arith.cmpi eq, %and3A_876, %eq3A_878 : vector<16xi32>
    %eq3A_880 = arith.cmpi eq, %add3A_870, %sub3A_787 : vector<16xi32>
    %and3A_881 = arith.andi %eq3A_879, %eq3A_880 : vector<16xi1>
    %not3A_882 = arith.constant dense<true> : vector<16xi1>
    %not3A_883 = arith.xori %or3A_869, %not3A_882 : vector<16xi1>
    %and3A_884 = arith.andi %and3A_881, %not3A_883 : vector<16xi1>
    %jit3A_885 = arith.constant 4 : i32
    %broadcast_in_dim3A_886 = vector.broadcast %jit3A_885 : i32 to vector<16xi32>
    %select_n3A_887 = arith.select %and3A_884, %broadcast_in_dim3A_886, %select_n3A_868 : vector<16xi1>, vector<16xi32>
    %or3A_888 = arith.ori %or3A_869, %and3A_884 : vector<16xi1>
    %add3A_889 = arith.addi %add3A_870, %and3A_876 : vector<16xi32>
    %shift_right_logical3A_890 = arith.constant 5 : i32
    %shift_right_logical3A_891 = vector.broadcast %shift_right_logical3A_890 : i32 to vector<16xi32>
    %shift_right_logical3A_892 = arith.shrui %gather3A_788, %shift_right_logical3A_891 : vector<16xi32>
    %and3A_893 = arith.constant 1 : i32
    %and3A_894 = vector.broadcast %and3A_893 : i32 to vector<16xi32>
    %and3A_895 = arith.andi %shift_right_logical3A_892, %and3A_894 : vector<16xi32>
    %eq3A_896 = arith.constant 1 : i32
    %eq3A_897 = vector.broadcast %eq3A_896 : i32 to vector<16xi32>
    %eq3A_898 = arith.cmpi eq, %and3A_895, %eq3A_897 : vector<16xi32>
    %eq3A_899 = arith.cmpi eq, %add3A_889, %sub3A_787 : vector<16xi32>
    %and3A_900 = arith.andi %eq3A_898, %eq3A_899 : vector<16xi1>
    %not3A_901 = arith.constant dense<true> : vector<16xi1>
    %not3A_902 = arith.xori %or3A_888, %not3A_901 : vector<16xi1>
    %and3A_903 = arith.andi %and3A_900, %not3A_902 : vector<16xi1>
    %jit3A_904 = arith.constant 5 : i32
    %broadcast_in_dim3A_905 = vector.broadcast %jit3A_904 : i32 to vector<16xi32>
    %select_n3A_906 = arith.select %and3A_903, %broadcast_in_dim3A_905, %select_n3A_887 : vector<16xi1>, vector<16xi32>
    %or3A_907 = arith.ori %or3A_888, %and3A_903 : vector<16xi1>
    %add3A_908 = arith.addi %add3A_889, %and3A_895 : vector<16xi32>
    %shift_right_logical3A_909 = arith.constant 6 : i32
    %shift_right_logical3A_910 = vector.broadcast %shift_right_logical3A_909 : i32 to vector<16xi32>
    %shift_right_logical3A_911 = arith.shrui %gather3A_788, %shift_right_logical3A_910 : vector<16xi32>
    %and3A_912 = arith.constant 1 : i32
    %and3A_913 = vector.broadcast %and3A_912 : i32 to vector<16xi32>
    %and3A_914 = arith.andi %shift_right_logical3A_911, %and3A_913 : vector<16xi32>
    %eq3A_915 = arith.constant 1 : i32
    %eq3A_916 = vector.broadcast %eq3A_915 : i32 to vector<16xi32>
    %eq3A_917 = arith.cmpi eq, %and3A_914, %eq3A_916 : vector<16xi32>
    %eq3A_918 = arith.cmpi eq, %add3A_908, %sub3A_787 : vector<16xi32>
    %and3A_919 = arith.andi %eq3A_917, %eq3A_918 : vector<16xi1>
    %not3A_920 = arith.constant dense<true> : vector<16xi1>
    %not3A_921 = arith.xori %or3A_907, %not3A_920 : vector<16xi1>
    %and3A_922 = arith.andi %and3A_919, %not3A_921 : vector<16xi1>
    %jit3A_923 = arith.constant 6 : i32
    %broadcast_in_dim3A_924 = vector.broadcast %jit3A_923 : i32 to vector<16xi32>
    %select_n3A_925 = arith.select %and3A_922, %broadcast_in_dim3A_924, %select_n3A_906 : vector<16xi1>, vector<16xi32>
    %or3A_926 = arith.ori %or3A_907, %and3A_922 : vector<16xi1>
    %add3A_927 = arith.addi %add3A_908, %and3A_914 : vector<16xi32>
    %shift_right_logical3A_928 = arith.constant 7 : i32
    %shift_right_logical3A_929 = vector.broadcast %shift_right_logical3A_928 : i32 to vector<16xi32>
    %shift_right_logical3A_930 = arith.shrui %gather3A_788, %shift_right_logical3A_929 : vector<16xi32>
    %and3A_931 = arith.constant 1 : i32
    %and3A_932 = vector.broadcast %and3A_931 : i32 to vector<16xi32>
    %and3A_933 = arith.andi %shift_right_logical3A_930, %and3A_932 : vector<16xi32>
    %eq3A_934 = arith.constant 1 : i32
    %eq3A_935 = vector.broadcast %eq3A_934 : i32 to vector<16xi32>
    %eq3A_936 = arith.cmpi eq, %and3A_933, %eq3A_935 : vector<16xi32>
    %eq3A_937 = arith.cmpi eq, %add3A_927, %sub3A_787 : vector<16xi32>
    %and3A_938 = arith.andi %eq3A_936, %eq3A_937 : vector<16xi1>
    %not3A_939 = arith.constant dense<true> : vector<16xi1>
    %not3A_940 = arith.xori %or3A_926, %not3A_939 : vector<16xi1>
    %and3A_941 = arith.andi %and3A_938, %not3A_940 : vector<16xi1>
    %jit3A_942 = arith.constant 7 : i32
    %broadcast_in_dim3A_943 = vector.broadcast %jit3A_942 : i32 to vector<16xi32>
    %select_n3A_944 = arith.select %and3A_941, %broadcast_in_dim3A_943, %select_n3A_925 : vector<16xi1>, vector<16xi32>
    %or3A_945 = arith.ori %or3A_926, %and3A_941 : vector<16xi1>
    %add3A_946 = arith.addi %add3A_927, %and3A_933 : vector<16xi32>
    %shift_right_logical3A_947 = arith.constant 8 : i32
    %shift_right_logical3A_948 = vector.broadcast %shift_right_logical3A_947 : i32 to vector<16xi32>
    %shift_right_logical3A_949 = arith.shrui %gather3A_788, %shift_right_logical3A_948 : vector<16xi32>
    %and3A_950 = arith.constant 1 : i32
    %and3A_951 = vector.broadcast %and3A_950 : i32 to vector<16xi32>
    %and3A_952 = arith.andi %shift_right_logical3A_949, %and3A_951 : vector<16xi32>
    %eq3A_953 = arith.constant 1 : i32
    %eq3A_954 = vector.broadcast %eq3A_953 : i32 to vector<16xi32>
    %eq3A_955 = arith.cmpi eq, %and3A_952, %eq3A_954 : vector<16xi32>
    %eq3A_956 = arith.cmpi eq, %add3A_946, %sub3A_787 : vector<16xi32>
    %and3A_957 = arith.andi %eq3A_955, %eq3A_956 : vector<16xi1>
    %not3A_958 = arith.constant dense<true> : vector<16xi1>
    %not3A_959 = arith.xori %or3A_945, %not3A_958 : vector<16xi1>
    %and3A_960 = arith.andi %and3A_957, %not3A_959 : vector<16xi1>
    %jit3A_961 = arith.constant 8 : i32
    %broadcast_in_dim3A_962 = vector.broadcast %jit3A_961 : i32 to vector<16xi32>
    %select_n3A_963 = arith.select %and3A_960, %broadcast_in_dim3A_962, %select_n3A_944 : vector<16xi1>, vector<16xi32>
    %or3A_964 = arith.ori %or3A_945, %and3A_960 : vector<16xi1>
    %add3A_965 = arith.addi %add3A_946, %and3A_952 : vector<16xi32>
    %shift_right_logical3A_966 = arith.constant 9 : i32
    %shift_right_logical3A_967 = vector.broadcast %shift_right_logical3A_966 : i32 to vector<16xi32>
    %shift_right_logical3A_968 = arith.shrui %gather3A_788, %shift_right_logical3A_967 : vector<16xi32>
    %and3A_969 = arith.constant 1 : i32
    %and3A_970 = vector.broadcast %and3A_969 : i32 to vector<16xi32>
    %and3A_971 = arith.andi %shift_right_logical3A_968, %and3A_970 : vector<16xi32>
    %eq3A_972 = arith.constant 1 : i32
    %eq3A_973 = vector.broadcast %eq3A_972 : i32 to vector<16xi32>
    %eq3A_974 = arith.cmpi eq, %and3A_971, %eq3A_973 : vector<16xi32>
    %eq3A_975 = arith.cmpi eq, %add3A_965, %sub3A_787 : vector<16xi32>
    %and3A_976 = arith.andi %eq3A_974, %eq3A_975 : vector<16xi1>
    %not3A_977 = arith.constant dense<true> : vector<16xi1>
    %not3A_978 = arith.xori %or3A_964, %not3A_977 : vector<16xi1>
    %and3A_979 = arith.andi %and3A_976, %not3A_978 : vector<16xi1>
    %jit3A_980 = arith.constant 9 : i32
    %broadcast_in_dim3A_981 = vector.broadcast %jit3A_980 : i32 to vector<16xi32>
    %select_n3A_982 = arith.select %and3A_979, %broadcast_in_dim3A_981, %select_n3A_963 : vector<16xi1>, vector<16xi32>
    %or3A_983 = arith.ori %or3A_964, %and3A_979 : vector<16xi1>
    %add3A_984 = arith.addi %add3A_965, %and3A_971 : vector<16xi32>
    %shift_right_logical3A_985 = arith.constant 10 : i32
    %shift_right_logical3A_986 = vector.broadcast %shift_right_logical3A_985 : i32 to vector<16xi32>
    %shift_right_logical3A_987 = arith.shrui %gather3A_788, %shift_right_logical3A_986 : vector<16xi32>
    %and3A_988 = arith.constant 1 : i32
    %and3A_989 = vector.broadcast %and3A_988 : i32 to vector<16xi32>
    %and3A_990 = arith.andi %shift_right_logical3A_987, %and3A_989 : vector<16xi32>
    %eq3A_991 = arith.constant 1 : i32
    %eq3A_992 = vector.broadcast %eq3A_991 : i32 to vector<16xi32>
    %eq3A_993 = arith.cmpi eq, %and3A_990, %eq3A_992 : vector<16xi32>
    %eq3A_994 = arith.cmpi eq, %add3A_984, %sub3A_787 : vector<16xi32>
    %and3A_995 = arith.andi %eq3A_993, %eq3A_994 : vector<16xi1>
    %not3A_996 = arith.constant dense<true> : vector<16xi1>
    %not3A_997 = arith.xori %or3A_983, %not3A_996 : vector<16xi1>
    %and3A_998 = arith.andi %and3A_995, %not3A_997 : vector<16xi1>
    %jit3A_999 = arith.constant 10 : i32
    %broadcast_in_dim3A_1000 = vector.broadcast %jit3A_999 : i32 to vector<16xi32>
    %select_n3A_1001 = arith.select %and3A_998, %broadcast_in_dim3A_1000, %select_n3A_982 : vector<16xi1>, vector<16xi32>
    %or3A_1002 = arith.ori %or3A_983, %and3A_998 : vector<16xi1>
    %add3A_1003 = arith.addi %add3A_984, %and3A_990 : vector<16xi32>
    %shift_right_logical3A_1004 = arith.constant 11 : i32
    %shift_right_logical3A_1005 = vector.broadcast %shift_right_logical3A_1004 : i32 to vector<16xi32>
    %shift_right_logical3A_1006 = arith.shrui %gather3A_788, %shift_right_logical3A_1005 : vector<16xi32>
    %and3A_1007 = arith.constant 1 : i32
    %and3A_1008 = vector.broadcast %and3A_1007 : i32 to vector<16xi32>
    %and3A_1009 = arith.andi %shift_right_logical3A_1006, %and3A_1008 : vector<16xi32>
    %eq3A_1010 = arith.constant 1 : i32
    %eq3A_1011 = vector.broadcast %eq3A_1010 : i32 to vector<16xi32>
    %eq3A_1012 = arith.cmpi eq, %and3A_1009, %eq3A_1011 : vector<16xi32>
    %eq3A_1013 = arith.cmpi eq, %add3A_1003, %sub3A_787 : vector<16xi32>
    %and3A_1014 = arith.andi %eq3A_1012, %eq3A_1013 : vector<16xi1>
    %not3A_1015 = arith.constant dense<true> : vector<16xi1>
    %not3A_1016 = arith.xori %or3A_1002, %not3A_1015 : vector<16xi1>
    %and3A_1017 = arith.andi %and3A_1014, %not3A_1016 : vector<16xi1>
    %jit3A_1018 = arith.constant 11 : i32
    %broadcast_in_dim3A_1019 = vector.broadcast %jit3A_1018 : i32 to vector<16xi32>
    %select_n3A_1020 = arith.select %and3A_1017, %broadcast_in_dim3A_1019, %select_n3A_1001 : vector<16xi1>, vector<16xi32>
    %or3A_1021 = arith.ori %or3A_1002, %and3A_1017 : vector<16xi1>
    %add3A_1022 = arith.addi %add3A_1003, %and3A_1009 : vector<16xi32>
    %shift_right_logical3A_1023 = arith.constant 12 : i32
    %shift_right_logical3A_1024 = vector.broadcast %shift_right_logical3A_1023 : i32 to vector<16xi32>
    %shift_right_logical3A_1025 = arith.shrui %gather3A_788, %shift_right_logical3A_1024 : vector<16xi32>
    %and3A_1026 = arith.constant 1 : i32
    %and3A_1027 = vector.broadcast %and3A_1026 : i32 to vector<16xi32>
    %and3A_1028 = arith.andi %shift_right_logical3A_1025, %and3A_1027 : vector<16xi32>
    %eq3A_1029 = arith.constant 1 : i32
    %eq3A_1030 = vector.broadcast %eq3A_1029 : i32 to vector<16xi32>
    %eq3A_1031 = arith.cmpi eq, %and3A_1028, %eq3A_1030 : vector<16xi32>
    %eq3A_1032 = arith.cmpi eq, %add3A_1022, %sub3A_787 : vector<16xi32>
    %and3A_1033 = arith.andi %eq3A_1031, %eq3A_1032 : vector<16xi1>
    %not3A_1034 = arith.constant dense<true> : vector<16xi1>
    %not3A_1035 = arith.xori %or3A_1021, %not3A_1034 : vector<16xi1>
    %and3A_1036 = arith.andi %and3A_1033, %not3A_1035 : vector<16xi1>
    %jit3A_1037 = arith.constant 12 : i32
    %broadcast_in_dim3A_1038 = vector.broadcast %jit3A_1037 : i32 to vector<16xi32>
    %select_n3A_1039 = arith.select %and3A_1036, %broadcast_in_dim3A_1038, %select_n3A_1020 : vector<16xi1>, vector<16xi32>
    %or3A_1040 = arith.ori %or3A_1021, %and3A_1036 : vector<16xi1>
    %add3A_1041 = arith.addi %add3A_1022, %and3A_1028 : vector<16xi32>
    %shift_right_logical3A_1042 = arith.constant 13 : i32
    %shift_right_logical3A_1043 = vector.broadcast %shift_right_logical3A_1042 : i32 to vector<16xi32>
    %shift_right_logical3A_1044 = arith.shrui %gather3A_788, %shift_right_logical3A_1043 : vector<16xi32>
    %and3A_1045 = arith.constant 1 : i32
    %and3A_1046 = vector.broadcast %and3A_1045 : i32 to vector<16xi32>
    %and3A_1047 = arith.andi %shift_right_logical3A_1044, %and3A_1046 : vector<16xi32>
    %eq3A_1048 = arith.constant 1 : i32
    %eq3A_1049 = vector.broadcast %eq3A_1048 : i32 to vector<16xi32>
    %eq3A_1050 = arith.cmpi eq, %and3A_1047, %eq3A_1049 : vector<16xi32>
    %eq3A_1051 = arith.cmpi eq, %add3A_1041, %sub3A_787 : vector<16xi32>
    %and3A_1052 = arith.andi %eq3A_1050, %eq3A_1051 : vector<16xi1>
    %not3A_1053 = arith.constant dense<true> : vector<16xi1>
    %not3A_1054 = arith.xori %or3A_1040, %not3A_1053 : vector<16xi1>
    %and3A_1055 = arith.andi %and3A_1052, %not3A_1054 : vector<16xi1>
    %jit3A_1056 = arith.constant 13 : i32
    %broadcast_in_dim3A_1057 = vector.broadcast %jit3A_1056 : i32 to vector<16xi32>
    %select_n3A_1058 = arith.select %and3A_1055, %broadcast_in_dim3A_1057, %select_n3A_1039 : vector<16xi1>, vector<16xi32>
    %or3A_1059 = arith.ori %or3A_1040, %and3A_1055 : vector<16xi1>
    %add3A_1060 = arith.addi %add3A_1041, %and3A_1047 : vector<16xi32>
    %shift_right_logical3A_1061 = arith.constant 14 : i32
    %shift_right_logical3A_1062 = vector.broadcast %shift_right_logical3A_1061 : i32 to vector<16xi32>
    %shift_right_logical3A_1063 = arith.shrui %gather3A_788, %shift_right_logical3A_1062 : vector<16xi32>
    %and3A_1064 = arith.constant 1 : i32
    %and3A_1065 = vector.broadcast %and3A_1064 : i32 to vector<16xi32>
    %and3A_1066 = arith.andi %shift_right_logical3A_1063, %and3A_1065 : vector<16xi32>
    %eq3A_1067 = arith.constant 1 : i32
    %eq3A_1068 = vector.broadcast %eq3A_1067 : i32 to vector<16xi32>
    %eq3A_1069 = arith.cmpi eq, %and3A_1066, %eq3A_1068 : vector<16xi32>
    %eq3A_1070 = arith.cmpi eq, %add3A_1060, %sub3A_787 : vector<16xi32>
    %and3A_1071 = arith.andi %eq3A_1069, %eq3A_1070 : vector<16xi1>
    %not3A_1072 = arith.constant dense<true> : vector<16xi1>
    %not3A_1073 = arith.xori %or3A_1059, %not3A_1072 : vector<16xi1>
    %and3A_1074 = arith.andi %and3A_1071, %not3A_1073 : vector<16xi1>
    %jit3A_1075 = arith.constant 14 : i32
    %broadcast_in_dim3A_1076 = vector.broadcast %jit3A_1075 : i32 to vector<16xi32>
    %select_n3A_1077 = arith.select %and3A_1074, %broadcast_in_dim3A_1076, %select_n3A_1058 : vector<16xi1>, vector<16xi32>
    %or3A_1078 = arith.ori %or3A_1059, %and3A_1074 : vector<16xi1>
    %add3A_1079 = arith.addi %add3A_1060, %and3A_1066 : vector<16xi32>
    %jit3A_1080 = arith.constant 0 : i32
    %broadcast_in_dim3A_1081 = vector.broadcast %jit3A_1080 : i32 to vector<16xi32>
    %select_n3A_1082 = arith.select %lt3A_770, %select_n3A_1077, %broadcast_in_dim3A_1081 : vector<16xi1>, vector<16xi32>
    %mul3A_1083 = arith.constant 20000 : i32
    %mul3A_1084 = arith.muli %arg0, %mul3A_1083 : i32
    %add3A_1085 = vector.broadcast %mul3A_1084 : i32 to vector<16xi32>
    %add3A_1086 = arith.addi %add3A_1085, %select_n3A_773 : vector<16xi32>
    %swap3A_1087 = arith.constant 0 : index
    %swap3A_1088 = tpu.vector_load %arg10[%swap3A_1087] {strides = array<i32>} : memref<16xi32, #tpu.memory_space<vmem>>, vector<16xi32>,
    tpu.vector_store %arg10[%swap3A_1087], %add3A_1086 {strides = array<i32>} : memref<16xi32, #tpu.memory_space<vmem>>, vector<16xi32>,
    %swap3A_1089 = arith.constant 0 : index
    %swap3A_1090 = tpu.vector_load %arg13[%swap3A_1089] {strides = array<i32>} : memref<16xi32, #tpu.memory_space<vmem>>, vector<16xi32>,
    tpu.vector_store %arg13[%swap3A_1089], %select_n3A_1082 {strides = array<i32>} : memref<16xi32, #tpu.memory_space<vmem>>, vector<16xi32>,
    %dma_start3A = arith.constant 0 : i32
    %dma_start3A_1091 = arith.constant 0 : i32
    %dma_start3A_1092 = tpu.memref_slice %arg2[%dma_start3A, %dma_start3A_1091] : memref<40000x128xf32, #tpu.memory_space<hbm>> -> memref<40000x128xf32, #tpu.memory_space<hbm>>
    tpu.enqueue_indirect_dma source(%dma_start3A_1092 : memref<40000x128xf32, #tpu.memory_space<hbm>>) target(%arg11 : memref<16x128xf32, #tpu.memory_space<vmem>>) offsets(%arg10 : memref<16xi32, #tpu.memory_space<vmem>>) semaphore(%arg19 : memref<!tpu.dma_semaphore, #tpu.memory_space<semaphore_mem>>)
    %dma_wait3A = arith.constant 0 : i32
    %dma_wait3A_1093 = arith.constant 0 : i32
    %dma_wait3A_1094 = tpu.memref_slice %arg2[%dma_wait3A, %dma_wait3A_1093] : memref<40000x128xf32, #tpu.memory_space<hbm>> -> memref<40000x128xf32, #tpu.memory_space<hbm>>
    tpu.wait_indirect_dma semaphore(%arg19 : memref<!tpu.dma_semaphore, #tpu.memory_space<semaphore_mem>>) src(%dma_wait3A_1094 : memref<40000x128xf32, #tpu.memory_space<hbm>>) dst(%arg11 : memref<16x128xf32, #tpu.memory_space<vmem>>)
    %scan3A_1095 = arith.constant 0 : i32
    %scan3A_1096 = arith.constant 16 : i32
    %scan3A_1097 = arith.addi %scan3A_1095, %scan3A_1096 : i32
    %scan3A_1098 = arith.constant 1 : i32
    scf.for %scan3A_1108 = %scan3A_1095 to %scan3A_1097 step %scan3A_1098  : i32 {
      %mul3A_1109 = arith.constant 1 : i32
      %mul3A_1110 = arith.muli %scan3A_1108, %mul3A_1109 : i32
      %add3A_1111 = arith.constant 0 : i32
      %add3A_1112 = arith.addi %add3A_1111, %mul3A_1110 : i32
      %broadcast_in_dim3A_1113 = arith.constant 0 : i32
      %broadcast_in_dim3A_1114 = vector.broadcast %broadcast_in_dim3A_1113 : i32 to vector<16xi32>
      %add3A_1115 = vector.broadcast %add3A_1112 : i32 to vector<16xi32>
      %add3A_1116 = arith.addi %broadcast_in_dim3A_1114, %add3A_1115 : vector<16xi32>
      %gather3A_1117 = tpu.vector_load_idx %arg13[%add3A_1116] : memref<16xi32, #tpu.memory_space<vmem>>[vector<16xi32>], vector<16xi32>,
      %get3A = arith.index_cast %add3A_1112 : i32 to index
      %get3A_1118 = arith.constant 0 : index
      %get3A_1119 = tpu.vector_load %arg11[%get3A, %get3A_1118] {strides = array<i32>} : memref<16x128xf32, #tpu.memory_space<vmem>>, vector<16xf32>,
      %get3A_1120 = arith.index_cast %add3A_1112 : i32 to index
      %get3A_1121 = arith.constant 6 : index
      %get3A_1122 = tpu.vector_load %arg11[%get3A_1120, %get3A_1121] {strides = array<i32>} : memref<16x128xf32, #tpu.memory_space<vmem>>, vector<16xf32>,
      %broadcast_in_dim3A_1123 = arith.constant 0 : i32
      %broadcast_in_dim3A_1124 = vector.broadcast %broadcast_in_dim3A_1123 : i32 to vector<16xi32>
      %add3A_1125 = vector.broadcast %add3A_1112 : i32 to vector<16xi32>
      %add3A_1126 = arith.addi %broadcast_in_dim3A_1124, %add3A_1125 : vector<16xi32>
      %broadcast_in_dim3A_1127 = arith.constant 0 : i32
      %broadcast_in_dim3A_1128 = vector.broadcast %broadcast_in_dim3A_1127 : i32 to vector<16xi32>
      %add3A_1129 = arith.constant 4 : i32
      %add3A_1130 = vector.broadcast %add3A_1129 : i32 to vector<16xi32>
      %add3A_1131 = arith.addi %broadcast_in_dim3A_1128, %add3A_1130 : vector<16xi32>
      %gather3A_1132 = tpu.vector_load_idx %arg11[%add3A_1126, %add3A_1131] : memref<16x128xf32, #tpu.memory_space<vmem>>[vector<16xi32>, vector<16xi32>], vector<16xf32>,
      %broadcast_in_dim3A_1133 = arith.constant 0 : i32
      %broadcast_in_dim3A_1134 = vector.broadcast %broadcast_in_dim3A_1133 : i32 to vector<16xi32>
      %add3A_1135 = vector.broadcast %add3A_1112 : i32 to vector<16xi32>
      %add3A_1136 = arith.addi %broadcast_in_dim3A_1134, %add3A_1135 : vector<16xi32>
      %broadcast_in_dim3A_1137 = arith.constant 0 : i32
      %broadcast_in_dim3A_1138 = vector.broadcast %broadcast_in_dim3A_1137 : i32 to vector<16xi32>
      %add3A_1139 = arith.constant 5 : i32
      %add3A_1140 = vector.broadcast %add3A_1139 : i32 to vector<16xi32>
      %add3A_1141 = arith.addi %broadcast_in_dim3A_1138, %add3A_1140 : vector<16xi32>
      %gather3A_1142 = tpu.vector_load_idx %arg11[%add3A_1136, %add3A_1141] : memref<16x128xf32, #tpu.memory_space<vmem>>[vector<16xi32>, vector<16xi32>], vector<16xf32>,
      %convert_element_type3A_1143 = arith.sitofp %gather3A_1117 : vector<16xi32> to vector<16xf32>
      %mul3A_1144 = arith.constant 4.096000e+03 : f32
      %mul3A_1145 = vector.broadcast %mul3A_1144 : f32 to vector<16xf32>
      %mul3A_1146 = arith.mulf %convert_element_type3A_1143, %mul3A_1145 : vector<16xf32>
      %eq3A_1147 = arith.cmpi eq, %iota3A, %gather3A_1117 : vector<16xi32>
      %jit3A_1148 = arith.constant 0.000000e+00 : f32
      %broadcast_in_dim3A_1149 = vector.broadcast %jit3A_1148 : f32 to vector<16xf32>
      %select_n3A_1150 = arith.select %eq3A_1147, %get3A_1122, %broadcast_in_dim3A_1149 : vector<16xi1>, vector<16xf32>
      %reduce_sum3A_1151 = arith.constant true
      %reduce_sum3A_1152 = vector.broadcast %reduce_sum3A_1151 : i1 to vector<16xi1>
      %reduce_sum3A_1153 = tpu.scan <sum>, %select_n3A_1150 masked %reduce_sum3A_1152 : vector<16xf32>, vector<16xi1> -> vector<16xf32>
      %reduce_sum3A_1154 = vector.extract %reduce_sum3A_1153[15] : f32 from vector<16xf32>
      %mul3A_1155 = vector.broadcast %reduce_sum3A_1154 : f32 to vector<16xf32>
      %mul3A_1156 = arith.mulf %mul3A_1155, %gather3A_1132 : vector<16xf32>
      %lt3A_1157 = arith.constant 4 : i32
      %lt3A_1158 = vector.broadcast %lt3A_1157 : i32 to vector<16xi32>
      %lt3A_1159 = arith.cmpi slt, %iota3A, %lt3A_1158 : vector<16xi32>
      %add3A_1160 = arith.addf %get3A_1119, %mul3A_1146 : vector<16xf32>
      %eq3A_1161 = arith.constant 4 : i32
      %eq3A_1162 = vector.broadcast %eq3A_1161 : i32 to vector<16xi32>
      %eq3A_1163 = arith.cmpi eq, %iota3A, %eq3A_1162 : vector<16xi32>
      %eq3A_1164 = arith.constant 5 : i32
      %eq3A_1165 = vector.broadcast %eq3A_1164 : i32 to vector<16xi32>
      %eq3A_1166 = arith.cmpi eq, %iota3A, %eq3A_1165 : vector<16xi32>
      %eq3A_1167 = arith.constant 6 : i32
      %eq3A_1168 = vector.broadcast %eq3A_1167 : i32 to vector<16xi32>
      %eq3A_1169 = arith.cmpi eq, %iota3A, %eq3A_1168 : vector<16xi32>
      %convert_element_type3A_1170 = arith.sitofp %gather3A_1117 : vector<16xi32> to vector<16xf32>
      %jit3A_1171 = arith.constant 0.000000e+00 : f32
      %broadcast_in_dim3A_1172 = vector.broadcast %jit3A_1171 : f32 to vector<16xf32>
      %select_n3A_1173 = arith.select %eq3A_1169, %convert_element_type3A_1170, %broadcast_in_dim3A_1172 : vector<16xi1>, vector<16xf32>
      %select_n3A_1174 = arith.select %eq3A_1166, %mul3A_1156, %select_n3A_1173 : vector<16xi1>, vector<16xf32>
      %select_n3A_1175 = arith.select %eq3A_1163, %gather3A_1142, %select_n3A_1174 : vector<16xi1>, vector<16xf32>
      %select_n3A_1176 = arith.select %lt3A_1159, %add3A_1160, %select_n3A_1175 : vector<16xi1>, vector<16xf32>
      %mul3A_1177 = arith.constant 16 : i32
      %mul3A_1178 = arith.muli %mul3A_1177, %arg1 : i32
      %add3A_1179 = arith.addi %mul3A_1178, %add3A_1112 : i32
      %lt3A_1180 = arith.cmpi slt, %add3A_1179, %reduce_sum3A_49 : i32
      %jit3A_1181 = arith.constant 1.000000e+00 : f32
      %jit3A_1182 = arith.constant 0.000000e+00 : f32
      %select_n3A_1183 = arith.select %lt3A_1180, %jit3A_1181, %jit3A_1182 : f32
      %mul3A_1184 = vector.broadcast %select_n3A_1183 : f32 to vector<16xf32>
      %mul3A_1185 = arith.mulf %select_n3A_1176, %mul3A_1184 : vector<16xf32>
      %swap3A_1186 = arith.index_cast %add3A_1112 : i32 to index
      %swap3A_1187 = arith.constant 0 : index
      %swap3A_1188 = tpu.vector_load %arg12[%swap3A_1186, %swap3A_1187] {strides = array<i32>} : memref<16x16xf32, #tpu.memory_space<vmem>>, vector<16xf32>,
      tpu.vector_store %arg12[%swap3A_1186, %swap3A_1187], %mul3A_1185 {strides = array<i32>} : memref<16x16xf32, #tpu.memory_space<vmem>>, vector<16xf32>,
    }
    %scan3A_1099 = arith.constant 16 : i32
    %mul3A_1100 = arith.constant 16 : i32
    %mul3A_1101 = arith.muli %mul3A_1100, %arg1 : i32
    "tpu.region"() ({
      %run_scoped3A_1108 = tpu.sem_alloc : memref<!tpu.dma_semaphore, #tpu.memory_space<semaphore_mem>>
      %dma_start3A_1109 = arith.constant 0 : i32
      %dma_start3A_1110 = arith.constant 0 : i32
      %dma_start3A_1111 = tpu.memref_slice %arg4[%arg0, %dma_start3A_1109, %dma_start3A_1110] : memref<2x304x16xf32, #tpu.memory_space<hbm>> -> memref<1x304x16xf32, #tpu.memory_space<hbm>>
      %dma_start3A_1112 = tpu.memref_squeeze %dma_start3A_1111 : memref<1x304x16xf32, #tpu.memory_space<hbm>> -> memref<304x16xf32, #tpu.memory_space<hbm>>
      %dma_start3A_1113 = arith.constant 0 : i32
      %dma_start3A_1114 = tpu.memref_slice %dma_start3A_1112[%mul3A_1101, %dma_start3A_1113] : memref<304x16xf32, #tpu.memory_space<hbm>> -> memref<16x16xf32, #tpu.memory_space<hbm>>
      %dma_start3A_1115 = arith.constant 0 : i32
      %dma_start3A_1116 = arith.constant 0 : i32
      %dma_start3A_1117 = tpu.memref_slice %arg4[%arg0, %dma_start3A_1115, %dma_start3A_1116] : memref<2x304x16xf32, #tpu.memory_space<hbm>> -> memref<1x304x16xf32, #tpu.memory_space<hbm>>
      %dma_start3A_1118 = tpu.memref_squeeze %dma_start3A_1117 : memref<1x304x16xf32, #tpu.memory_space<hbm>> -> memref<304x16xf32, #tpu.memory_space<hbm>>
      %dma_start3A_1119 = arith.constant 0 : i32
      %dma_start3A_1120 = tpu.memref_slice %dma_start3A_1118[%mul3A_1101, %dma_start3A_1119] : memref<304x16xf32, #tpu.memory_space<hbm>> -> memref<16x16xf32, #tpu.memory_space<hbm>>
      tpu.enqueue_dma source(%arg12 : memref<16x16xf32, #tpu.memory_space<vmem>>) target(%dma_start3A_1120 : memref<16x16xf32, #tpu.memory_space<hbm>>) target_semaphore(%run_scoped3A_1108 : memref<!tpu.dma_semaphore, #tpu.memory_space<semaphore_mem>>)
      %dma_wait3A_1121 = arith.constant 0 : i32
      %dma_wait3A_1122 = arith.constant 0 : i32
      %dma_wait3A_1123 = tpu.memref_slice %arg4[%arg0, %dma_wait3A_1121, %dma_wait3A_1122] : memref<2x304x16xf32, #tpu.memory_space<hbm>> -> memref<1x304x16xf32, #tpu.memory_space<hbm>>
      %dma_wait3A_1124 = tpu.memref_squeeze %dma_wait3A_1123 : memref<1x304x16xf32, #tpu.memory_space<hbm>> -> memref<304x16xf32, #tpu.memory_space<hbm>>
      %dma_wait3A_1125 = arith.constant 0 : i32
      %dma_wait3A_1126 = tpu.memref_slice %dma_wait3A_1124[%mul3A_1101, %dma_wait3A_1125] : memref<304x16xf32, #tpu.memory_space<hbm>> -> memref<16x16xf32, #tpu.memory_space<hbm>>
      %dma_wait3A_1127 = arith.constant 0 : i32
      %dma_wait3A_1128 = arith.constant 0 : i32
      %dma_wait3A_1129 = tpu.memref_slice %arg4[%arg0, %dma_wait3A_1127, %dma_wait3A_1128] : memref<2x304x16xf32, #tpu.memory_space<hbm>> -> memref<1x304x16xf32, #tpu.memory_space<hbm>>
      %dma_wait3A_1130 = tpu.memref_squeeze %dma_wait3A_1129 : memref<1x304x16xf32, #tpu.memory_space<hbm>> -> memref<304x16xf32, #tpu.memory_space<hbm>>
      %dma_wait3A_1131 = arith.constant 0 : i32
      %dma_wait3A_1132 = tpu.memref_slice %dma_wait3A_1130[%mul3A_1101, %dma_wait3A_1131] : memref<304x16xf32, #tpu.memory_space<hbm>> -> memref<16x16xf32, #tpu.memory_space<hbm>>
      tpu.wait_dma2 semaphore(%run_scoped3A_1108 : memref<!tpu.dma_semaphore, #tpu.memory_space<semaphore_mem>>) src(%arg12 : memref<16x16xf32, #tpu.memory_space<vmem>>) dst(%dma_wait3A_1132 : memref<16x16xf32, #tpu.memory_space<hbm>>)
      tpu.yield
    }) : () -> ()
    %lt3A_1102 = arith.constant 3 : i32
    %lt3A_1103 = arith.cmpi slt, %arg1, %lt3A_1102 : i32
    %convert_element_type3A_1104 = arith.extui %lt3A_1103 : i1 to i32
    %cond3A_1105 = arith.constant 0 : i32
    %cond3A_1106 = arith.cmpi ne, %convert_element_type3A_1104, %cond3A_1105 : i32
    scf.if %cond3A_1106 {
      %add3A_1108 = arith.constant 16 : i32
      %add3A_1109 = arith.addi %add3A_1108, %arg1 : i32
      %mul3A_1110 = arith.constant 16 : i32
      %mul3A_1111 = arith.muli %mul3A_1110, %add3A_1109 : i32
      %add3A_1112 = vector.broadcast %mul3A_1111 : i32 to vector<16xi32>
      %add3A_1113 = arith.addi %add3A_1112, %iota3A : vector<16xi32>
      %broadcast_in_dim3A_1114 = arith.constant 0 : i32
      %broadcast_in_dim3A_1115 = vector.broadcast %broadcast_in_dim3A_1114 : i32 to vector<16xi32>
      %broadcast_in_dim3A_1116 = arith.constant 0 : i32
      %broadcast_in_dim3A_1117 = vector.broadcast %broadcast_in_dim3A_1116 : i32 to vector<16xi32>
      %add3A_1118 = arith.constant 20000 : i32
      %add3A_1119 = vector.broadcast %add3A_1118 : i32 to vector<16xi32>
      %add3A_1120 = arith.addi %broadcast_in_dim3A_1117, %add3A_1119 : vector<16xi32>
      %broadcast_in_dim3A_1121 = arith.constant 0 : i32
      %broadcast_in_dim3A_1122 = vector.broadcast %broadcast_in_dim3A_1121 : i32 to vector<16xi32>
      %add3A_1123 = arith.constant 19999 : i32
      %add3A_1124 = vector.broadcast %add3A_1123 : i32 to vector<16xi32>
      %add3A_1125 = arith.addi %broadcast_in_dim3A_1122, %add3A_1124 : vector<16xi32>
      %add3A_1126 = arith.addi %broadcast_in_dim3A_1115, %add3A_1120 : vector<16xi32>
      %shift_right_logical3A_1127 = arith.constant 1 : i32
      %shift_right_logical3A_1128 = vector.broadcast %shift_right_logical3A_1127 : i32 to vector<16xi32>
      %shift_right_logical3A_1129 = arith.shrui %add3A_1126, %shift_right_logical3A_1128 : vector<16xi32>
      %min3A_1130 = arith.minsi %shift_right_logical3A_1129, %add3A_1125 : vector<16xi32>
      %gather3A_1131 = tpu.vector_load_idx %arg8[%min3A_1130] : memref<20000xi32, #tpu.memory_space<vmem>>[vector<16xi32>], vector<16xi32>,
      %gt3A_1132 = arith.cmpi sgt, %gather3A_1131, %add3A_1113 : vector<16xi32>
      %select_n3A_1133 = arith.select %gt3A_1132, %min3A_1130, %add3A_1120 : vector<16xi1>, vector<16xi32>
      %add3A_1134 = arith.constant 1 : i32
      %add3A_1135 = vector.broadcast %add3A_1134 : i32 to vector<16xi32>
      %add3A_1136 = arith.addi %min3A_1130, %add3A_1135 : vector<16xi32>
      %select_n3A_1137 = arith.select %gt3A_1132, %broadcast_in_dim3A_1115, %add3A_1136 : vector<16xi1>, vector<16xi32>
      %add3A_1138 = arith.addi %select_n3A_1137, %select_n3A_1133 : vector<16xi32>
      %shift_right_logical3A_1139 = arith.constant 1 : i32
      %shift_right_logical3A_1140 = vector.broadcast %shift_right_logical3A_1139 : i32 to vector<16xi32>
      %shift_right_logical3A_1141 = arith.shrui %add3A_1138, %shift_right_logical3A_1140 : vector<16xi32>
      %min3A_1142 = arith.minsi %shift_right_logical3A_1141, %add3A_1125 : vector<16xi32>
      %gather3A_1143 = tpu.vector_load_idx %arg8[%min3A_1142] : memref<20000xi32, #tpu.memory_space<vmem>>[vector<16xi32>], vector<16xi32>,
      %gt3A_1144 = arith.cmpi sgt, %gather3A_1143, %add3A_1113 : vector<16xi32>
      %select_n3A_1145 = arith.select %gt3A_1144, %min3A_1142, %select_n3A_1133 : vector<16xi1>, vector<16xi32>
      %add3A_1146 = arith.constant 1 : i32
      %add3A_1147 = vector.broadcast %add3A_1146 : i32 to vector<16xi32>
      %add3A_1148 = arith.addi %min3A_1142, %add3A_1147 : vector<16xi32>
      %select_n3A_1149 = arith.select %gt3A_1144, %select_n3A_1137, %add3A_1148 : vector<16xi1>, vector<16xi32>
      %add3A_1150 = arith.addi %select_n3A_1149, %select_n3A_1145 : vector<16xi32>
      %shift_right_logical3A_1151 = arith.constant 1 : i32
      %shift_right_logical3A_1152 = vector.broadcast %shift_right_logical3A_1151 : i32 to vector<16xi32>
      %shift_right_logical3A_1153 = arith.shrui %add3A_1150, %shift_right_logical3A_1152 : vector<16xi32>
      %min3A_1154 = arith.minsi %shift_right_logical3A_1153, %add3A_1125 : vector<16xi32>
      %gather3A_1155 = tpu.vector_load_idx %arg8[%min3A_1154] : memref<20000xi32, #tpu.memory_space<vmem>>[vector<16xi32>], vector<16xi32>,
      %gt3A_1156 = arith.cmpi sgt, %gather3A_1155, %add3A_1113 : vector<16xi32>
      %select_n3A_1157 = arith.select %gt3A_1156, %min3A_1154, %select_n3A_1145 : vector<16xi1>, vector<16xi32>
      %add3A_1158 = arith.constant 1 : i32
      %add3A_1159 = vector.broadcast %add3A_1158 : i32 to vector<16xi32>
      %add3A_1160 = arith.addi %min3A_1154, %add3A_1159 : vector<16xi32>
      %select_n3A_1161 = arith.select %gt3A_1156, %select_n3A_1149, %add3A_1160 : vector<16xi1>, vector<16xi32>
      %add3A_1162 = arith.addi %select_n3A_1161, %select_n3A_1157 : vector<16xi32>
      %shift_right_logical3A_1163 = arith.constant 1 : i32
      %shift_right_logical3A_1164 = vector.broadcast %shift_right_logical3A_1163 : i32 to vector<16xi32>
      %shift_right_logical3A_1165 = arith.shrui %add3A_1162, %shift_right_logical3A_1164 : vector<16xi32>
      %min3A_1166 = arith.minsi %shift_right_logical3A_1165, %add3A_1125 : vector<16xi32>
      %gather3A_1167 = tpu.vector_load_idx %arg8[%min3A_1166] : memref<20000xi32, #tpu.memory_space<vmem>>[vector<16xi32>], vector<16xi32>,
      %gt3A_1168 = arith.cmpi sgt, %gather3A_1167, %add3A_1113 : vector<16xi32>
      %select_n3A_1169 = arith.select %gt3A_1168, %min3A_1166, %select_n3A_1157 : vector<16xi1>, vector<16xi32>
      %add3A_1170 = arith.constant 1 : i32
      %add3A_1171 = vector.broadcast %add3A_1170 : i32 to vector<16xi32>
      %add3A_1172 = arith.addi %min3A_1166, %add3A_1171 : vector<16xi32>
      %select_n3A_1173 = arith.select %gt3A_1168, %select_n3A_1161, %add3A_1172 : vector<16xi1>, vector<16xi32>
      %add3A_1174 = arith.addi %select_n3A_1173, %select_n3A_1169 : vector<16xi32>
      %shift_right_logical3A_1175 = arith.constant 1 : i32
      %shift_right_logical3A_1176 = vector.broadcast %shift_right_logical3A_1175 : i32 to vector<16xi32>
      %shift_right_logical3A_1177 = arith.shrui %add3A_1174, %shift_right_logical3A_1176 : vector<16xi32>
      %min3A_1178 = arith.minsi %shift_right_logical3A_1177, %add3A_1125 : vector<16xi32>
      %gather3A_1179 = tpu.vector_load_idx %arg8[%min3A_1178] : memref<20000xi32, #tpu.memory_space<vmem>>[vector<16xi32>], vector<16xi32>,
      %gt3A_1180 = arith.cmpi sgt, %gather3A_1179, %add3A_1113 : vector<16xi32>
      %select_n3A_1181 = arith.select %gt3A_1180, %min3A_1178, %select_n3A_1169 : vector<16xi1>, vector<16xi32>
      %add3A_1182 = arith.constant 1 : i32
      %add3A_1183 = vector.broadcast %add3A_1182 : i32 to vector<16xi32>
      %add3A_1184 = arith.addi %min3A_1178, %add3A_1183 : vector<16xi32>
      %select_n3A_1185 = arith.select %gt3A_1180, %select_n3A_1173, %add3A_1184 : vector<16xi1>, vector<16xi32>
      %add3A_1186 = arith.addi %select_n3A_1185, %select_n3A_1181 : vector<16xi32>
      %shift_right_logical3A_1187 = arith.constant 1 : i32
      %shift_right_logical3A_1188 = vector.broadcast %shift_right_logical3A_1187 : i32 to vector<16xi32>
      %shift_right_logical3A_1189 = arith.shrui %add3A_1186, %shift_right_logical3A_1188 : vector<16xi32>
      %min3A_1190 = arith.minsi %shift_right_logical3A_1189, %add3A_1125 : vector<16xi32>
      %gather3A_1191 = tpu.vector_load_idx %arg8[%min3A_1190] : memref<20000xi32, #tpu.memory_space<vmem>>[vector<16xi32>], vector<16xi32>,
      %gt3A_1192 = arith.cmpi sgt, %gather3A_1191, %add3A_1113 : vector<16xi32>
      %select_n3A_1193 = arith.select %gt3A_1192, %min3A_1190, %select_n3A_1181 : vector<16xi1>, vector<16xi32>
      %add3A_1194 = arith.constant 1 : i32
      %add3A_1195 = vector.broadcast %add3A_1194 : i32 to vector<16xi32>
      %add3A_1196 = arith.addi %min3A_1190, %add3A_1195 : vector<16xi32>
      %select_n3A_1197 = arith.select %gt3A_1192, %select_n3A_1185, %add3A_1196 : vector<16xi1>, vector<16xi32>
      %add3A_1198 = arith.addi %select_n3A_1197, %select_n3A_1193 : vector<16xi32>
      %shift_right_logical3A_1199 = arith.constant 1 : i32
      %shift_right_logical3A_1200 = vector.broadcast %shift_right_logical3A_1199 : i32 to vector<16xi32>
      %shift_right_logical3A_1201 = arith.shrui %add3A_1198, %shift_right_logical3A_1200 : vector<16xi32>
      %min3A_1202 = arith.minsi %shift_right_logical3A_1201, %add3A_1125 : vector<16xi32>
      %gather3A_1203 = tpu.vector_load_idx %arg8[%min3A_1202] : memref<20000xi32, #tpu.memory_space<vmem>>[vector<16xi32>], vector<16xi32>,
      %gt3A_1204 = arith.cmpi sgt, %gather3A_1203, %add3A_1113 : vector<16xi32>
      %select_n3A_1205 = arith.select %gt3A_1204, %min3A_1202, %select_n3A_1193 : vector<16xi1>, vector<16xi32>
      %add3A_1206 = arith.constant 1 : i32
      %add3A_1207 = vector.broadcast %add3A_1206 : i32 to vector<16xi32>
      %add3A_1208 = arith.addi %min3A_1202, %add3A_1207 : vector<16xi32>
      %select_n3A_1209 = arith.select %gt3A_1204, %select_n3A_1197, %add3A_1208 : vector<16xi1>, vector<16xi32>
      %add3A_1210 = arith.addi %select_n3A_1209, %select_n3A_1205 : vector<16xi32>
      %shift_right_logical3A_1211 = arith.constant 1 : i32
      %shift_right_logical3A_1212 = vector.broadcast %shift_right_logical3A_1211 : i32 to vector<16xi32>
      %shift_right_logical3A_1213 = arith.shrui %add3A_1210, %shift_right_logical3A_1212 : vector<16xi32>
      %min3A_1214 = arith.minsi %shift_right_logical3A_1213, %add3A_1125 : vector<16xi32>
      %gather3A_1215 = tpu.vector_load_idx %arg8[%min3A_1214] : memref<20000xi32, #tpu.memory_space<vmem>>[vector<16xi32>], vector<16xi32>,
      %gt3A_1216 = arith.cmpi sgt, %gather3A_1215, %add3A_1113 : vector<16xi32>
      %select_n3A_1217 = arith.select %gt3A_1216, %min3A_1214, %select_n3A_1205 : vector<16xi1>, vector<16xi32>
      %add3A_1218 = arith.constant 1 : i32
      %add3A_1219 = vector.broadcast %add3A_1218 : i32 to vector<16xi32>
      %add3A_1220 = arith.addi %min3A_1214, %add3A_1219 : vector<16xi32>
      %select_n3A_1221 = arith.select %gt3A_1216, %select_n3A_1209, %add3A_1220 : vector<16xi1>, vector<16xi32>
      %add3A_1222 = arith.addi %select_n3A_1221, %select_n3A_1217 : vector<16xi32>
      %shift_right_logical3A_1223 = arith.constant 1 : i32
      %shift_right_logical3A_1224 = vector.broadcast %shift_right_logical3A_1223 : i32 to vector<16xi32>
      %shift_right_logical3A_1225 = arith.shrui %add3A_1222, %shift_right_logical3A_1224 : vector<16xi32>
      %min3A_1226 = arith.minsi %shift_right_logical3A_1225, %add3A_1125 : vector<16xi32>
      %gather3A_1227 = tpu.vector_load_idx %arg8[%min3A_1226] : memref<20000xi32, #tpu.memory_space<vmem>>[vector<16xi32>], vector<16xi32>,
      %gt3A_1228 = arith.cmpi sgt, %gather3A_1227, %add3A_1113 : vector<16xi32>
      %select_n3A_1229 = arith.select %gt3A_1228, %min3A_1226, %select_n3A_1217 : vector<16xi1>, vector<16xi32>
      %add3A_1230 = arith.constant 1 : i32
      %add3A_1231 = vector.broadcast %add3A_1230 : i32 to vector<16xi32>
      %add3A_1232 = arith.addi %min3A_1226, %add3A_1231 : vector<16xi32>
      %select_n3A_1233 = arith.select %gt3A_1228, %select_n3A_1221, %add3A_1232 : vector<16xi1>, vector<16xi32>
      %add3A_1234 = arith.addi %select_n3A_1233, %select_n3A_1229 : vector<16xi32>
      %shift_right_logical3A_1235 = arith.constant 1 : i32
      %shift_right_logical3A_1236 = vector.broadcast %shift_right_logical3A_1235 : i32 to vector<16xi32>
      %shift_right_logical3A_1237 = arith.shrui %add3A_1234, %shift_right_logical3A_1236 : vector<16xi32>
      %min3A_1238 = arith.minsi %shift_right_logical3A_1237, %add3A_1125 : vector<16xi32>
      %gather3A_1239 = tpu.vector_load_idx %arg8[%min3A_1238] : memref<20000xi32, #tpu.memory_space<vmem>>[vector<16xi32>], vector<16xi32>,
      %gt3A_1240 = arith.cmpi sgt, %gather3A_1239, %add3A_1113 : vector<16xi32>
      %select_n3A_1241 = arith.select %gt3A_1240, %min3A_1238, %select_n3A_1229 : vector<16xi1>, vector<16xi32>
      %add3A_1242 = arith.constant 1 : i32
      %add3A_1243 = vector.broadcast %add3A_1242 : i32 to vector<16xi32>
      %add3A_1244 = arith.addi %min3A_1238, %add3A_1243 : vector<16xi32>
      %select_n3A_1245 = arith.select %gt3A_1240, %select_n3A_1233, %add3A_1244 : vector<16xi1>, vector<16xi32>
      %add3A_1246 = arith.addi %select_n3A_1245, %select_n3A_1241 : vector<16xi32>
      %shift_right_logical3A_1247 = arith.constant 1 : i32
      %shift_right_logical3A_1248 = vector.broadcast %shift_right_logical3A_1247 : i32 to vector<16xi32>
      %shift_right_logical3A_1249 = arith.shrui %add3A_1246, %shift_right_logical3A_1248 : vector<16xi32>
      %min3A_1250 = arith.minsi %shift_right_logical3A_1249, %add3A_1125 : vector<16xi32>
      %gather3A_1251 = tpu.vector_load_idx %arg8[%min3A_1250] : memref<20000xi32, #tpu.memory_space<vmem>>[vector<16xi32>], vector<16xi32>,
      %gt3A_1252 = arith.cmpi sgt, %gather3A_1251, %add3A_1113 : vector<16xi32>
      %select_n3A_1253 = arith.select %gt3A_1252, %min3A_1250, %select_n3A_1241 : vector<16xi1>, vector<16xi32>
      %add3A_1254 = arith.constant 1 : i32
      %add3A_1255 = vector.broadcast %add3A_1254 : i32 to vector<16xi32>
      %add3A_1256 = arith.addi %min3A_1250, %add3A_1255 : vector<16xi32>
      %select_n3A_1257 = arith.select %gt3A_1252, %select_n3A_1245, %add3A_1256 : vector<16xi1>, vector<16xi32>
      %add3A_1258 = arith.addi %select_n3A_1257, %select_n3A_1253 : vector<16xi32>
      %shift_right_logical3A_1259 = arith.constant 1 : i32
      %shift_right_logical3A_1260 = vector.broadcast %shift_right_logical3A_1259 : i32 to vector<16xi32>
      %shift_right_logical3A_1261 = arith.shrui %add3A_1258, %shift_right_logical3A_1260 : vector<16xi32>
      %min3A_1262 = arith.minsi %shift_right_logical3A_1261, %add3A_1125 : vector<16xi32>
      %gather3A_1263 = tpu.vector_load_idx %arg8[%min3A_1262] : memref<20000xi32, #tpu.memory_space<vmem>>[vector<16xi32>], vector<16xi32>,
      %gt3A_1264 = arith.cmpi sgt, %gather3A_1263, %add3A_1113 : vector<16xi32>
      %select_n3A_1265 = arith.select %gt3A_1264, %min3A_1262, %select_n3A_1253 : vector<16xi1>, vector<16xi32>
      %add3A_1266 = arith.constant 1 : i32
      %add3A_1267 = vector.broadcast %add3A_1266 : i32 to vector<16xi32>
      %add3A_1268 = arith.addi %min3A_1262, %add3A_1267 : vector<16xi32>
      %select_n3A_1269 = arith.select %gt3A_1264, %select_n3A_1257, %add3A_1268 : vector<16xi1>, vector<16xi32>
      %add3A_1270 = arith.addi %select_n3A_1269, %select_n3A_1265 : vector<16xi32>
      %shift_right_logical3A_1271 = arith.constant 1 : i32
      %shift_right_logical3A_1272 = vector.broadcast %shift_right_logical3A_1271 : i32 to vector<16xi32>
      %shift_right_logical3A_1273 = arith.shrui %add3A_1270, %shift_right_logical3A_1272 : vector<16xi32>
      %min3A_1274 = arith.minsi %shift_right_logical3A_1273, %add3A_1125 : vector<16xi32>
      %gather3A_1275 = tpu.vector_load_idx %arg8[%min3A_1274] : memref<20000xi32, #tpu.memory_space<vmem>>[vector<16xi32>], vector<16xi32>,
      %gt3A_1276 = arith.cmpi sgt, %gather3A_1275, %add3A_1113 : vector<16xi32>
      %select_n3A_1277 = arith.select %gt3A_1276, %min3A_1274, %select_n3A_1265 : vector<16xi1>, vector<16xi32>
      %add3A_1278 = arith.constant 1 : i32
      %add3A_1279 = vector.broadcast %add3A_1278 : i32 to vector<16xi32>
      %add3A_1280 = arith.addi %min3A_1274, %add3A_1279 : vector<16xi32>
      %select_n3A_1281 = arith.select %gt3A_1276, %select_n3A_1269, %add3A_1280 : vector<16xi1>, vector<16xi32>
      %add3A_1282 = arith.addi %select_n3A_1281, %select_n3A_1277 : vector<16xi32>
      %shift_right_logical3A_1283 = arith.constant 1 : i32
      %shift_right_logical3A_1284 = vector.broadcast %shift_right_logical3A_1283 : i32 to vector<16xi32>
      %shift_right_logical3A_1285 = arith.shrui %add3A_1282, %shift_right_logical3A_1284 : vector<16xi32>
      %min3A_1286 = arith.minsi %shift_right_logical3A_1285, %add3A_1125 : vector<16xi32>
      %gather3A_1287 = tpu.vector_load_idx %arg8[%min3A_1286] : memref<20000xi32, #tpu.memory_space<vmem>>[vector<16xi32>], vector<16xi32>,
      %gt3A_1288 = arith.cmpi sgt, %gather3A_1287, %add3A_1113 : vector<16xi32>
      %select_n3A_1289 = arith.select %gt3A_1288, %min3A_1286, %select_n3A_1277 : vector<16xi1>, vector<16xi32>
      %add3A_1290 = arith.constant 1 : i32
      %add3A_1291 = vector.broadcast %add3A_1290 : i32 to vector<16xi32>
      %add3A_1292 = arith.addi %min3A_1286, %add3A_1291 : vector<16xi32>
      %select_n3A_1293 = arith.select %gt3A_1288, %select_n3A_1281, %add3A_1292 : vector<16xi1>, vector<16xi32>
      %add3A_1294 = arith.addi %select_n3A_1293, %select_n3A_1289 : vector<16xi32>
      %shift_right_logical3A_1295 = arith.constant 1 : i32
      %shift_right_logical3A_1296 = vector.broadcast %shift_right_logical3A_1295 : i32 to vector<16xi32>
      %shift_right_logical3A_1297 = arith.shrui %add3A_1294, %shift_right_logical3A_1296 : vector<16xi32>
      %min3A_1298 = arith.minsi %shift_right_logical3A_1297, %add3A_1125 : vector<16xi32>
      %gather3A_1299 = tpu.vector_load_idx %arg8[%min3A_1298] : memref<20000xi32, #tpu.memory_space<vmem>>[vector<16xi32>], vector<16xi32>,
      %gt3A_1300 = arith.cmpi sgt, %gather3A_1299, %add3A_1113 : vector<16xi32>
      %select_n3A_1301 = arith.select %gt3A_1300, %min3A_1298, %select_n3A_1289 : vector<16xi1>, vector<16xi32>
      %add3A_1302 = arith.constant 1 : i32
      %add3A_1303 = vector.broadcast %add3A_1302 : i32 to vector<16xi32>
      %add3A_1304 = arith.addi %min3A_1298, %add3A_1303 : vector<16xi32>
      %select_n3A_1305 = arith.select %gt3A_1300, %select_n3A_1293, %add3A_1304 : vector<16xi1>, vector<16xi32>
      %lt3A_1306 = vector.broadcast %reduce_sum3A_49 : i32 to vector<16xi32>
      %lt3A_1307 = arith.cmpi slt, %add3A_1113, %lt3A_1306 : vector<16xi32>
      %jit3A_1308 = arith.constant 0 : i32
      %broadcast_in_dim3A_1309 = vector.broadcast %jit3A_1308 : i32 to vector<16xi32>
      %select_n3A_1310 = arith.select %lt3A_1307, %select_n3A_1305, %broadcast_in_dim3A_1309 : vector<16xi1>, vector<16xi32>
      %sub3A_1311 = arith.constant 1 : i32
      %sub3A_1312 = vector.broadcast %sub3A_1311 : i32 to vector<16xi32>
      %sub3A_1313 = arith.subi %select_n3A_1310, %sub3A_1312 : vector<16xi32>
      %max3A_1314 = arith.constant 0 : i32
      %max3A_1315 = vector.broadcast %max3A_1314 : i32 to vector<16xi32>
      %max3A_1316 = arith.maxsi %sub3A_1313, %max3A_1315 : vector<16xi32>
      %gather3A_1317 = tpu.vector_load_idx %arg8[%max3A_1316] : memref<20000xi32, #tpu.memory_space<vmem>>[vector<16xi32>], vector<16xi32>,
      %gt3A_1318 = arith.constant 0 : i32
      %gt3A_1319 = vector.broadcast %gt3A_1318 : i32 to vector<16xi32>
      %gt3A_1320 = arith.cmpi sgt, %select_n3A_1310, %gt3A_1319 : vector<16xi32>
      %jit3A_1321 = arith.constant 0 : i32
      %broadcast_in_dim3A_1322 = vector.broadcast %jit3A_1321 : i32 to vector<16xi32>
      %select_n3A_1323 = arith.select %gt3A_1320, %gather3A_1317, %broadcast_in_dim3A_1322 : vector<16xi1>, vector<16xi32>
      %sub3A_1324 = arith.subi %add3A_1113, %select_n3A_1323 : vector<16xi32>
      %gather3A_1325 = tpu.vector_load_idx %arg9[%select_n3A_1310] : memref<20000xi32, #tpu.memory_space<vmem>>[vector<16xi32>], vector<16xi32>,
      %broadcast_in_dim3A_1326 = arith.constant 0 : i32
      %broadcast_in_dim3A_1327 = vector.broadcast %broadcast_in_dim3A_1326 : i32 to vector<16xi32>
      %broadcast_in_dim3A_1328 = arith.constant 0 : i32
      %broadcast_in_dim3A_1329 = vector.broadcast %broadcast_in_dim3A_1328 : i32 to vector<16xi32>
      %broadcast_in_dim3A_1330 = arith.constant false
      %broadcast_in_dim3A_1331 = vector.broadcast %broadcast_in_dim3A_1330 : i1 to vector<16xi1>
      %shift_right_logical3A_1332 = arith.constant 0 : i32
      %shift_right_logical3A_1333 = vector.broadcast %shift_right_logical3A_1332 : i32 to vector<16xi32>
      %shift_right_logical3A_1334 = arith.shrui %gather3A_1325, %shift_right_logical3A_1333 : vector<16xi32>
      %and3A_1335 = arith.constant 1 : i32
      %and3A_1336 = vector.broadcast %and3A_1335 : i32 to vector<16xi32>
      %and3A_1337 = arith.andi %shift_right_logical3A_1334, %and3A_1336 : vector<16xi32>
      %eq3A_1338 = arith.constant 1 : i32
      %eq3A_1339 = vector.broadcast %eq3A_1338 : i32 to vector<16xi32>
      %eq3A_1340 = arith.cmpi eq, %and3A_1337, %eq3A_1339 : vector<16xi32>
      %eq3A_1341 = arith.cmpi eq, %broadcast_in_dim3A_1329, %sub3A_1324 : vector<16xi32>
      %and3A_1342 = arith.andi %eq3A_1340, %eq3A_1341 : vector<16xi1>
      %not3A_1343 = arith.constant dense<true> : vector<16xi1>
      %not3A_1344 = arith.xori %broadcast_in_dim3A_1331, %not3A_1343 : vector<16xi1>
      %and3A_1345 = arith.andi %and3A_1342, %not3A_1344 : vector<16xi1>
      %jit3A_1346 = arith.constant 0 : i32
      %broadcast_in_dim3A_1347 = vector.broadcast %jit3A_1346 : i32 to vector<16xi32>
      %select_n3A_1348 = arith.select %and3A_1345, %broadcast_in_dim3A_1347, %broadcast_in_dim3A_1327 : vector<16xi1>, vector<16xi32>
      %or3A_1349 = arith.ori %broadcast_in_dim3A_1331, %and3A_1345 : vector<16xi1>
      %add3A_1350 = arith.addi %broadcast_in_dim3A_1329, %and3A_1337 : vector<16xi32>
      %shift_right_logical3A_1351 = arith.constant 1 : i32
      %shift_right_logical3A_1352 = vector.broadcast %shift_right_logical3A_1351 : i32 to vector<16xi32>
      %shift_right_logical3A_1353 = arith.shrui %gather3A_1325, %shift_right_logical3A_1352 : vector<16xi32>
      %and3A_1354 = arith.constant 1 : i32
      %and3A_1355 = vector.broadcast %and3A_1354 : i32 to vector<16xi32>
      %and3A_1356 = arith.andi %shift_right_logical3A_1353, %and3A_1355 : vector<16xi32>
      %eq3A_1357 = arith.constant 1 : i32
      %eq3A_1358 = vector.broadcast %eq3A_1357 : i32 to vector<16xi32>
      %eq3A_1359 = arith.cmpi eq, %and3A_1356, %eq3A_1358 : vector<16xi32>
      %eq3A_1360 = arith.cmpi eq, %add3A_1350, %sub3A_1324 : vector<16xi32>
      %and3A_1361 = arith.andi %eq3A_1359, %eq3A_1360 : vector<16xi1>
      %not3A_1362 = arith.constant dense<true> : vector<16xi1>
      %not3A_1363 = arith.xori %or3A_1349, %not3A_1362 : vector<16xi1>
      %and3A_1364 = arith.andi %and3A_1361, %not3A_1363 : vector<16xi1>
      %jit3A_1365 = arith.constant 1 : i32
      %broadcast_in_dim3A_1366 = vector.broadcast %jit3A_1365 : i32 to vector<16xi32>
      %select_n3A_1367 = arith.select %and3A_1364, %broadcast_in_dim3A_1366, %select_n3A_1348 : vector<16xi1>, vector<16xi32>
      %or3A_1368 = arith.ori %or3A_1349, %and3A_1364 : vector<16xi1>
      %add3A_1369 = arith.addi %add3A_1350, %and3A_1356 : vector<16xi32>
      %shift_right_logical3A_1370 = arith.constant 2 : i32
      %shift_right_logical3A_1371 = vector.broadcast %shift_right_logical3A_1370 : i32 to vector<16xi32>
      %shift_right_logical3A_1372 = arith.shrui %gather3A_1325, %shift_right_logical3A_1371 : vector<16xi32>
      %and3A_1373 = arith.constant 1 : i32
      %and3A_1374 = vector.broadcast %and3A_1373 : i32 to vector<16xi32>
      %and3A_1375 = arith.andi %shift_right_logical3A_1372, %and3A_1374 : vector<16xi32>
      %eq3A_1376 = arith.constant 1 : i32
      %eq3A_1377 = vector.broadcast %eq3A_1376 : i32 to vector<16xi32>
      %eq3A_1378 = arith.cmpi eq, %and3A_1375, %eq3A_1377 : vector<16xi32>
      %eq3A_1379 = arith.cmpi eq, %add3A_1369, %sub3A_1324 : vector<16xi32>
      %and3A_1380 = arith.andi %eq3A_1378, %eq3A_1379 : vector<16xi1>
      %not3A_1381 = arith.constant dense<true> : vector<16xi1>
      %not3A_1382 = arith.xori %or3A_1368, %not3A_1381 : vector<16xi1>
      %and3A_1383 = arith.andi %and3A_1380, %not3A_1382 : vector<16xi1>
      %jit3A_1384 = arith.constant 2 : i32
      %broadcast_in_dim3A_1385 = vector.broadcast %jit3A_1384 : i32 to vector<16xi32>
      %select_n3A_1386 = arith.select %and3A_1383, %broadcast_in_dim3A_1385, %select_n3A_1367 : vector<16xi1>, vector<16xi32>
      %or3A_1387 = arith.ori %or3A_1368, %and3A_1383 : vector<16xi1>
      %add3A_1388 = arith.addi %add3A_1369, %and3A_1375 : vector<16xi32>
      %shift_right_logical3A_1389 = arith.constant 3 : i32
      %shift_right_logical3A_1390 = vector.broadcast %shift_right_logical3A_1389 : i32 to vector<16xi32>
      %shift_right_logical3A_1391 = arith.shrui %gather3A_1325, %shift_right_logical3A_1390 : vector<16xi32>
      %and3A_1392 = arith.constant 1 : i32
      %and3A_1393 = vector.broadcast %and3A_1392 : i32 to vector<16xi32>
      %and3A_1394 = arith.andi %shift_right_logical3A_1391, %and3A_1393 : vector<16xi32>
      %eq3A_1395 = arith.constant 1 : i32
      %eq3A_1396 = vector.broadcast %eq3A_1395 : i32 to vector<16xi32>
      %eq3A_1397 = arith.cmpi eq, %and3A_1394, %eq3A_1396 : vector<16xi32>
      %eq3A_1398 = arith.cmpi eq, %add3A_1388, %sub3A_1324 : vector<16xi32>
      %and3A_1399 = arith.andi %eq3A_1397, %eq3A_1398 : vector<16xi1>
      %not3A_1400 = arith.constant dense<true> : vector<16xi1>
      %not3A_1401 = arith.xori %or3A_1387, %not3A_1400 : vector<16xi1>
      %and3A_1402 = arith.andi %and3A_1399, %not3A_1401 : vector<16xi1>
      %jit3A_1403 = arith.constant 3 : i32
      %broadcast_in_dim3A_1404 = vector.broadcast %jit3A_1403 : i32 to vector<16xi32>
      %select_n3A_1405 = arith.select %and3A_1402, %broadcast_in_dim3A_1404, %select_n3A_1386 : vector<16xi1>, vector<16xi32>
      %or3A_1406 = arith.ori %or3A_1387, %and3A_1402 : vector<16xi1>
      %add3A_1407 = arith.addi %add3A_1388, %and3A_1394 : vector<16xi32>
      %shift_right_logical3A_1408 = arith.constant 4 : i32
      %shift_right_logical3A_1409 = vector.broadcast %shift_right_logical3A_1408 : i32 to vector<16xi32>
      %shift_right_logical3A_1410 = arith.shrui %gather3A_1325, %shift_right_logical3A_1409 : vector<16xi32>
      %and3A_1411 = arith.constant 1 : i32
      %and3A_1412 = vector.broadcast %and3A_1411 : i32 to vector<16xi32>
      %and3A_1413 = arith.andi %shift_right_logical3A_1410, %and3A_1412 : vector<16xi32>
      %eq3A_1414 = arith.constant 1 : i32
      %eq3A_1415 = vector.broadcast %eq3A_1414 : i32 to vector<16xi32>
      %eq3A_1416 = arith.cmpi eq, %and3A_1413, %eq3A_1415 : vector<16xi32>
      %eq3A_1417 = arith.cmpi eq, %add3A_1407, %sub3A_1324 : vector<16xi32>
      %and3A_1418 = arith.andi %eq3A_1416, %eq3A_1417 : vector<16xi1>
      %not3A_1419 = arith.constant dense<true> : vector<16xi1>
      %not3A_1420 = arith.xori %or3A_1406, %not3A_1419 : vector<16xi1>
      %and3A_1421 = arith.andi %and3A_1418, %not3A_1420 : vector<16xi1>
      %jit3A_1422 = arith.constant 4 : i32
      %broadcast_in_dim3A_1423 = vector.broadcast %jit3A_1422 : i32 to vector<16xi32>
      %select_n3A_1424 = arith.select %and3A_1421, %broadcast_in_dim3A_1423, %select_n3A_1405 : vector<16xi1>, vector<16xi32>
      %or3A_1425 = arith.ori %or3A_1406, %and3A_1421 : vector<16xi1>
      %add3A_1426 = arith.addi %add3A_1407, %and3A_1413 : vector<16xi32>
      %shift_right_logical3A_1427 = arith.constant 5 : i32
      %shift_right_logical3A_1428 = vector.broadcast %shift_right_logical3A_1427 : i32 to vector<16xi32>
      %shift_right_logical3A_1429 = arith.shrui %gather3A_1325, %shift_right_logical3A_1428 : vector<16xi32>
      %and3A_1430 = arith.constant 1 : i32
      %and3A_1431 = vector.broadcast %and3A_1430 : i32 to vector<16xi32>
      %and3A_1432 = arith.andi %shift_right_logical3A_1429, %and3A_1431 : vector<16xi32>
      %eq3A_1433 = arith.constant 1 : i32
      %eq3A_1434 = vector.broadcast %eq3A_1433 : i32 to vector<16xi32>
      %eq3A_1435 = arith.cmpi eq, %and3A_1432, %eq3A_1434 : vector<16xi32>
      %eq3A_1436 = arith.cmpi eq, %add3A_1426, %sub3A_1324 : vector<16xi32>
      %and3A_1437 = arith.andi %eq3A_1435, %eq3A_1436 : vector<16xi1>
      %not3A_1438 = arith.constant dense<true> : vector<16xi1>
      %not3A_1439 = arith.xori %or3A_1425, %not3A_1438 : vector<16xi1>
      %and3A_1440 = arith.andi %and3A_1437, %not3A_1439 : vector<16xi1>
      %jit3A_1441 = arith.constant 5 : i32
      %broadcast_in_dim3A_1442 = vector.broadcast %jit3A_1441 : i32 to vector<16xi32>
      %select_n3A_1443 = arith.select %and3A_1440, %broadcast_in_dim3A_1442, %select_n3A_1424 : vector<16xi1>, vector<16xi32>
      %or3A_1444 = arith.ori %or3A_1425, %and3A_1440 : vector<16xi1>
      %add3A_1445 = arith.addi %add3A_1426, %and3A_1432 : vector<16xi32>
      %shift_right_logical3A_1446 = arith.constant 6 : i32
      %shift_right_logical3A_1447 = vector.broadcast %shift_right_logical3A_1446 : i32 to vector<16xi32>
      %shift_right_logical3A_1448 = arith.shrui %gather3A_1325, %shift_right_logical3A_1447 : vector<16xi32>
      %and3A_1449 = arith.constant 1 : i32
      %and3A_1450 = vector.broadcast %and3A_1449 : i32 to vector<16xi32>
      %and3A_1451 = arith.andi %shift_right_logical3A_1448, %and3A_1450 : vector<16xi32>
      %eq3A_1452 = arith.constant 1 : i32
      %eq3A_1453 = vector.broadcast %eq3A_1452 : i32 to vector<16xi32>
      %eq3A_1454 = arith.cmpi eq, %and3A_1451, %eq3A_1453 : vector<16xi32>
      %eq3A_1455 = arith.cmpi eq, %add3A_1445, %sub3A_1324 : vector<16xi32>
      %and3A_1456 = arith.andi %eq3A_1454, %eq3A_1455 : vector<16xi1>
      %not3A_1457 = arith.constant dense<true> : vector<16xi1>
      %not3A_1458 = arith.xori %or3A_1444, %not3A_1457 : vector<16xi1>
      %and3A_1459 = arith.andi %and3A_1456, %not3A_1458 : vector<16xi1>
      %jit3A_1460 = arith.constant 6 : i32
      %broadcast_in_dim3A_1461 = vector.broadcast %jit3A_1460 : i32 to vector<16xi32>
      %select_n3A_1462 = arith.select %and3A_1459, %broadcast_in_dim3A_1461, %select_n3A_1443 : vector<16xi1>, vector<16xi32>
      %or3A_1463 = arith.ori %or3A_1444, %and3A_1459 : vector<16xi1>
      %add3A_1464 = arith.addi %add3A_1445, %and3A_1451 : vector<16xi32>
      %shift_right_logical3A_1465 = arith.constant 7 : i32
      %shift_right_logical3A_1466 = vector.broadcast %shift_right_logical3A_1465 : i32 to vector<16xi32>
      %shift_right_logical3A_1467 = arith.shrui %gather3A_1325, %shift_right_logical3A_1466 : vector<16xi32>
      %and3A_1468 = arith.constant 1 : i32
      %and3A_1469 = vector.broadcast %and3A_1468 : i32 to vector<16xi32>
      %and3A_1470 = arith.andi %shift_right_logical3A_1467, %and3A_1469 : vector<16xi32>
      %eq3A_1471 = arith.constant 1 : i32
      %eq3A_1472 = vector.broadcast %eq3A_1471 : i32 to vector<16xi32>
      %eq3A_1473 = arith.cmpi eq, %and3A_1470, %eq3A_1472 : vector<16xi32>
      %eq3A_1474 = arith.cmpi eq, %add3A_1464, %sub3A_1324 : vector<16xi32>
      %and3A_1475 = arith.andi %eq3A_1473, %eq3A_1474 : vector<16xi1>
      %not3A_1476 = arith.constant dense<true> : vector<16xi1>
      %not3A_1477 = arith.xori %or3A_1463, %not3A_1476 : vector<16xi1>
      %and3A_1478 = arith.andi %and3A_1475, %not3A_1477 : vector<16xi1>
      %jit3A_1479 = arith.constant 7 : i32
      %broadcast_in_dim3A_1480 = vector.broadcast %jit3A_1479 : i32 to vector<16xi32>
      %select_n3A_1481 = arith.select %and3A_1478, %broadcast_in_dim3A_1480, %select_n3A_1462 : vector<16xi1>, vector<16xi32>
      %or3A_1482 = arith.ori %or3A_1463, %and3A_1478 : vector<16xi1>
      %add3A_1483 = arith.addi %add3A_1464, %and3A_1470 : vector<16xi32>
      %shift_right_logical3A_1484 = arith.constant 8 : i32
      %shift_right_logical3A_1485 = vector.broadcast %shift_right_logical3A_1484 : i32 to vector<16xi32>
      %shift_right_logical3A_1486 = arith.shrui %gather3A_1325, %shift_right_logical3A_1485 : vector<16xi32>
      %and3A_1487 = arith.constant 1 : i32
      %and3A_1488 = vector.broadcast %and3A_1487 : i32 to vector<16xi32>
      %and3A_1489 = arith.andi %shift_right_logical3A_1486, %and3A_1488 : vector<16xi32>
      %eq3A_1490 = arith.constant 1 : i32
      %eq3A_1491 = vector.broadcast %eq3A_1490 : i32 to vector<16xi32>
      %eq3A_1492 = arith.cmpi eq, %and3A_1489, %eq3A_1491 : vector<16xi32>
      %eq3A_1493 = arith.cmpi eq, %add3A_1483, %sub3A_1324 : vector<16xi32>
      %and3A_1494 = arith.andi %eq3A_1492, %eq3A_1493 : vector<16xi1>
      %not3A_1495 = arith.constant dense<true> : vector<16xi1>
      %not3A_1496 = arith.xori %or3A_1482, %not3A_1495 : vector<16xi1>
      %and3A_1497 = arith.andi %and3A_1494, %not3A_1496 : vector<16xi1>
      %jit3A_1498 = arith.constant 8 : i32
      %broadcast_in_dim3A_1499 = vector.broadcast %jit3A_1498 : i32 to vector<16xi32>
      %select_n3A_1500 = arith.select %and3A_1497, %broadcast_in_dim3A_1499, %select_n3A_1481 : vector<16xi1>, vector<16xi32>
      %or3A_1501 = arith.ori %or3A_1482, %and3A_1497 : vector<16xi1>
      %add3A_1502 = arith.addi %add3A_1483, %and3A_1489 : vector<16xi32>
      %shift_right_logical3A_1503 = arith.constant 9 : i32
      %shift_right_logical3A_1504 = vector.broadcast %shift_right_logical3A_1503 : i32 to vector<16xi32>
      %shift_right_logical3A_1505 = arith.shrui %gather3A_1325, %shift_right_logical3A_1504 : vector<16xi32>
      %and3A_1506 = arith.constant 1 : i32
      %and3A_1507 = vector.broadcast %and3A_1506 : i32 to vector<16xi32>
      %and3A_1508 = arith.andi %shift_right_logical3A_1505, %and3A_1507 : vector<16xi32>
      %eq3A_1509 = arith.constant 1 : i32
      %eq3A_1510 = vector.broadcast %eq3A_1509 : i32 to vector<16xi32>
      %eq3A_1511 = arith.cmpi eq, %and3A_1508, %eq3A_1510 : vector<16xi32>
      %eq3A_1512 = arith.cmpi eq, %add3A_1502, %sub3A_1324 : vector<16xi32>
      %and3A_1513 = arith.andi %eq3A_1511, %eq3A_1512 : vector<16xi1>
      %not3A_1514 = arith.constant dense<true> : vector<16xi1>
      %not3A_1515 = arith.xori %or3A_1501, %not3A_1514 : vector<16xi1>
      %and3A_1516 = arith.andi %and3A_1513, %not3A_1515 : vector<16xi1>
      %jit3A_1517 = arith.constant 9 : i32
      %broadcast_in_dim3A_1518 = vector.broadcast %jit3A_1517 : i32 to vector<16xi32>
      %select_n3A_1519 = arith.select %and3A_1516, %broadcast_in_dim3A_1518, %select_n3A_1500 : vector<16xi1>, vector<16xi32>
      %or3A_1520 = arith.ori %or3A_1501, %and3A_1516 : vector<16xi1>
      %add3A_1521 = arith.addi %add3A_1502, %and3A_1508 : vector<16xi32>
      %shift_right_logical3A_1522 = arith.constant 10 : i32
      %shift_right_logical3A_1523 = vector.broadcast %shift_right_logical3A_1522 : i32 to vector<16xi32>
      %shift_right_logical3A_1524 = arith.shrui %gather3A_1325, %shift_right_logical3A_1523 : vector<16xi32>
      %and3A_1525 = arith.constant 1 : i32
      %and3A_1526 = vector.broadcast %and3A_1525 : i32 to vector<16xi32>
      %and3A_1527 = arith.andi %shift_right_logical3A_1524, %and3A_1526 : vector<16xi32>
      %eq3A_1528 = arith.constant 1 : i32
      %eq3A_1529 = vector.broadcast %eq3A_1528 : i32 to vector<16xi32>
      %eq3A_1530 = arith.cmpi eq, %and3A_1527, %eq3A_1529 : vector<16xi32>
      %eq3A_1531 = arith.cmpi eq, %add3A_1521, %sub3A_1324 : vector<16xi32>
      %and3A_1532 = arith.andi %eq3A_1530, %eq3A_1531 : vector<16xi1>
      %not3A_1533 = arith.constant dense<true> : vector<16xi1>
      %not3A_1534 = arith.xori %or3A_1520, %not3A_1533 : vector<16xi1>
      %and3A_1535 = arith.andi %and3A_1532, %not3A_1534 : vector<16xi1>
      %jit3A_1536 = arith.constant 10 : i32
      %broadcast_in_dim3A_1537 = vector.broadcast %jit3A_1536 : i32 to vector<16xi32>
      %select_n3A_1538 = arith.select %and3A_1535, %broadcast_in_dim3A_1537, %select_n3A_1519 : vector<16xi1>, vector<16xi32>
      %or3A_1539 = arith.ori %or3A_1520, %and3A_1535 : vector<16xi1>
      %add3A_1540 = arith.addi %add3A_1521, %and3A_1527 : vector<16xi32>
      %shift_right_logical3A_1541 = arith.constant 11 : i32
      %shift_right_logical3A_1542 = vector.broadcast %shift_right_logical3A_1541 : i32 to vector<16xi32>
      %shift_right_logical3A_1543 = arith.shrui %gather3A_1325, %shift_right_logical3A_1542 : vector<16xi32>
      %and3A_1544 = arith.constant 1 : i32
      %and3A_1545 = vector.broadcast %and3A_1544 : i32 to vector<16xi32>
      %and3A_1546 = arith.andi %shift_right_logical3A_1543, %and3A_1545 : vector<16xi32>
      %eq3A_1547 = arith.constant 1 : i32
      %eq3A_1548 = vector.broadcast %eq3A_1547 : i32 to vector<16xi32>
      %eq3A_1549 = arith.cmpi eq, %and3A_1546, %eq3A_1548 : vector<16xi32>
      %eq3A_1550 = arith.cmpi eq, %add3A_1540, %sub3A_1324 : vector<16xi32>
      %and3A_1551 = arith.andi %eq3A_1549, %eq3A_1550 : vector<16xi1>
      %not3A_1552 = arith.constant dense<true> : vector<16xi1>
      %not3A_1553 = arith.xori %or3A_1539, %not3A_1552 : vector<16xi1>
      %and3A_1554 = arith.andi %and3A_1551, %not3A_1553 : vector<16xi1>
      %jit3A_1555 = arith.constant 11 : i32
      %broadcast_in_dim3A_1556 = vector.broadcast %jit3A_1555 : i32 to vector<16xi32>
      %select_n3A_1557 = arith.select %and3A_1554, %broadcast_in_dim3A_1556, %select_n3A_1538 : vector<16xi1>, vector<16xi32>
      %or3A_1558 = arith.ori %or3A_1539, %and3A_1554 : vector<16xi1>
      %add3A_1559 = arith.addi %add3A_1540, %and3A_1546 : vector<16xi32>
      %shift_right_logical3A_1560 = arith.constant 12 : i32
      %shift_right_logical3A_1561 = vector.broadcast %shift_right_logical3A_1560 : i32 to vector<16xi32>
      %shift_right_logical3A_1562 = arith.shrui %gather3A_1325, %shift_right_logical3A_1561 : vector<16xi32>
      %and3A_1563 = arith.constant 1 : i32
      %and3A_1564 = vector.broadcast %and3A_1563 : i32 to vector<16xi32>
      %and3A_1565 = arith.andi %shift_right_logical3A_1562, %and3A_1564 : vector<16xi32>
      %eq3A_1566 = arith.constant 1 : i32
      %eq3A_1567 = vector.broadcast %eq3A_1566 : i32 to vector<16xi32>
      %eq3A_1568 = arith.cmpi eq, %and3A_1565, %eq3A_1567 : vector<16xi32>
      %eq3A_1569 = arith.cmpi eq, %add3A_1559, %sub3A_1324 : vector<16xi32>
      %and3A_1570 = arith.andi %eq3A_1568, %eq3A_1569 : vector<16xi1>
      %not3A_1571 = arith.constant dense<true> : vector<16xi1>
      %not3A_1572 = arith.xori %or3A_1558, %not3A_1571 : vector<16xi1>
      %and3A_1573 = arith.andi %and3A_1570, %not3A_1572 : vector<16xi1>
      %jit3A_1574 = arith.constant 12 : i32
      %broadcast_in_dim3A_1575 = vector.broadcast %jit3A_1574 : i32 to vector<16xi32>
      %select_n3A_1576 = arith.select %and3A_1573, %broadcast_in_dim3A_1575, %select_n3A_1557 : vector<16xi1>, vector<16xi32>
      %or3A_1577 = arith.ori %or3A_1558, %and3A_1573 : vector<16xi1>
      %add3A_1578 = arith.addi %add3A_1559, %and3A_1565 : vector<16xi32>
      %shift_right_logical3A_1579 = arith.constant 13 : i32
      %shift_right_logical3A_1580 = vector.broadcast %shift_right_logical3A_1579 : i32 to vector<16xi32>
      %shift_right_logical3A_1581 = arith.shrui %gather3A_1325, %shift_right_logical3A_1580 : vector<16xi32>
      %and3A_1582 = arith.constant 1 : i32
      %and3A_1583 = vector.broadcast %and3A_1582 : i32 to vector<16xi32>
      %and3A_1584 = arith.andi %shift_right_logical3A_1581, %and3A_1583 : vector<16xi32>
      %eq3A_1585 = arith.constant 1 : i32
      %eq3A_1586 = vector.broadcast %eq3A_1585 : i32 to vector<16xi32>
      %eq3A_1587 = arith.cmpi eq, %and3A_1584, %eq3A_1586 : vector<16xi32>
      %eq3A_1588 = arith.cmpi eq, %add3A_1578, %sub3A_1324 : vector<16xi32>
      %and3A_1589 = arith.andi %eq3A_1587, %eq3A_1588 : vector<16xi1>
      %not3A_1590 = arith.constant dense<true> : vector<16xi1>
      %not3A_1591 = arith.xori %or3A_1577, %not3A_1590 : vector<16xi1>
      %and3A_1592 = arith.andi %and3A_1589, %not3A_1591 : vector<16xi1>
      %jit3A_1593 = arith.constant 13 : i32
      %broadcast_in_dim3A_1594 = vector.broadcast %jit3A_1593 : i32 to vector<16xi32>
      %select_n3A_1595 = arith.select %and3A_1592, %broadcast_in_dim3A_1594, %select_n3A_1576 : vector<16xi1>, vector<16xi32>
      %or3A_1596 = arith.ori %or3A_1577, %and3A_1592 : vector<16xi1>
      %add3A_1597 = arith.addi %add3A_1578, %and3A_1584 : vector<16xi32>
      %shift_right_logical3A_1598 = arith.constant 14 : i32
      %shift_right_logical3A_1599 = vector.broadcast %shift_right_logical3A_1598 : i32 to vector<16xi32>
      %shift_right_logical3A_1600 = arith.shrui %gather3A_1325, %shift_right_logical3A_1599 : vector<16xi32>
      %and3A_1601 = arith.constant 1 : i32
      %and3A_1602 = vector.broadcast %and3A_1601 : i32 to vector<16xi32>
      %and3A_1603 = arith.andi %shift_right_logical3A_1600, %and3A_1602 : vector<16xi32>
      %eq3A_1604 = arith.constant 1 : i32
      %eq3A_1605 = vector.broadcast %eq3A_1604 : i32 to vector<16xi32>
      %eq3A_1606 = arith.cmpi eq, %and3A_1603, %eq3A_1605 : vector<16xi32>
      %eq3A_1607 = arith.cmpi eq, %add3A_1597, %sub3A_1324 : vector<16xi32>
      %and3A_1608 = arith.andi %eq3A_1606, %eq3A_1607 : vector<16xi1>
      %not3A_1609 = arith.constant dense<true> : vector<16xi1>
      %not3A_1610 = arith.xori %or3A_1596, %not3A_1609 : vector<16xi1>
      %and3A_1611 = arith.andi %and3A_1608, %not3A_1610 : vector<16xi1>
      %jit3A_1612 = arith.constant 14 : i32
      %broadcast_in_dim3A_1613 = vector.broadcast %jit3A_1612 : i32 to vector<16xi32>
      %select_n3A_1614 = arith.select %and3A_1611, %broadcast_in_dim3A_1613, %select_n3A_1595 : vector<16xi1>, vector<16xi32>
      %or3A_1615 = arith.ori %or3A_1596, %and3A_1611 : vector<16xi1>
      %add3A_1616 = arith.addi %add3A_1597, %and3A_1603 : vector<16xi32>
      %jit3A_1617 = arith.constant 0 : i32
      %broadcast_in_dim3A_1618 = vector.broadcast %jit3A_1617 : i32 to vector<16xi32>
      %select_n3A_1619 = arith.select %lt3A_1307, %select_n3A_1614, %broadcast_in_dim3A_1618 : vector<16xi1>, vector<16xi32>
      %gather3A_1620 = tpu.vector_load_idx %arg9[%select_n3A_1310] : memref<20000xi32, #tpu.memory_space<vmem>>[vector<16xi32>], vector<16xi32>,
      %shift_right_logical3A_1621 = arith.constant 16 : i32
      %shift_right_logical3A_1622 = vector.broadcast %shift_right_logical3A_1621 : i32 to vector<16xi32>
      %shift_right_logical3A_1623 = arith.shrui %gather3A_1620, %shift_right_logical3A_1622 : vector<16xi32>
      %sub3A_1624 = arith.constant 1 : i32
      %sub3A_1625 = vector.broadcast %sub3A_1624 : i32 to vector<16xi32>
      %sub3A_1626 = arith.subi %shift_right_logical3A_1623, %sub3A_1625 : vector<16xi32>
      %sub3A_1627 = arith.constant 1 : i32
      %sub3A_1628 = arith.subi %reduce_sum3A_49, %sub3A_1627 : i32
      %max3A_1629 = arith.constant 0 : i32
      %max3A_1630 = arith.maxsi %sub3A_1628, %max3A_1629 : i32
      %jit3A_1631 = arith.constant 0 : i32
      %max3A_1632 = vector.broadcast %jit3A_1631 : i32 to vector<16xi32>
      %max3A_1633 = arith.maxsi %max3A_1632, %sub3A_1626 : vector<16xi32>
      %min3A_1634 = vector.broadcast %max3A_1630 : i32 to vector<16xi32>
      %min3A_1635 = arith.minsi %min3A_1634, %max3A_1633 : vector<16xi32>
      %broadcast_in_dim3A_1636 = arith.constant 0 : i32
      %broadcast_in_dim3A_1637 = vector.broadcast %broadcast_in_dim3A_1636 : i32 to vector<16xi32>
      %broadcast_in_dim3A_1638 = arith.constant 0 : i32
      %broadcast_in_dim3A_1639 = vector.broadcast %broadcast_in_dim3A_1638 : i32 to vector<16xi32>
      %add3A_1640 = arith.constant 20000 : i32
      %add3A_1641 = vector.broadcast %add3A_1640 : i32 to vector<16xi32>
      %add3A_1642 = arith.addi %broadcast_in_dim3A_1639, %add3A_1641 : vector<16xi32>
      %broadcast_in_dim3A_1643 = arith.constant 0 : i32
      %broadcast_in_dim3A_1644 = vector.broadcast %broadcast_in_dim3A_1643 : i32 to vector<16xi32>
      %add3A_1645 = arith.constant 19999 : i32
      %add3A_1646 = vector.broadcast %add3A_1645 : i32 to vector<16xi32>
      %add3A_1647 = arith.addi %broadcast_in_dim3A_1644, %add3A_1646 : vector<16xi32>
      %add3A_1648 = arith.addi %broadcast_in_dim3A_1637, %add3A_1642 : vector<16xi32>
      %shift_right_logical3A_1649 = arith.constant 1 : i32
      %shift_right_logical3A_1650 = vector.broadcast %shift_right_logical3A_1649 : i32 to vector<16xi32>
      %shift_right_logical3A_1651 = arith.shrui %add3A_1648, %shift_right_logical3A_1650 : vector<16xi32>
      %min3A_1652 = arith.minsi %shift_right_logical3A_1651, %add3A_1647 : vector<16xi32>
      %gather3A_1653 = tpu.vector_load_idx %arg8[%min3A_1652] : memref<20000xi32, #tpu.memory_space<vmem>>[vector<16xi32>], vector<16xi32>,
      %gt3A_1654 = arith.cmpi sgt, %gather3A_1653, %min3A_1635 : vector<16xi32>
      %select_n3A_1655 = arith.select %gt3A_1654, %min3A_1652, %add3A_1642 : vector<16xi1>, vector<16xi32>
      %add3A_1656 = arith.constant 1 : i32
      %add3A_1657 = vector.broadcast %add3A_1656 : i32 to vector<16xi32>
      %add3A_1658 = arith.addi %min3A_1652, %add3A_1657 : vector<16xi32>
      %select_n3A_1659 = arith.select %gt3A_1654, %broadcast_in_dim3A_1637, %add3A_1658 : vector<16xi1>, vector<16xi32>
      %add3A_1660 = arith.addi %select_n3A_1659, %select_n3A_1655 : vector<16xi32>
      %shift_right_logical3A_1661 = arith.constant 1 : i32
      %shift_right_logical3A_1662 = vector.broadcast %shift_right_logical3A_1661 : i32 to vector<16xi32>
      %shift_right_logical3A_1663 = arith.shrui %add3A_1660, %shift_right_logical3A_1662 : vector<16xi32>
      %min3A_1664 = arith.minsi %shift_right_logical3A_1663, %add3A_1647 : vector<16xi32>
      %gather3A_1665 = tpu.vector_load_idx %arg8[%min3A_1664] : memref<20000xi32, #tpu.memory_space<vmem>>[vector<16xi32>], vector<16xi32>,
      %gt3A_1666 = arith.cmpi sgt, %gather3A_1665, %min3A_1635 : vector<16xi32>
      %select_n3A_1667 = arith.select %gt3A_1666, %min3A_1664, %select_n3A_1655 : vector<16xi1>, vector<16xi32>
      %add3A_1668 = arith.constant 1 : i32
      %add3A_1669 = vector.broadcast %add3A_1668 : i32 to vector<16xi32>
      %add3A_1670 = arith.addi %min3A_1664, %add3A_1669 : vector<16xi32>
      %select_n3A_1671 = arith.select %gt3A_1666, %select_n3A_1659, %add3A_1670 : vector<16xi1>, vector<16xi32>
      %add3A_1672 = arith.addi %select_n3A_1671, %select_n3A_1667 : vector<16xi32>
      %shift_right_logical3A_1673 = arith.constant 1 : i32
      %shift_right_logical3A_1674 = vector.broadcast %shift_right_logical3A_1673 : i32 to vector<16xi32>
      %shift_right_logical3A_1675 = arith.shrui %add3A_1672, %shift_right_logical3A_1674 : vector<16xi32>
      %min3A_1676 = arith.minsi %shift_right_logical3A_1675, %add3A_1647 : vector<16xi32>
      %gather3A_1677 = tpu.vector_load_idx %arg8[%min3A_1676] : memref<20000xi32, #tpu.memory_space<vmem>>[vector<16xi32>], vector<16xi32>,
      %gt3A_1678 = arith.cmpi sgt, %gather3A_1677, %min3A_1635 : vector<16xi32>
      %select_n3A_1679 = arith.select %gt3A_1678, %min3A_1676, %select_n3A_1667 : vector<16xi1>, vector<16xi32>
      %add3A_1680 = arith.constant 1 : i32
      %add3A_1681 = vector.broadcast %add3A_1680 : i32 to vector<16xi32>
      %add3A_1682 = arith.addi %min3A_1676, %add3A_1681 : vector<16xi32>
      %select_n3A_1683 = arith.select %gt3A_1678, %select_n3A_1671, %add3A_1682 : vector<16xi1>, vector<16xi32>
      %add3A_1684 = arith.addi %select_n3A_1683, %select_n3A_1679 : vector<16xi32>
      %shift_right_logical3A_1685 = arith.constant 1 : i32
      %shift_right_logical3A_1686 = vector.broadcast %shift_right_logical3A_1685 : i32 to vector<16xi32>
      %shift_right_logical3A_1687 = arith.shrui %add3A_1684, %shift_right_logical3A_1686 : vector<16xi32>
      %min3A_1688 = arith.minsi %shift_right_logical3A_1687, %add3A_1647 : vector<16xi32>
      %gather3A_1689 = tpu.vector_load_idx %arg8[%min3A_1688] : memref<20000xi32, #tpu.memory_space<vmem>>[vector<16xi32>], vector<16xi32>,
      %gt3A_1690 = arith.cmpi sgt, %gather3A_1689, %min3A_1635 : vector<16xi32>
      %select_n3A_1691 = arith.select %gt3A_1690, %min3A_1688, %select_n3A_1679 : vector<16xi1>, vector<16xi32>
      %add3A_1692 = arith.constant 1 : i32
      %add3A_1693 = vector.broadcast %add3A_1692 : i32 to vector<16xi32>
      %add3A_1694 = arith.addi %min3A_1688, %add3A_1693 : vector<16xi32>
      %select_n3A_1695 = arith.select %gt3A_1690, %select_n3A_1683, %add3A_1694 : vector<16xi1>, vector<16xi32>
      %add3A_1696 = arith.addi %select_n3A_1695, %select_n3A_1691 : vector<16xi32>
      %shift_right_logical3A_1697 = arith.constant 1 : i32
      %shift_right_logical3A_1698 = vector.broadcast %shift_right_logical3A_1697 : i32 to vector<16xi32>
      %shift_right_logical3A_1699 = arith.shrui %add3A_1696, %shift_right_logical3A_1698 : vector<16xi32>
      %min3A_1700 = arith.minsi %shift_right_logical3A_1699, %add3A_1647 : vector<16xi32>
      %gather3A_1701 = tpu.vector_load_idx %arg8[%min3A_1700] : memref<20000xi32, #tpu.memory_space<vmem>>[vector<16xi32>], vector<16xi32>,
      %gt3A_1702 = arith.cmpi sgt, %gather3A_1701, %min3A_1635 : vector<16xi32>
      %select_n3A_1703 = arith.select %gt3A_1702, %min3A_1700, %select_n3A_1691 : vector<16xi1>, vector<16xi32>
      %add3A_1704 = arith.constant 1 : i32
      %add3A_1705 = vector.broadcast %add3A_1704 : i32 to vector<16xi32>
      %add3A_1706 = arith.addi %min3A_1700, %add3A_1705 : vector<16xi32>
      %select_n3A_1707 = arith.select %gt3A_1702, %select_n3A_1695, %add3A_1706 : vector<16xi1>, vector<16xi32>
      %add3A_1708 = arith.addi %select_n3A_1707, %select_n3A_1703 : vector<16xi32>
      %shift_right_logical3A_1709 = arith.constant 1 : i32
      %shift_right_logical3A_1710 = vector.broadcast %shift_right_logical3A_1709 : i32 to vector<16xi32>
      %shift_right_logical3A_1711 = arith.shrui %add3A_1708, %shift_right_logical3A_1710 : vector<16xi32>
      %min3A_1712 = arith.minsi %shift_right_logical3A_1711, %add3A_1647 : vector<16xi32>
      %gather3A_1713 = tpu.vector_load_idx %arg8[%min3A_1712] : memref<20000xi32, #tpu.memory_space<vmem>>[vector<16xi32>], vector<16xi32>,
      %gt3A_1714 = arith.cmpi sgt, %gather3A_1713, %min3A_1635 : vector<16xi32>
      %select_n3A_1715 = arith.select %gt3A_1714, %min3A_1712, %select_n3A_1703 : vector<16xi1>, vector<16xi32>
      %add3A_1716 = arith.constant 1 : i32
      %add3A_1717 = vector.broadcast %add3A_1716 : i32 to vector<16xi32>
      %add3A_1718 = arith.addi %min3A_1712, %add3A_1717 : vector<16xi32>
      %select_n3A_1719 = arith.select %gt3A_1714, %select_n3A_1707, %add3A_1718 : vector<16xi1>, vector<16xi32>
      %add3A_1720 = arith.addi %select_n3A_1719, %select_n3A_1715 : vector<16xi32>
      %shift_right_logical3A_1721 = arith.constant 1 : i32
      %shift_right_logical3A_1722 = vector.broadcast %shift_right_logical3A_1721 : i32 to vector<16xi32>
      %shift_right_logical3A_1723 = arith.shrui %add3A_1720, %shift_right_logical3A_1722 : vector<16xi32>
      %min3A_1724 = arith.minsi %shift_right_logical3A_1723, %add3A_1647 : vector<16xi32>
      %gather3A_1725 = tpu.vector_load_idx %arg8[%min3A_1724] : memref<20000xi32, #tpu.memory_space<vmem>>[vector<16xi32>], vector<16xi32>,
      %gt3A_1726 = arith.cmpi sgt, %gather3A_1725, %min3A_1635 : vector<16xi32>
      %select_n3A_1727 = arith.select %gt3A_1726, %min3A_1724, %select_n3A_1715 : vector<16xi1>, vector<16xi32>
      %add3A_1728 = arith.constant 1 : i32
      %add3A_1729 = vector.broadcast %add3A_1728 : i32 to vector<16xi32>
      %add3A_1730 = arith.addi %min3A_1724, %add3A_1729 : vector<16xi32>
      %select_n3A_1731 = arith.select %gt3A_1726, %select_n3A_1719, %add3A_1730 : vector<16xi1>, vector<16xi32>
      %add3A_1732 = arith.addi %select_n3A_1731, %select_n3A_1727 : vector<16xi32>
      %shift_right_logical3A_1733 = arith.constant 1 : i32
      %shift_right_logical3A_1734 = vector.broadcast %shift_right_logical3A_1733 : i32 to vector<16xi32>
      %shift_right_logical3A_1735 = arith.shrui %add3A_1732, %shift_right_logical3A_1734 : vector<16xi32>
      %min3A_1736 = arith.minsi %shift_right_logical3A_1735, %add3A_1647 : vector<16xi32>
      %gather3A_1737 = tpu.vector_load_idx %arg8[%min3A_1736] : memref<20000xi32, #tpu.memory_space<vmem>>[vector<16xi32>], vector<16xi32>,
      %gt3A_1738 = arith.cmpi sgt, %gather3A_1737, %min3A_1635 : vector<16xi32>
      %select_n3A_1739 = arith.select %gt3A_1738, %min3A_1736, %select_n3A_1727 : vector<16xi1>, vector<16xi32>
      %add3A_1740 = arith.constant 1 : i32
      %add3A_1741 = vector.broadcast %add3A_1740 : i32 to vector<16xi32>
      %add3A_1742 = arith.addi %min3A_1736, %add3A_1741 : vector<16xi32>
      %select_n3A_1743 = arith.select %gt3A_1738, %select_n3A_1731, %add3A_1742 : vector<16xi1>, vector<16xi32>
      %add3A_1744 = arith.addi %select_n3A_1743, %select_n3A_1739 : vector<16xi32>
      %shift_right_logical3A_1745 = arith.constant 1 : i32
      %shift_right_logical3A_1746 = vector.broadcast %shift_right_logical3A_1745 : i32 to vector<16xi32>
      %shift_right_logical3A_1747 = arith.shrui %add3A_1744, %shift_right_logical3A_1746 : vector<16xi32>
      %min3A_1748 = arith.minsi %shift_right_logical3A_1747, %add3A_1647 : vector<16xi32>
      %gather3A_1749 = tpu.vector_load_idx %arg8[%min3A_1748] : memref<20000xi32, #tpu.memory_space<vmem>>[vector<16xi32>], vector<16xi32>,
      %gt3A_1750 = arith.cmpi sgt, %gather3A_1749, %min3A_1635 : vector<16xi32>
      %select_n3A_1751 = arith.select %gt3A_1750, %min3A_1748, %select_n3A_1739 : vector<16xi1>, vector<16xi32>
      %add3A_1752 = arith.constant 1 : i32
      %add3A_1753 = vector.broadcast %add3A_1752 : i32 to vector<16xi32>
      %add3A_1754 = arith.addi %min3A_1748, %add3A_1753 : vector<16xi32>
      %select_n3A_1755 = arith.select %gt3A_1750, %select_n3A_1743, %add3A_1754 : vector<16xi1>, vector<16xi32>
      %add3A_1756 = arith.addi %select_n3A_1755, %select_n3A_1751 : vector<16xi32>
      %shift_right_logical3A_1757 = arith.constant 1 : i32
      %shift_right_logical3A_1758 = vector.broadcast %shift_right_logical3A_1757 : i32 to vector<16xi32>
      %shift_right_logical3A_1759 = arith.shrui %add3A_1756, %shift_right_logical3A_1758 : vector<16xi32>
      %min3A_1760 = arith.minsi %shift_right_logical3A_1759, %add3A_1647 : vector<16xi32>
      %gather3A_1761 = tpu.vector_load_idx %arg8[%min3A_1760] : memref<20000xi32, #tpu.memory_space<vmem>>[vector<16xi32>], vector<16xi32>,
      %gt3A_1762 = arith.cmpi sgt, %gather3A_1761, %min3A_1635 : vector<16xi32>
      %select_n3A_1763 = arith.select %gt3A_1762, %min3A_1760, %select_n3A_1751 : vector<16xi1>, vector<16xi32>
      %add3A_1764 = arith.constant 1 : i32
      %add3A_1765 = vector.broadcast %add3A_1764 : i32 to vector<16xi32>
      %add3A_1766 = arith.addi %min3A_1760, %add3A_1765 : vector<16xi32>
      %select_n3A_1767 = arith.select %gt3A_1762, %select_n3A_1755, %add3A_1766 : vector<16xi1>, vector<16xi32>
      %add3A_1768 = arith.addi %select_n3A_1767, %select_n3A_1763 : vector<16xi32>
      %shift_right_logical3A_1769 = arith.constant 1 : i32
      %shift_right_logical3A_1770 = vector.broadcast %shift_right_logical3A_1769 : i32 to vector<16xi32>
      %shift_right_logical3A_1771 = arith.shrui %add3A_1768, %shift_right_logical3A_1770 : vector<16xi32>
      %min3A_1772 = arith.minsi %shift_right_logical3A_1771, %add3A_1647 : vector<16xi32>
      %gather3A_1773 = tpu.vector_load_idx %arg8[%min3A_1772] : memref<20000xi32, #tpu.memory_space<vmem>>[vector<16xi32>], vector<16xi32>,
      %gt3A_1774 = arith.cmpi sgt, %gather3A_1773, %min3A_1635 : vector<16xi32>
      %select_n3A_1775 = arith.select %gt3A_1774, %min3A_1772, %select_n3A_1763 : vector<16xi1>, vector<16xi32>
      %add3A_1776 = arith.constant 1 : i32
      %add3A_1777 = vector.broadcast %add3A_1776 : i32 to vector<16xi32>
      %add3A_1778 = arith.addi %min3A_1772, %add3A_1777 : vector<16xi32>
      %select_n3A_1779 = arith.select %gt3A_1774, %select_n3A_1767, %add3A_1778 : vector<16xi1>, vector<16xi32>
      %add3A_1780 = arith.addi %select_n3A_1779, %select_n3A_1775 : vector<16xi32>
      %shift_right_logical3A_1781 = arith.constant 1 : i32
      %shift_right_logical3A_1782 = vector.broadcast %shift_right_logical3A_1781 : i32 to vector<16xi32>
      %shift_right_logical3A_1783 = arith.shrui %add3A_1780, %shift_right_logical3A_1782 : vector<16xi32>
      %min3A_1784 = arith.minsi %shift_right_logical3A_1783, %add3A_1647 : vector<16xi32>
      %gather3A_1785 = tpu.vector_load_idx %arg8[%min3A_1784] : memref<20000xi32, #tpu.memory_space<vmem>>[vector<16xi32>], vector<16xi32>,
      %gt3A_1786 = arith.cmpi sgt, %gather3A_1785, %min3A_1635 : vector<16xi32>
      %select_n3A_1787 = arith.select %gt3A_1786, %min3A_1784, %select_n3A_1775 : vector<16xi1>, vector<16xi32>
      %add3A_1788 = arith.constant 1 : i32
      %add3A_1789 = vector.broadcast %add3A_1788 : i32 to vector<16xi32>
      %add3A_1790 = arith.addi %min3A_1784, %add3A_1789 : vector<16xi32>
      %select_n3A_1791 = arith.select %gt3A_1786, %select_n3A_1779, %add3A_1790 : vector<16xi1>, vector<16xi32>
      %add3A_1792 = arith.addi %select_n3A_1791, %select_n3A_1787 : vector<16xi32>
      %shift_right_logical3A_1793 = arith.constant 1 : i32
      %shift_right_logical3A_1794 = vector.broadcast %shift_right_logical3A_1793 : i32 to vector<16xi32>
      %shift_right_logical3A_1795 = arith.shrui %add3A_1792, %shift_right_logical3A_1794 : vector<16xi32>
      %min3A_1796 = arith.minsi %shift_right_logical3A_1795, %add3A_1647 : vector<16xi32>
      %gather3A_1797 = tpu.vector_load_idx %arg8[%min3A_1796] : memref<20000xi32, #tpu.memory_space<vmem>>[vector<16xi32>], vector<16xi32>,
      %gt3A_1798 = arith.cmpi sgt, %gather3A_1797, %min3A_1635 : vector<16xi32>
      %select_n3A_1799 = arith.select %gt3A_1798, %min3A_1796, %select_n3A_1787 : vector<16xi1>, vector<16xi32>
      %add3A_1800 = arith.constant 1 : i32
      %add3A_1801 = vector.broadcast %add3A_1800 : i32 to vector<16xi32>
      %add3A_1802 = arith.addi %min3A_1796, %add3A_1801 : vector<16xi32>
      %select_n3A_1803 = arith.select %gt3A_1798, %select_n3A_1791, %add3A_1802 : vector<16xi1>, vector<16xi32>
      %add3A_1804 = arith.addi %select_n3A_1803, %select_n3A_1799 : vector<16xi32>
      %shift_right_logical3A_1805 = arith.constant 1 : i32
      %shift_right_logical3A_1806 = vector.broadcast %shift_right_logical3A_1805 : i32 to vector<16xi32>
      %shift_right_logical3A_1807 = arith.shrui %add3A_1804, %shift_right_logical3A_1806 : vector<16xi32>
      %min3A_1808 = arith.minsi %shift_right_logical3A_1807, %add3A_1647 : vector<16xi32>
      %gather3A_1809 = tpu.vector_load_idx %arg8[%min3A_1808] : memref<20000xi32, #tpu.memory_space<vmem>>[vector<16xi32>], vector<16xi32>,
      %gt3A_1810 = arith.cmpi sgt, %gather3A_1809, %min3A_1635 : vector<16xi32>
      %select_n3A_1811 = arith.select %gt3A_1810, %min3A_1808, %select_n3A_1799 : vector<16xi1>, vector<16xi32>
      %add3A_1812 = arith.constant 1 : i32
      %add3A_1813 = vector.broadcast %add3A_1812 : i32 to vector<16xi32>
      %add3A_1814 = arith.addi %min3A_1808, %add3A_1813 : vector<16xi32>
      %select_n3A_1815 = arith.select %gt3A_1810, %select_n3A_1803, %add3A_1814 : vector<16xi1>, vector<16xi32>
      %add3A_1816 = arith.addi %select_n3A_1815, %select_n3A_1811 : vector<16xi32>
      %shift_right_logical3A_1817 = arith.constant 1 : i32
      %shift_right_logical3A_1818 = vector.broadcast %shift_right_logical3A_1817 : i32 to vector<16xi32>
      %shift_right_logical3A_1819 = arith.shrui %add3A_1816, %shift_right_logical3A_1818 : vector<16xi32>
      %min3A_1820 = arith.minsi %shift_right_logical3A_1819, %add3A_1647 : vector<16xi32>
      %gather3A_1821 = tpu.vector_load_idx %arg8[%min3A_1820] : memref<20000xi32, #tpu.memory_space<vmem>>[vector<16xi32>], vector<16xi32>,
      %gt3A_1822 = arith.cmpi sgt, %gather3A_1821, %min3A_1635 : vector<16xi32>
      %select_n3A_1823 = arith.select %gt3A_1822, %min3A_1820, %select_n3A_1811 : vector<16xi1>, vector<16xi32>
      %add3A_1824 = arith.constant 1 : i32
      %add3A_1825 = vector.broadcast %add3A_1824 : i32 to vector<16xi32>
      %add3A_1826 = arith.addi %min3A_1820, %add3A_1825 : vector<16xi32>
      %select_n3A_1827 = arith.select %gt3A_1822, %select_n3A_1815, %add3A_1826 : vector<16xi1>, vector<16xi32>
      %lt3A_1828 = vector.broadcast %reduce_sum3A_49 : i32 to vector<16xi32>
      %lt3A_1829 = arith.cmpi slt, %min3A_1635, %lt3A_1828 : vector<16xi32>
      %jit3A_1830 = arith.constant 0 : i32
      %broadcast_in_dim3A_1831 = vector.broadcast %jit3A_1830 : i32 to vector<16xi32>
      %select_n3A_1832 = arith.select %lt3A_1829, %select_n3A_1827, %broadcast_in_dim3A_1831 : vector<16xi1>, vector<16xi32>
      %sub3A_1833 = arith.constant 1 : i32
      %sub3A_1834 = vector.broadcast %sub3A_1833 : i32 to vector<16xi32>
      %sub3A_1835 = arith.subi %select_n3A_1832, %sub3A_1834 : vector<16xi32>
      %max3A_1836 = arith.constant 0 : i32
      %max3A_1837 = vector.broadcast %max3A_1836 : i32 to vector<16xi32>
      %max3A_1838 = arith.maxsi %sub3A_1835, %max3A_1837 : vector<16xi32>
      %gather3A_1839 = tpu.vector_load_idx %arg8[%max3A_1838] : memref<20000xi32, #tpu.memory_space<vmem>>[vector<16xi32>], vector<16xi32>,
      %gt3A_1840 = arith.constant 0 : i32
      %gt3A_1841 = vector.broadcast %gt3A_1840 : i32 to vector<16xi32>
      %gt3A_1842 = arith.cmpi sgt, %select_n3A_1832, %gt3A_1841 : vector<16xi32>
      %jit3A_1843 = arith.constant 0 : i32
      %broadcast_in_dim3A_1844 = vector.broadcast %jit3A_1843 : i32 to vector<16xi32>
      %select_n3A_1845 = arith.select %gt3A_1842, %gather3A_1839, %broadcast_in_dim3A_1844 : vector<16xi1>, vector<16xi32>
      %sub3A_1846 = arith.subi %min3A_1635, %select_n3A_1845 : vector<16xi32>
      %gather3A_1847 = tpu.vector_load_idx %arg9[%select_n3A_1832] : memref<20000xi32, #tpu.memory_space<vmem>>[vector<16xi32>], vector<16xi32>,
      %broadcast_in_dim3A_1848 = arith.constant 0 : i32
      %broadcast_in_dim3A_1849 = vector.broadcast %broadcast_in_dim3A_1848 : i32 to vector<16xi32>
      %broadcast_in_dim3A_1850 = arith.constant 0 : i32
      %broadcast_in_dim3A_1851 = vector.broadcast %broadcast_in_dim3A_1850 : i32 to vector<16xi32>
      %broadcast_in_dim3A_1852 = arith.constant false
      %broadcast_in_dim3A_1853 = vector.broadcast %broadcast_in_dim3A_1852 : i1 to vector<16xi1>
      %shift_right_logical3A_1854 = arith.constant 0 : i32
      %shift_right_logical3A_1855 = vector.broadcast %shift_right_logical3A_1854 : i32 to vector<16xi32>
      %shift_right_logical3A_1856 = arith.shrui %gather3A_1847, %shift_right_logical3A_1855 : vector<16xi32>
      %and3A_1857 = arith.constant 1 : i32
      %and3A_1858 = vector.broadcast %and3A_1857 : i32 to vector<16xi32>
      %and3A_1859 = arith.andi %shift_right_logical3A_1856, %and3A_1858 : vector<16xi32>
      %eq3A_1860 = arith.constant 1 : i32
      %eq3A_1861 = vector.broadcast %eq3A_1860 : i32 to vector<16xi32>
      %eq3A_1862 = arith.cmpi eq, %and3A_1859, %eq3A_1861 : vector<16xi32>
      %eq3A_1863 = arith.cmpi eq, %broadcast_in_dim3A_1851, %sub3A_1846 : vector<16xi32>
      %and3A_1864 = arith.andi %eq3A_1862, %eq3A_1863 : vector<16xi1>
      %not3A_1865 = arith.constant dense<true> : vector<16xi1>
      %not3A_1866 = arith.xori %broadcast_in_dim3A_1853, %not3A_1865 : vector<16xi1>
      %and3A_1867 = arith.andi %and3A_1864, %not3A_1866 : vector<16xi1>
      %jit3A_1868 = arith.constant 0 : i32
      %broadcast_in_dim3A_1869 = vector.broadcast %jit3A_1868 : i32 to vector<16xi32>
      %select_n3A_1870 = arith.select %and3A_1867, %broadcast_in_dim3A_1869, %broadcast_in_dim3A_1849 : vector<16xi1>, vector<16xi32>
      %or3A_1871 = arith.ori %broadcast_in_dim3A_1853, %and3A_1867 : vector<16xi1>
      %add3A_1872 = arith.addi %broadcast_in_dim3A_1851, %and3A_1859 : vector<16xi32>
      %shift_right_logical3A_1873 = arith.constant 1 : i32
      %shift_right_logical3A_1874 = vector.broadcast %shift_right_logical3A_1873 : i32 to vector<16xi32>
      %shift_right_logical3A_1875 = arith.shrui %gather3A_1847, %shift_right_logical3A_1874 : vector<16xi32>
      %and3A_1876 = arith.constant 1 : i32
      %and3A_1877 = vector.broadcast %and3A_1876 : i32 to vector<16xi32>
      %and3A_1878 = arith.andi %shift_right_logical3A_1875, %and3A_1877 : vector<16xi32>
      %eq3A_1879 = arith.constant 1 : i32
      %eq3A_1880 = vector.broadcast %eq3A_1879 : i32 to vector<16xi32>
      %eq3A_1881 = arith.cmpi eq, %and3A_1878, %eq3A_1880 : vector<16xi32>
      %eq3A_1882 = arith.cmpi eq, %add3A_1872, %sub3A_1846 : vector<16xi32>
      %and3A_1883 = arith.andi %eq3A_1881, %eq3A_1882 : vector<16xi1>
      %not3A_1884 = arith.constant dense<true> : vector<16xi1>
      %not3A_1885 = arith.xori %or3A_1871, %not3A_1884 : vector<16xi1>
      %and3A_1886 = arith.andi %and3A_1883, %not3A_1885 : vector<16xi1>
      %jit3A_1887 = arith.constant 1 : i32
      %broadcast_in_dim3A_1888 = vector.broadcast %jit3A_1887 : i32 to vector<16xi32>
      %select_n3A_1889 = arith.select %and3A_1886, %broadcast_in_dim3A_1888, %select_n3A_1870 : vector<16xi1>, vector<16xi32>
      %or3A_1890 = arith.ori %or3A_1871, %and3A_1886 : vector<16xi1>
      %add3A_1891 = arith.addi %add3A_1872, %and3A_1878 : vector<16xi32>
      %shift_right_logical3A_1892 = arith.constant 2 : i32
      %shift_right_logical3A_1893 = vector.broadcast %shift_right_logical3A_1892 : i32 to vector<16xi32>
      %shift_right_logical3A_1894 = arith.shrui %gather3A_1847, %shift_right_logical3A_1893 : vector<16xi32>
      %and3A_1895 = arith.constant 1 : i32
      %and3A_1896 = vector.broadcast %and3A_1895 : i32 to vector<16xi32>
      %and3A_1897 = arith.andi %shift_right_logical3A_1894, %and3A_1896 : vector<16xi32>
      %eq3A_1898 = arith.constant 1 : i32
      %eq3A_1899 = vector.broadcast %eq3A_1898 : i32 to vector<16xi32>
      %eq3A_1900 = arith.cmpi eq, %and3A_1897, %eq3A_1899 : vector<16xi32>
      %eq3A_1901 = arith.cmpi eq, %add3A_1891, %sub3A_1846 : vector<16xi32>
      %and3A_1902 = arith.andi %eq3A_1900, %eq3A_1901 : vector<16xi1>
      %not3A_1903 = arith.constant dense<true> : vector<16xi1>
      %not3A_1904 = arith.xori %or3A_1890, %not3A_1903 : vector<16xi1>
      %and3A_1905 = arith.andi %and3A_1902, %not3A_1904 : vector<16xi1>
      %jit3A_1906 = arith.constant 2 : i32
      %broadcast_in_dim3A_1907 = vector.broadcast %jit3A_1906 : i32 to vector<16xi32>
      %select_n3A_1908 = arith.select %and3A_1905, %broadcast_in_dim3A_1907, %select_n3A_1889 : vector<16xi1>, vector<16xi32>
      %or3A_1909 = arith.ori %or3A_1890, %and3A_1905 : vector<16xi1>
      %add3A_1910 = arith.addi %add3A_1891, %and3A_1897 : vector<16xi32>
      %shift_right_logical3A_1911 = arith.constant 3 : i32
      %shift_right_logical3A_1912 = vector.broadcast %shift_right_logical3A_1911 : i32 to vector<16xi32>
      %shift_right_logical3A_1913 = arith.shrui %gather3A_1847, %shift_right_logical3A_1912 : vector<16xi32>
      %and3A_1914 = arith.constant 1 : i32
      %and3A_1915 = vector.broadcast %and3A_1914 : i32 to vector<16xi32>
      %and3A_1916 = arith.andi %shift_right_logical3A_1913, %and3A_1915 : vector<16xi32>
      %eq3A_1917 = arith.constant 1 : i32
      %eq3A_1918 = vector.broadcast %eq3A_1917 : i32 to vector<16xi32>
      %eq3A_1919 = arith.cmpi eq, %and3A_1916, %eq3A_1918 : vector<16xi32>
      %eq3A_1920 = arith.cmpi eq, %add3A_1910, %sub3A_1846 : vector<16xi32>
      %and3A_1921 = arith.andi %eq3A_1919, %eq3A_1920 : vector<16xi1>
      %not3A_1922 = arith.constant dense<true> : vector<16xi1>
      %not3A_1923 = arith.xori %or3A_1909, %not3A_1922 : vector<16xi1>
      %and3A_1924 = arith.andi %and3A_1921, %not3A_1923 : vector<16xi1>
      %jit3A_1925 = arith.constant 3 : i32
      %broadcast_in_dim3A_1926 = vector.broadcast %jit3A_1925 : i32 to vector<16xi32>
      %select_n3A_1927 = arith.select %and3A_1924, %broadcast_in_dim3A_1926, %select_n3A_1908 : vector<16xi1>, vector<16xi32>
      %or3A_1928 = arith.ori %or3A_1909, %and3A_1924 : vector<16xi1>
      %add3A_1929 = arith.addi %add3A_1910, %and3A_1916 : vector<16xi32>
      %shift_right_logical3A_1930 = arith.constant 4 : i32
      %shift_right_logical3A_1931 = vector.broadcast %shift_right_logical3A_1930 : i32 to vector<16xi32>
      %shift_right_logical3A_1932 = arith.shrui %gather3A_1847, %shift_right_logical3A_1931 : vector<16xi32>
      %and3A_1933 = arith.constant 1 : i32
      %and3A_1934 = vector.broadcast %and3A_1933 : i32 to vector<16xi32>
      %and3A_1935 = arith.andi %shift_right_logical3A_1932, %and3A_1934 : vector<16xi32>
      %eq3A_1936 = arith.constant 1 : i32
      %eq3A_1937 = vector.broadcast %eq3A_1936 : i32 to vector<16xi32>
      %eq3A_1938 = arith.cmpi eq, %and3A_1935, %eq3A_1937 : vector<16xi32>
      %eq3A_1939 = arith.cmpi eq, %add3A_1929, %sub3A_1846 : vector<16xi32>
      %and3A_1940 = arith.andi %eq3A_1938, %eq3A_1939 : vector<16xi1>
      %not3A_1941 = arith.constant dense<true> : vector<16xi1>
      %not3A_1942 = arith.xori %or3A_1928, %not3A_1941 : vector<16xi1>
      %and3A_1943 = arith.andi %and3A_1940, %not3A_1942 : vector<16xi1>
      %jit3A_1944 = arith.constant 4 : i32
      %broadcast_in_dim3A_1945 = vector.broadcast %jit3A_1944 : i32 to vector<16xi32>
      %select_n3A_1946 = arith.select %and3A_1943, %broadcast_in_dim3A_1945, %select_n3A_1927 : vector<16xi1>, vector<16xi32>
      %or3A_1947 = arith.ori %or3A_1928, %and3A_1943 : vector<16xi1>
      %add3A_1948 = arith.addi %add3A_1929, %and3A_1935 : vector<16xi32>
      %shift_right_logical3A_1949 = arith.constant 5 : i32
      %shift_right_logical3A_1950 = vector.broadcast %shift_right_logical3A_1949 : i32 to vector<16xi32>
      %shift_right_logical3A_1951 = arith.shrui %gather3A_1847, %shift_right_logical3A_1950 : vector<16xi32>
      %and3A_1952 = arith.constant 1 : i32
      %and3A_1953 = vector.broadcast %and3A_1952 : i32 to vector<16xi32>
      %and3A_1954 = arith.andi %shift_right_logical3A_1951, %and3A_1953 : vector<16xi32>
      %eq3A_1955 = arith.constant 1 : i32
      %eq3A_1956 = vector.broadcast %eq3A_1955 : i32 to vector<16xi32>
      %eq3A_1957 = arith.cmpi eq, %and3A_1954, %eq3A_1956 : vector<16xi32>
      %eq3A_1958 = arith.cmpi eq, %add3A_1948, %sub3A_1846 : vector<16xi32>
      %and3A_1959 = arith.andi %eq3A_1957, %eq3A_1958 : vector<16xi1>
      %not3A_1960 = arith.constant dense<true> : vector<16xi1>
      %not3A_1961 = arith.xori %or3A_1947, %not3A_1960 : vector<16xi1>
      %and3A_1962 = arith.andi %and3A_1959, %not3A_1961 : vector<16xi1>
      %jit3A_1963 = arith.constant 5 : i32
      %broadcast_in_dim3A_1964 = vector.broadcast %jit3A_1963 : i32 to vector<16xi32>
      %select_n3A_1965 = arith.select %and3A_1962, %broadcast_in_dim3A_1964, %select_n3A_1946 : vector<16xi1>, vector<16xi32>
      %or3A_1966 = arith.ori %or3A_1947, %and3A_1962 : vector<16xi1>
      %add3A_1967 = arith.addi %add3A_1948, %and3A_1954 : vector<16xi32>
      %shift_right_logical3A_1968 = arith.constant 6 : i32
      %shift_right_logical3A_1969 = vector.broadcast %shift_right_logical3A_1968 : i32 to vector<16xi32>
      %shift_right_logical3A_1970 = arith.shrui %gather3A_1847, %shift_right_logical3A_1969 : vector<16xi32>
      %and3A_1971 = arith.constant 1 : i32
      %and3A_1972 = vector.broadcast %and3A_1971 : i32 to vector<16xi32>
      %and3A_1973 = arith.andi %shift_right_logical3A_1970, %and3A_1972 : vector<16xi32>
      %eq3A_1974 = arith.constant 1 : i32
      %eq3A_1975 = vector.broadcast %eq3A_1974 : i32 to vector<16xi32>
      %eq3A_1976 = arith.cmpi eq, %and3A_1973, %eq3A_1975 : vector<16xi32>
      %eq3A_1977 = arith.cmpi eq, %add3A_1967, %sub3A_1846 : vector<16xi32>
      %and3A_1978 = arith.andi %eq3A_1976, %eq3A_1977 : vector<16xi1>
      %not3A_1979 = arith.constant dense<true> : vector<16xi1>
      %not3A_1980 = arith.xori %or3A_1966, %not3A_1979 : vector<16xi1>
      %and3A_1981 = arith.andi %and3A_1978, %not3A_1980 : vector<16xi1>
      %jit3A_1982 = arith.constant 6 : i32
      %broadcast_in_dim3A_1983 = vector.broadcast %jit3A_1982 : i32 to vector<16xi32>
      %select_n3A_1984 = arith.select %and3A_1981, %broadcast_in_dim3A_1983, %select_n3A_1965 : vector<16xi1>, vector<16xi32>
      %or3A_1985 = arith.ori %or3A_1966, %and3A_1981 : vector<16xi1>
      %add3A_1986 = arith.addi %add3A_1967, %and3A_1973 : vector<16xi32>
      %shift_right_logical3A_1987 = arith.constant 7 : i32
      %shift_right_logical3A_1988 = vector.broadcast %shift_right_logical3A_1987 : i32 to vector<16xi32>
      %shift_right_logical3A_1989 = arith.shrui %gather3A_1847, %shift_right_logical3A_1988 : vector<16xi32>
      %and3A_1990 = arith.constant 1 : i32
      %and3A_1991 = vector.broadcast %and3A_1990 : i32 to vector<16xi32>
      %and3A_1992 = arith.andi %shift_right_logical3A_1989, %and3A_1991 : vector<16xi32>
      %eq3A_1993 = arith.constant 1 : i32
      %eq3A_1994 = vector.broadcast %eq3A_1993 : i32 to vector<16xi32>
      %eq3A_1995 = arith.cmpi eq, %and3A_1992, %eq3A_1994 : vector<16xi32>
      %eq3A_1996 = arith.cmpi eq, %add3A_1986, %sub3A_1846 : vector<16xi32>
      %and3A_1997 = arith.andi %eq3A_1995, %eq3A_1996 : vector<16xi1>
      %not3A_1998 = arith.constant dense<true> : vector<16xi1>
      %not3A_1999 = arith.xori %or3A_1985, %not3A_1998 : vector<16xi1>
      %and3A_2000 = arith.andi %and3A_1997, %not3A_1999 : vector<16xi1>
      %jit3A_2001 = arith.constant 7 : i32
      %broadcast_in_dim3A_2002 = vector.broadcast %jit3A_2001 : i32 to vector<16xi32>
      %select_n3A_2003 = arith.select %and3A_2000, %broadcast_in_dim3A_2002, %select_n3A_1984 : vector<16xi1>, vector<16xi32>
      %or3A_2004 = arith.ori %or3A_1985, %and3A_2000 : vector<16xi1>
      %add3A_2005 = arith.addi %add3A_1986, %and3A_1992 : vector<16xi32>
      %shift_right_logical3A_2006 = arith.constant 8 : i32
      %shift_right_logical3A_2007 = vector.broadcast %shift_right_logical3A_2006 : i32 to vector<16xi32>
      %shift_right_logical3A_2008 = arith.shrui %gather3A_1847, %shift_right_logical3A_2007 : vector<16xi32>
      %and3A_2009 = arith.constant 1 : i32
      %and3A_2010 = vector.broadcast %and3A_2009 : i32 to vector<16xi32>
      %and3A_2011 = arith.andi %shift_right_logical3A_2008, %and3A_2010 : vector<16xi32>
      %eq3A_2012 = arith.constant 1 : i32
      %eq3A_2013 = vector.broadcast %eq3A_2012 : i32 to vector<16xi32>
      %eq3A_2014 = arith.cmpi eq, %and3A_2011, %eq3A_2013 : vector<16xi32>
      %eq3A_2015 = arith.cmpi eq, %add3A_2005, %sub3A_1846 : vector<16xi32>
      %and3A_2016 = arith.andi %eq3A_2014, %eq3A_2015 : vector<16xi1>
      %not3A_2017 = arith.constant dense<true> : vector<16xi1>
      %not3A_2018 = arith.xori %or3A_2004, %not3A_2017 : vector<16xi1>
      %and3A_2019 = arith.andi %and3A_2016, %not3A_2018 : vector<16xi1>
      %jit3A_2020 = arith.constant 8 : i32
      %broadcast_in_dim3A_2021 = vector.broadcast %jit3A_2020 : i32 to vector<16xi32>
      %select_n3A_2022 = arith.select %and3A_2019, %broadcast_in_dim3A_2021, %select_n3A_2003 : vector<16xi1>, vector<16xi32>
      %or3A_2023 = arith.ori %or3A_2004, %and3A_2019 : vector<16xi1>
      %add3A_2024 = arith.addi %add3A_2005, %and3A_2011 : vector<16xi32>
      %shift_right_logical3A_2025 = arith.constant 9 : i32
      %shift_right_logical3A_2026 = vector.broadcast %shift_right_logical3A_2025 : i32 to vector<16xi32>
      %shift_right_logical3A_2027 = arith.shrui %gather3A_1847, %shift_right_logical3A_2026 : vector<16xi32>
      %and3A_2028 = arith.constant 1 : i32
      %and3A_2029 = vector.broadcast %and3A_2028 : i32 to vector<16xi32>
      %and3A_2030 = arith.andi %shift_right_logical3A_2027, %and3A_2029 : vector<16xi32>
      %eq3A_2031 = arith.constant 1 : i32
      %eq3A_2032 = vector.broadcast %eq3A_2031 : i32 to vector<16xi32>
      %eq3A_2033 = arith.cmpi eq, %and3A_2030, %eq3A_2032 : vector<16xi32>
      %eq3A_2034 = arith.cmpi eq, %add3A_2024, %sub3A_1846 : vector<16xi32>
      %and3A_2035 = arith.andi %eq3A_2033, %eq3A_2034 : vector<16xi1>
      %not3A_2036 = arith.constant dense<true> : vector<16xi1>
      %not3A_2037 = arith.xori %or3A_2023, %not3A_2036 : vector<16xi1>
      %and3A_2038 = arith.andi %and3A_2035, %not3A_2037 : vector<16xi1>
      %jit3A_2039 = arith.constant 9 : i32
      %broadcast_in_dim3A_2040 = vector.broadcast %jit3A_2039 : i32 to vector<16xi32>
      %select_n3A_2041 = arith.select %and3A_2038, %broadcast_in_dim3A_2040, %select_n3A_2022 : vector<16xi1>, vector<16xi32>
      %or3A_2042 = arith.ori %or3A_2023, %and3A_2038 : vector<16xi1>
      %add3A_2043 = arith.addi %add3A_2024, %and3A_2030 : vector<16xi32>
      %shift_right_logical3A_2044 = arith.constant 10 : i32
      %shift_right_logical3A_2045 = vector.broadcast %shift_right_logical3A_2044 : i32 to vector<16xi32>
      %shift_right_logical3A_2046 = arith.shrui %gather3A_1847, %shift_right_logical3A_2045 : vector<16xi32>
      %and3A_2047 = arith.constant 1 : i32
      %and3A_2048 = vector.broadcast %and3A_2047 : i32 to vector<16xi32>
      %and3A_2049 = arith.andi %shift_right_logical3A_2046, %and3A_2048 : vector<16xi32>
      %eq3A_2050 = arith.constant 1 : i32
      %eq3A_2051 = vector.broadcast %eq3A_2050 : i32 to vector<16xi32>
      %eq3A_2052 = arith.cmpi eq, %and3A_2049, %eq3A_2051 : vector<16xi32>
      %eq3A_2053 = arith.cmpi eq, %add3A_2043, %sub3A_1846 : vector<16xi32>
      %and3A_2054 = arith.andi %eq3A_2052, %eq3A_2053 : vector<16xi1>
      %not3A_2055 = arith.constant dense<true> : vector<16xi1>
      %not3A_2056 = arith.xori %or3A_2042, %not3A_2055 : vector<16xi1>
      %and3A_2057 = arith.andi %and3A_2054, %not3A_2056 : vector<16xi1>
      %jit3A_2058 = arith.constant 10 : i32
      %broadcast_in_dim3A_2059 = vector.broadcast %jit3A_2058 : i32 to vector<16xi32>
      %select_n3A_2060 = arith.select %and3A_2057, %broadcast_in_dim3A_2059, %select_n3A_2041 : vector<16xi1>, vector<16xi32>
      %or3A_2061 = arith.ori %or3A_2042, %and3A_2057 : vector<16xi1>
      %add3A_2062 = arith.addi %add3A_2043, %and3A_2049 : vector<16xi32>
      %shift_right_logical3A_2063 = arith.constant 11 : i32
      %shift_right_logical3A_2064 = vector.broadcast %shift_right_logical3A_2063 : i32 to vector<16xi32>
      %shift_right_logical3A_2065 = arith.shrui %gather3A_1847, %shift_right_logical3A_2064 : vector<16xi32>
      %and3A_2066 = arith.constant 1 : i32
      %and3A_2067 = vector.broadcast %and3A_2066 : i32 to vector<16xi32>
      %and3A_2068 = arith.andi %shift_right_logical3A_2065, %and3A_2067 : vector<16xi32>
      %eq3A_2069 = arith.constant 1 : i32
      %eq3A_2070 = vector.broadcast %eq3A_2069 : i32 to vector<16xi32>
      %eq3A_2071 = arith.cmpi eq, %and3A_2068, %eq3A_2070 : vector<16xi32>
      %eq3A_2072 = arith.cmpi eq, %add3A_2062, %sub3A_1846 : vector<16xi32>
      %and3A_2073 = arith.andi %eq3A_2071, %eq3A_2072 : vector<16xi1>
      %not3A_2074 = arith.constant dense<true> : vector<16xi1>
      %not3A_2075 = arith.xori %or3A_2061, %not3A_2074 : vector<16xi1>
      %and3A_2076 = arith.andi %and3A_2073, %not3A_2075 : vector<16xi1>
      %jit3A_2077 = arith.constant 11 : i32
      %broadcast_in_dim3A_2078 = vector.broadcast %jit3A_2077 : i32 to vector<16xi32>
      %select_n3A_2079 = arith.select %and3A_2076, %broadcast_in_dim3A_2078, %select_n3A_2060 : vector<16xi1>, vector<16xi32>
      %or3A_2080 = arith.ori %or3A_2061, %and3A_2076 : vector<16xi1>
      %add3A_2081 = arith.addi %add3A_2062, %and3A_2068 : vector<16xi32>
      %shift_right_logical3A_2082 = arith.constant 12 : i32
      %shift_right_logical3A_2083 = vector.broadcast %shift_right_logical3A_2082 : i32 to vector<16xi32>
      %shift_right_logical3A_2084 = arith.shrui %gather3A_1847, %shift_right_logical3A_2083 : vector<16xi32>
      %and3A_2085 = arith.constant 1 : i32
      %and3A_2086 = vector.broadcast %and3A_2085 : i32 to vector<16xi32>
      %and3A_2087 = arith.andi %shift_right_logical3A_2084, %and3A_2086 : vector<16xi32>
      %eq3A_2088 = arith.constant 1 : i32
      %eq3A_2089 = vector.broadcast %eq3A_2088 : i32 to vector<16xi32>
      %eq3A_2090 = arith.cmpi eq, %and3A_2087, %eq3A_2089 : vector<16xi32>
      %eq3A_2091 = arith.cmpi eq, %add3A_2081, %sub3A_1846 : vector<16xi32>
      %and3A_2092 = arith.andi %eq3A_2090, %eq3A_2091 : vector<16xi1>
      %not3A_2093 = arith.constant dense<true> : vector<16xi1>
      %not3A_2094 = arith.xori %or3A_2080, %not3A_2093 : vector<16xi1>
      %and3A_2095 = arith.andi %and3A_2092, %not3A_2094 : vector<16xi1>
      %jit3A_2096 = arith.constant 12 : i32
      %broadcast_in_dim3A_2097 = vector.broadcast %jit3A_2096 : i32 to vector<16xi32>
      %select_n3A_2098 = arith.select %and3A_2095, %broadcast_in_dim3A_2097, %select_n3A_2079 : vector<16xi1>, vector<16xi32>
      %or3A_2099 = arith.ori %or3A_2080, %and3A_2095 : vector<16xi1>
      %add3A_2100 = arith.addi %add3A_2081, %and3A_2087 : vector<16xi32>
      %shift_right_logical3A_2101 = arith.constant 13 : i32
      %shift_right_logical3A_2102 = vector.broadcast %shift_right_logical3A_2101 : i32 to vector<16xi32>
      %shift_right_logical3A_2103 = arith.shrui %gather3A_1847, %shift_right_logical3A_2102 : vector<16xi32>
      %and3A_2104 = arith.constant 1 : i32
      %and3A_2105 = vector.broadcast %and3A_2104 : i32 to vector<16xi32>
      %and3A_2106 = arith.andi %shift_right_logical3A_2103, %and3A_2105 : vector<16xi32>
      %eq3A_2107 = arith.constant 1 : i32
      %eq3A_2108 = vector.broadcast %eq3A_2107 : i32 to vector<16xi32>
      %eq3A_2109 = arith.cmpi eq, %and3A_2106, %eq3A_2108 : vector<16xi32>
      %eq3A_2110 = arith.cmpi eq, %add3A_2100, %sub3A_1846 : vector<16xi32>
      %and3A_2111 = arith.andi %eq3A_2109, %eq3A_2110 : vector<16xi1>
      %not3A_2112 = arith.constant dense<true> : vector<16xi1>
      %not3A_2113 = arith.xori %or3A_2099, %not3A_2112 : vector<16xi1>
      %and3A_2114 = arith.andi %and3A_2111, %not3A_2113 : vector<16xi1>
      %jit3A_2115 = arith.constant 13 : i32
      %broadcast_in_dim3A_2116 = vector.broadcast %jit3A_2115 : i32 to vector<16xi32>
      %select_n3A_2117 = arith.select %and3A_2114, %broadcast_in_dim3A_2116, %select_n3A_2098 : vector<16xi1>, vector<16xi32>
      %or3A_2118 = arith.ori %or3A_2099, %and3A_2114 : vector<16xi1>
      %add3A_2119 = arith.addi %add3A_2100, %and3A_2106 : vector<16xi32>
      %shift_right_logical3A_2120 = arith.constant 14 : i32
      %shift_right_logical3A_2121 = vector.broadcast %shift_right_logical3A_2120 : i32 to vector<16xi32>
      %shift_right_logical3A_2122 = arith.shrui %gather3A_1847, %shift_right_logical3A_2121 : vector<16xi32>
      %and3A_2123 = arith.constant 1 : i32
      %and3A_2124 = vector.broadcast %and3A_2123 : i32 to vector<16xi32>
      %and3A_2125 = arith.andi %shift_right_logical3A_2122, %and3A_2124 : vector<16xi32>
      %eq3A_2126 = arith.constant 1 : i32
      %eq3A_2127 = vector.broadcast %eq3A_2126 : i32 to vector<16xi32>
      %eq3A_2128 = arith.cmpi eq, %and3A_2125, %eq3A_2127 : vector<16xi32>
      %eq3A_2129 = arith.cmpi eq, %add3A_2119, %sub3A_1846 : vector<16xi32>
      %and3A_2130 = arith.andi %eq3A_2128, %eq3A_2129 : vector<16xi1>
      %not3A_2131 = arith.constant dense<true> : vector<16xi1>
      %not3A_2132 = arith.xori %or3A_2118, %not3A_2131 : vector<16xi1>
      %and3A_2133 = arith.andi %and3A_2130, %not3A_2132 : vector<16xi1>
      %jit3A_2134 = arith.constant 14 : i32
      %broadcast_in_dim3A_2135 = vector.broadcast %jit3A_2134 : i32 to vector<16xi32>
      %select_n3A_2136 = arith.select %and3A_2133, %broadcast_in_dim3A_2135, %select_n3A_2117 : vector<16xi1>, vector<16xi32>
      %or3A_2137 = arith.ori %or3A_2118, %and3A_2133 : vector<16xi1>
      %add3A_2138 = arith.addi %add3A_2119, %and3A_2125 : vector<16xi32>
      %jit3A_2139 = arith.constant 0 : i32
      %broadcast_in_dim3A_2140 = vector.broadcast %jit3A_2139 : i32 to vector<16xi32>
      %select_n3A_2141 = arith.select %lt3A_1829, %select_n3A_2136, %broadcast_in_dim3A_2140 : vector<16xi1>, vector<16xi32>
      %mul3A_2142 = arith.constant 20000 : i32
      %mul3A_2143 = arith.muli %arg0, %mul3A_2142 : i32
      %add3A_2144 = vector.broadcast %mul3A_2143 : i32 to vector<16xi32>
      %add3A_2145 = arith.addi %add3A_2144, %select_n3A_1832 : vector<16xi32>
      %swap3A_2146 = arith.constant 0 : index
      %swap3A_2147 = tpu.vector_load %arg10[%swap3A_2146] {strides = array<i32>} : memref<16xi32, #tpu.memory_space<vmem>>, vector<16xi32>,
      tpu.vector_store %arg10[%swap3A_2146], %add3A_2145 {strides = array<i32>} : memref<16xi32, #tpu.memory_space<vmem>>, vector<16xi32>,
      %swap3A_2148 = arith.constant 0 : index
      %swap3A_2149 = tpu.vector_load %arg13[%swap3A_2148] {strides = array<i32>} : memref<16xi32, #tpu.memory_space<vmem>>, vector<16xi32>,
      tpu.vector_store %arg13[%swap3A_2148], %select_n3A_2141 {strides = array<i32>} : memref<16xi32, #tpu.memory_space<vmem>>, vector<16xi32>,
      %dma_start3A_2150 = arith.constant 0 : i32
      %dma_start3A_2151 = arith.constant 0 : i32
      %dma_start3A_2152 = tpu.memref_slice %arg2[%dma_start3A_2150, %dma_start3A_2151] : memref<40000x128xf32, #tpu.memory_space<hbm>> -> memref<40000x128xf32, #tpu.memory_space<hbm>>
      tpu.enqueue_indirect_dma source(%dma_start3A_2152 : memref<40000x128xf32, #tpu.memory_space<hbm>>) target(%arg11 : memref<16x128xf32, #tpu.memory_space<vmem>>) offsets(%arg10 : memref<16xi32, #tpu.memory_space<vmem>>) semaphore(%arg19 : memref<!tpu.dma_semaphore, #tpu.memory_space<semaphore_mem>>)
      %dma_wait3A_2153 = arith.constant 0 : i32
      %dma_wait3A_2154 = arith.constant 0 : i32
      %dma_wait3A_2155 = tpu.memref_slice %arg2[%dma_wait3A_2153, %dma_wait3A_2154] : memref<40000x128xf32, #tpu.memory_space<hbm>> -> memref<40000x128xf32, #tpu.memory_space<hbm>>
      tpu.wait_indirect_dma semaphore(%arg19 : memref<!tpu.dma_semaphore, #tpu.memory_space<semaphore_mem>>) src(%dma_wait3A_2155 : memref<40000x128xf32, #tpu.memory_space<hbm>>) dst(%arg11 : memref<16x128xf32, #tpu.memory_space<vmem>>)
      %scan3A_2156 = arith.constant 0 : i32
      %scan3A_2157 = arith.constant 16 : i32
      %scan3A_2158 = arith.addi %scan3A_2156, %scan3A_2157 : i32
      %scan3A_2159 = arith.constant 1 : i32
      scf.for %scan3A_2163 = %scan3A_2156 to %scan3A_2158 step %scan3A_2159  : i32 {
        %mul3A_2164 = arith.constant 1 : i32
        %mul3A_2165 = arith.muli %scan3A_2163, %mul3A_2164 : i32
        %add3A_2166 = arith.constant 0 : i32
        %add3A_2167 = arith.addi %add3A_2166, %mul3A_2165 : i32
        %broadcast_in_dim3A_2168 = arith.constant 0 : i32
        %broadcast_in_dim3A_2169 = vector.broadcast %broadcast_in_dim3A_2168 : i32 to vector<16xi32>
        %add3A_2170 = vector.broadcast %add3A_2167 : i32 to vector<16xi32>
        %add3A_2171 = arith.addi %broadcast_in_dim3A_2169, %add3A_2170 : vector<16xi32>
        %gather3A_2172 = tpu.vector_load_idx %arg13[%add3A_2171] : memref<16xi32, #tpu.memory_space<vmem>>[vector<16xi32>], vector<16xi32>,
        %get3A = arith.index_cast %add3A_2167 : i32 to index
        %get3A_2173 = arith.constant 0 : index
        %get3A_2174 = tpu.vector_load %arg11[%get3A, %get3A_2173] {strides = array<i32>} : memref<16x128xf32, #tpu.memory_space<vmem>>, vector<16xf32>,
        %get3A_2175 = arith.index_cast %add3A_2167 : i32 to index
        %get3A_2176 = arith.constant 6 : index
        %get3A_2177 = tpu.vector_load %arg11[%get3A_2175, %get3A_2176] {strides = array<i32>} : memref<16x128xf32, #tpu.memory_space<vmem>>, vector<16xf32>,
        %broadcast_in_dim3A_2178 = arith.constant 0 : i32
        %broadcast_in_dim3A_2179 = vector.broadcast %broadcast_in_dim3A_2178 : i32 to vector<16xi32>
        %add3A_2180 = vector.broadcast %add3A_2167 : i32 to vector<16xi32>
        %add3A_2181 = arith.addi %broadcast_in_dim3A_2179, %add3A_2180 : vector<16xi32>
        %broadcast_in_dim3A_2182 = arith.constant 0 : i32
        %broadcast_in_dim3A_2183 = vector.broadcast %broadcast_in_dim3A_2182 : i32 to vector<16xi32>
        %add3A_2184 = arith.constant 4 : i32
        %add3A_2185 = vector.broadcast %add3A_2184 : i32 to vector<16xi32>
        %add3A_2186 = arith.addi %broadcast_in_dim3A_2183, %add3A_2185 : vector<16xi32>
        %gather3A_2187 = tpu.vector_load_idx %arg11[%add3A_2181, %add3A_2186] : memref<16x128xf32, #tpu.memory_space<vmem>>[vector<16xi32>, vector<16xi32>], vector<16xf32>,
        %broadcast_in_dim3A_2188 = arith.constant 0 : i32
        %broadcast_in_dim3A_2189 = vector.broadcast %broadcast_in_dim3A_2188 : i32 to vector<16xi32>
        %add3A_2190 = vector.broadcast %add3A_2167 : i32 to vector<16xi32>
        %add3A_2191 = arith.addi %broadcast_in_dim3A_2189, %add3A_2190 : vector<16xi32>
        %broadcast_in_dim3A_2192 = arith.constant 0 : i32
        %broadcast_in_dim3A_2193 = vector.broadcast %broadcast_in_dim3A_2192 : i32 to vector<16xi32>
        %add3A_2194 = arith.constant 5 : i32
        %add3A_2195 = vector.broadcast %add3A_2194 : i32 to vector<16xi32>
        %add3A_2196 = arith.addi %broadcast_in_dim3A_2193, %add3A_2195 : vector<16xi32>
        %gather3A_2197 = tpu.vector_load_idx %arg11[%add3A_2191, %add3A_2196] : memref<16x128xf32, #tpu.memory_space<vmem>>[vector<16xi32>, vector<16xi32>], vector<16xf32>,
        %convert_element_type3A_2198 = arith.sitofp %gather3A_2172 : vector<16xi32> to vector<16xf32>
        %mul3A_2199 = arith.constant 4.096000e+03 : f32
        %mul3A_2200 = vector.broadcast %mul3A_2199 : f32 to vector<16xf32>
        %mul3A_2201 = arith.mulf %convert_element_type3A_2198, %mul3A_2200 : vector<16xf32>
        %eq3A_2202 = arith.cmpi eq, %iota3A, %gather3A_2172 : vector<16xi32>
        %jit3A_2203 = arith.constant 0.000000e+00 : f32
        %broadcast_in_dim3A_2204 = vector.broadcast %jit3A_2203 : f32 to vector<16xf32>
        %select_n3A_2205 = arith.select %eq3A_2202, %get3A_2177, %broadcast_in_dim3A_2204 : vector<16xi1>, vector<16xf32>
        %reduce_sum3A_2206 = arith.constant true
        %reduce_sum3A_2207 = vector.broadcast %reduce_sum3A_2206 : i1 to vector<16xi1>
        %reduce_sum3A_2208 = tpu.scan <sum>, %select_n3A_2205 masked %reduce_sum3A_2207 : vector<16xf32>, vector<16xi1> -> vector<16xf32>
        %reduce_sum3A_2209 = vector.extract %reduce_sum3A_2208[15] : f32 from vector<16xf32>
        %mul3A_2210 = vector.broadcast %reduce_sum3A_2209 : f32 to vector<16xf32>
        %mul3A_2211 = arith.mulf %mul3A_2210, %gather3A_2187 : vector<16xf32>
        %lt3A_2212 = arith.constant 4 : i32
        %lt3A_2213 = vector.broadcast %lt3A_2212 : i32 to vector<16xi32>
        %lt3A_2214 = arith.cmpi slt, %iota3A, %lt3A_2213 : vector<16xi32>
        %add3A_2215 = arith.addf %get3A_2174, %mul3A_2201 : vector<16xf32>
        %eq3A_2216 = arith.constant 4 : i32
        %eq3A_2217 = vector.broadcast %eq3A_2216 : i32 to vector<16xi32>
        %eq3A_2218 = arith.cmpi eq, %iota3A, %eq3A_2217 : vector<16xi32>
        %eq3A_2219 = arith.constant 5 : i32
        %eq3A_2220 = vector.broadcast %eq3A_2219 : i32 to vector<16xi32>
        %eq3A_2221 = arith.cmpi eq, %iota3A, %eq3A_2220 : vector<16xi32>
        %eq3A_2222 = arith.constant 6 : i32
        %eq3A_2223 = vector.broadcast %eq3A_2222 : i32 to vector<16xi32>
        %eq3A_2224 = arith.cmpi eq, %iota3A, %eq3A_2223 : vector<16xi32>
        %convert_element_type3A_2225 = arith.sitofp %gather3A_2172 : vector<16xi32> to vector<16xf32>
        %jit3A_2226 = arith.constant 0.000000e+00 : f32
        %broadcast_in_dim3A_2227 = vector.broadcast %jit3A_2226 : f32 to vector<16xf32>
        %select_n3A_2228 = arith.select %eq3A_2224, %convert_element_type3A_2225, %broadcast_in_dim3A_2227 : vector<16xi1>, vector<16xf32>
        %select_n3A_2229 = arith.select %eq3A_2221, %mul3A_2211, %select_n3A_2228 : vector<16xi1>, vector<16xf32>
        %select_n3A_2230 = arith.select %eq3A_2218, %gather3A_2197, %select_n3A_2229 : vector<16xi1>, vector<16xf32>
        %select_n3A_2231 = arith.select %lt3A_2214, %add3A_2215, %select_n3A_2230 : vector<16xi1>, vector<16xf32>
        %mul3A_2232 = arith.constant 16 : i32
        %mul3A_2233 = arith.muli %mul3A_2232, %add3A_1109 : i32
        %add3A_2234 = arith.addi %mul3A_2233, %add3A_2167 : i32
        %lt3A_2235 = arith.cmpi slt, %add3A_2234, %reduce_sum3A_49 : i32
        %jit3A_2236 = arith.constant 1.000000e+00 : f32
        %jit3A_2237 = arith.constant 0.000000e+00 : f32
        %select_n3A_2238 = arith.select %lt3A_2235, %jit3A_2236, %jit3A_2237 : f32
        %mul3A_2239 = vector.broadcast %select_n3A_2238 : f32 to vector<16xf32>
        %mul3A_2240 = arith.mulf %select_n3A_2231, %mul3A_2239 : vector<16xf32>
        %swap3A_2241 = arith.index_cast %add3A_2167 : i32 to index
        %swap3A_2242 = arith.constant 0 : index
        %swap3A_2243 = tpu.vector_load %arg12[%swap3A_2241, %swap3A_2242] {strides = array<i32>} : memref<16x16xf32, #tpu.memory_space<vmem>>, vector<16xf32>,
        tpu.vector_store %arg12[%swap3A_2241, %swap3A_2242], %mul3A_2240 {strides = array<i32>} : memref<16x16xf32, #tpu.memory_space<vmem>>, vector<16xf32>,
      }
      %scan3A_2160 = arith.constant 16 : i32
      %mul3A_2161 = arith.constant 16 : i32
      %mul3A_2162 = arith.muli %mul3A_2161, %add3A_1109 : i32
      "tpu.region"() ({
        %run_scoped3A_2163 = tpu.sem_alloc : memref<!tpu.dma_semaphore, #tpu.memory_space<semaphore_mem>>
        %dma_start3A_2164 = arith.constant 0 : i32
        %dma_start3A_2165 = arith.constant 0 : i32
        %dma_start3A_2166 = tpu.memref_slice %arg4[%arg0, %dma_start3A_2164, %dma_start3A_2165] : memref<2x304x16xf32, #tpu.memory_space<hbm>> -> memref<1x304x16xf32, #tpu.memory_space<hbm>>
        %dma_start3A_2167 = tpu.memref_squeeze %dma_start3A_2166 : memref<1x304x16xf32, #tpu.memory_space<hbm>> -> memref<304x16xf32, #tpu.memory_space<hbm>>
        %dma_start3A_2168 = arith.constant 0 : i32
        %dma_start3A_2169 = tpu.memref_slice %dma_start3A_2167[%mul3A_2162, %dma_start3A_2168] : memref<304x16xf32, #tpu.memory_space<hbm>> -> memref<16x16xf32, #tpu.memory_space<hbm>>
        %dma_start3A_2170 = arith.constant 0 : i32
        %dma_start3A_2171 = arith.constant 0 : i32
        %dma_start3A_2172 = tpu.memref_slice %arg4[%arg0, %dma_start3A_2170, %dma_start3A_2171] : memref<2x304x16xf32, #tpu.memory_space<hbm>> -> memref<1x304x16xf32, #tpu.memory_space<hbm>>
        %dma_start3A_2173 = tpu.memref_squeeze %dma_start3A_2172 : memref<1x304x16xf32, #tpu.memory_space<hbm>> -> memref<304x16xf32, #tpu.memory_space<hbm>>
        %dma_start3A_2174 = arith.constant 0 : i32
        %dma_start3A_2175 = tpu.memref_slice %dma_start3A_2173[%mul3A_2162, %dma_start3A_2174] : memref<304x16xf32, #tpu.memory_space<hbm>> -> memref<16x16xf32, #tpu.memory_space<hbm>>
        tpu.enqueue_dma source(%arg12 : memref<16x16xf32, #tpu.memory_space<vmem>>) target(%dma_start3A_2175 : memref<16x16xf32, #tpu.memory_space<hbm>>) target_semaphore(%run_scoped3A_2163 : memref<!tpu.dma_semaphore, #tpu.memory_space<semaphore_mem>>)
        %dma_wait3A_2176 = arith.constant 0 : i32
        %dma_wait3A_2177 = arith.constant 0 : i32
        %dma_wait3A_2178 = tpu.memref_slice %arg4[%arg0, %dma_wait3A_2176, %dma_wait3A_2177] : memref<2x304x16xf32, #tpu.memory_space<hbm>> -> memref<1x304x16xf32, #tpu.memory_space<hbm>>
        %dma_wait3A_2179 = tpu.memref_squeeze %dma_wait3A_2178 : memref<1x304x16xf32, #tpu.memory_space<hbm>> -> memref<304x16xf32, #tpu.memory_space<hbm>>
        %dma_wait3A_2180 = arith.constant 0 : i32
        %dma_wait3A_2181 = tpu.memref_slice %dma_wait3A_2179[%mul3A_2162, %dma_wait3A_2180] : memref<304x16xf32, #tpu.memory_space<hbm>> -> memref<16x16xf32, #tpu.memory_space<hbm>>
        %dma_wait3A_2182 = arith.constant 0 : i32
        %dma_wait3A_2183 = arith.constant 0 : i32
        %dma_wait3A_2184 = tpu.memref_slice %arg4[%arg0, %dma_wait3A_2182, %dma_wait3A_2183] : memref<2x304x16xf32, #tpu.memory_space<hbm>> -> memref<1x304x16xf32, #tpu.memory_space<hbm>>
        %dma_wait3A_2185 = tpu.memref_squeeze %dma_wait3A_2184 : memref<1x304x16xf32, #tpu.memory_space<hbm>> -> memref<304x16xf32, #tpu.memory_space<hbm>>
        %dma_wait3A_2186 = arith.constant 0 : i32
        %dma_wait3A_2187 = tpu.memref_slice %dma_wait3A_2185[%mul3A_2162, %dma_wait3A_2186] : memref<304x16xf32, #tpu.memory_space<hbm>> -> memref<16x16xf32, #tpu.memory_space<hbm>>
        tpu.wait_dma2 semaphore(%run_scoped3A_2163 : memref<!tpu.dma_semaphore, #tpu.memory_space<semaphore_mem>>) src(%arg12 : memref<16x16xf32, #tpu.memory_space<vmem>>) dst(%dma_wait3A_2187 : memref<16x16xf32, #tpu.memory_space<hbm>>)
        tpu.yield
      }) : () -> ()
    } else {
    }
    %barrier3A_1107 = arith.constant 0 : index
    tpu.barrier barrier_id(%barrier3A_1107)
    return
  }
}

</mosaic_0001>

<sc_bundles>
// kernel: _nms_sc.3.cloned.1.call-start
scs
__scs_entry_jumppad:
0x0: {  	(pc) =	sbr.rel $0x88, $3  }
0x1: {  	(tag) =	ssettag $0x0;
	lr =	simm.s32 $0x1  }
0x2: {  	[smem:$0x3F9F] =	sst lr;
	_ =	strace $0xD0000000  }
0x3: {  	_ = 	snop  }
0x4: {  	_ = 	snop  }
0x5: {  	_ = 	snop  }
0x6: {  	_ = 	snop  }
0x7: {  	_ = 	snop  }
__scs_overlays_trampoline_lowered:
0x8: {  	[smem:$0x3FAE] =	sst s0  }
0x9: {  	[smem:$0x3FAF] =	sst s1  }
0xa: {  	[smem:$0x3FB0] =	sst s2  }
0xb: {  	[smem:$0x3FB1] =	sst s3  }
0xc: {  	[smem:$0x3FB2] =	sst s4  }
0xd: {  	[smem:$0x3FB3] =	sst s5  }
0xe: {  	[smem:$0x3FB4] =	sst s6  }
0xf: {  	[smem:$0x3FB5] =	sst s7  }
0x10: {  	[smem:$0x3FB6] =	sst s8  }
0x11: {  	[smem:$0x3FB7] =	sst s9;
	s0 =	simm.s32 @!p0 $0x0  }
0x12: {  	s1 =	sld [smem:$0x3F9D];
	s0 =	simm.s32 @p0 $0x1  }
0x13: {  	[smem:$0x3FB8] =	sst s0;
	s0 =	simm.s32 @!p1 $0x0  }
0x14: {  	s2 =	sld [smem:$0x3F9C];
	s0 =	simm.s32 @p1 $0x1  }
0x15: {  	[smem:$0x3FB9] =	sst s0;
	s0 =	simm.s32 @!p2 $0x0  }
0x16: {  	s3 =	sld [smem:$0x3FDB];
	s0 =	simm.s32 @p2 $0x1  }
0x17: {  	s4 =	simm.s32 $0x1BF5;
	[smem:$0x3FBB] =	sst s0  }
0x18: {  	s0 =	sld [smem:$0x3F9E];
	_ =	swait.ge [sflag:s4], $0x0  }
0x19: {  	s7 =	sld [smem:$0x3F9F]  }
0x1a: {  	s8 =	sadd.s32 $0xFFFFE003, lr  }
0x1b: {  	s9 =	sadd.s32 $0xFFFFFEF7, lr;
	s5 =	simm.s32 $0xFFFFFFFF;
	p2 =	slt.u32 s8, $0xFFFFF086  }
0x1c: {  	p1 =	slt.u32 s9, $0xF7A;
	s5 =	simm.s32 @!p2 $0x0  }
0x1d: {  	s5 =	simm.s32 @p1 $0x1;
	p0 =	seq.s32 s7, s2  }
0x1e: {  	s7 =	smul.u32 @!p0 $0xF7A, s2;
	p2 =	seq.s32 @!p0 s5, $0x0  }
0x1f: {  	s9 =	smul.u32 $0xF7A, s1;
	s8 =	simm.s32 @!p0 $0x1BF5;
	p2 =	por !p2, p0  }
0x20: {  	[sflag:s8] =	ssyncset.s32 @!p0 $0xFFFFF086;
	s6 =	sadd.s32 @!p0 s3, s7;
	s7 =	simm.s32 @!p0 $0x108  }
0x21: {  	s3 =	sadd.s32 s3, s9;
	s6 =	sadd.s32 @!p0 $0x88, s6;
	s7 =	simm.s32 @p2 $0x1082  }
0x22: {  	[simem:s7], [sflag:s8] =	dma.local @!p0 [hbm:s6], $0xF7A  }
0x23: {  	s9 =	sor.u32 $0xD0000000, s2;
	s6 =	simm.s32 $0x108;
	_ =	swait.ge @!p0 [sflag:s8], $0x0  }
0x24: {  	s3 =	sadd.s32 $0x88, s3;
	s6 =	simm.s32 @!p1 $0x1082;
	[sflag:s4] =	ssyncset.s32 $0xFFFFF086  }
0x25: {  	[simem:s6], [sflag:s4] =	dma.local [hbm:s3], $0xF7A  }
0x26: {  	[smem:$0x3F9F] =	sst s1;
	(tag) =	ssettag s2;
	_ =	strace s9  }
0x27: {  	s1 =	sld [smem:$0x3FAF]  }
0x28: {  	s2 =	sld [smem:$0x3FB0]  }
0x29: {  	s4 =	sld [smem:$0x3FB2]  }
0x2a: {  	p0 =	seq.s32 s5, $0x0;
	s5 =	sld [smem:$0x3FB3]  }
0x2b: {  	s6 =	sld [smem:$0x3FB4]  }
0x2c: {  	s7 =	sld [smem:$0x3FB5]  }
0x2d: {  	s3 =	simm.s32 $0x108;
	s8 =	sld [smem:$0x3FB6]  }
0x2e: {  	s3 =	simm.s32 @!p0 $0x1082;
	s9 =	sld [smem:$0x3FB7]  }
0x2f: {  	lr =	sadd.s32 s0, s3;
	s0 =	sld [smem:$0x3FAE]  }
0x30: {  	s3 =	sld [smem:$0x3FB1]  }
0x31: {  	[smem:$0x3FBA] =	sst s10  }
0x32: {  	s10 =	sld [smem:$0x3FB8];
	_ =	sdelay $0x3  }
0x33: {  	p0 =	seq.s32 s10, $0x1;
	s10 =	sld [smem:$0x3FBA];
	_ =	sdelay $0x3  }
0x34: {  	[smem:$0x3FBA] =	sst s10  }
0x35: {  	s10 =	sld [smem:$0x3FB9];
	_ =	sdelay $0x3  }
0x36: {  	p1 =	seq.s32 s10, $0x1;
	s10 =	sld [smem:$0x3FBA];
	_ =	sdelay $0x3  }
0x37: {  	[smem:$0x3FBA] =	sst s10  }
0x38: {  	s10 =	sld [smem:$0x3FBB]  }
0x39: {  	_ = 	snop;
	(pc) =	sbr.ind lr, $3  }
0x3a: {  	_ = 	snop  }
0x3b: {  	_ = 	snop  }
0x3c: {  	p2 =	seq.s32 s10, $0x1;
	s10 =	sld [smem:$0x3FBA]  }
0x3d: {  	_ =	shalt  }
0x3e: {  	_ =	shalt  }
0x3f: {  	_ =	shalt  }
0x40: {  	_ =	shalt  }
0x41: {  	_ =	shalt  }
0x42: {  	_ =	shalt  }
0x43: {  	_ =	shalt  }
0x44: {  	_ =	shalt  }
0x45: {  	_ =	shalt  }
0x46: {  	_ =	shalt  }
0x47: {  	_ =	shalt  }
0x48: {  	_ =	shalt  }
0x49: {  	_ =	shalt  }
0x4a: {  	_ =	shalt  }
0x4b: {  	_ =	shalt  }
0x4c: {  	_ =	shalt  }
0x4d: {  	_ =	shalt  }
0x4e: {  	_ =	shalt  }
0x4f: {  	_ =	shalt  }
0x50: {  	_ =	shalt  }
0x51: {  	_ =	shalt  }
0x52: {  	_ =	shalt  }
0x53: {  	_ =	shalt  }
0x54: {  	_ =	shalt  }
0x55: {  	_ =	shalt  }
0x56: {  	_ =	shalt  }
0x57: {  	_ =	shalt  }
0x58: {  	_ =	shalt  }
0x59: {  	_ =	shalt  }
0x5a: {  	_ =	shalt  }
0x5b: {  	_ =	shalt  }
0x5c: {  	_ =	shalt  }
0x5d: {  	_ =	shalt  }
0x5e: {  	_ =	shalt  }
0x5f: {  	_ =	shalt  }
0x60: {  	_ =	shalt  }
0x61: {  	_ =	shalt  }
0x62: {  	_ =	shalt  }
0x63: {  	_ =	shalt  }
0x64: {  	_ =	shalt  }
0x65: {  	_ =	shalt  }
0x66: {  	_ =	shalt  }
0x67: {  	_ =	shalt  }
0x68: {  	_ =	shalt  }
0x69: {  	_ =	shalt  }
0x6a: {  	_ =	shalt  }
0x6b: {  	_ =	shalt  }
0x6c: {  	_ =	shalt  }
0x6d: {  	_ =	shalt  }
0x6e: {  	_ =	shalt  }
0x6f: {  	_ =	shalt  }
0x70: {  	_ =	shalt  }
0x71: {  	_ =	shalt  }
0x72: {  	_ =	shalt  }
0x73: {  	_ =	shalt  }
0x74: {  	_ =	shalt  }
0x75: {  	_ =	shalt  }
0x76: {  	_ =	shalt  }
0x77: {  	_ =	shalt  }
0x78: {  	_ =	shalt  }
0x79: {  	_ =	shalt  }
0x7a: {  	_ =	shalt  }
0x7b: {  	_ =	shalt  }
0x7c: {  	_ =	shalt  }
0x7d: {  	_ =	shalt  }
0x7e: {  	_ =	shalt  }
0x7f: {  	_ =	shalt  }
0x80: {  	_ =	shalt  }
0x81: {  	_ =	shalt  }
0x82: {  	_ =	shalt  }
0x83: {  	_ =	shalt  }
0x84: {  	_ =	shalt  }
0x85: {  	_ =	shalt  }
0x86: {  	_ =	shalt  }
0x87: {  	_ =	shalt  }
.Lfunc_end0:
.L_simem_size_0:
called_computation_lowered:
.L_overlay_start_0:
0x88: {  	s2 =	sld [smem:$0x3FD9]  }
0x89: {  	s3 =	sld [smem:$0x3FFE];
	_ =	sdelay $0x1  }
0x8a: {  	s1 =	srdreg.scid  }
0x8b: {  	s0 =	sand.u32 $0x1, s1  }
0x8c: {  	s17 =	sshll.u32 s0, $0xA;
	s2 =	sadd.s32 s3, s2  }
0x8d: {  	s2 =	sadd.s32 s2, s17  }
0x8e: {  	[smem:$0x3FC6] =	sst s2  }
0x8f: {  	_ = 	snop  }
0x90: {  	s2 =	sld [smem:$0x3FC9]  }
0x91: {  	s18 =	sld [smem:$0x3FC8];
	(tm) =	ssettm $0x1  }
0x92: {  	s4 =	sld [smem:$0x3FFB];
	_ =	sdelay $0x3  }
0x93: {  	_ =	strace s4  }
0x94: {  	s4 =	sld [smem:$0x3FFC];
	_ =	sdelay $0x3  }
0x95: {  	_ =	strace s4  }
0x96: {  	s4 =	sld [smem:$0x3FFD];
	_ =	sdelay $0x3  }
0x97: {  	_ =	strace s4  }
0x98: {  	_ =	strace $0x8FFFFFFF  }
0x99: {  	s19 =	sld [smem:$0x3FDB];
	_ =	sdelay $0x1  }
0x9a: {  	s5 =	simm.s32 $_scs_section_size  }
0x9b: {  	s6 =	simm.s32 $_size__tile_overlayer_lowered;
	s7 =	simm.s32 $_tile_overlayer_lowered  }
0x9c: {  	s22 =	simm.s32 $0x1BFF;
	s21 =	sshll.u32 s7, $0x1;
	s4 =	sadd.s32 s5, s19  }
0x9d: {  	s8 =	simm.s32 $0x0;
	s20 =	sshll.u32 s6, $0x1;
	s6 =	sadd.s32 s21, s4  }
0x9e: {  	[timem:s8], [sflag:s22] =	dma.local [hbm:s6], s20  }
0x9f: {  	_ =	swait.ge [sflag:s22], s20  }
0xa0: {  	s5 =	ssub.s32 $0x0, s20;
	[sflag:s22] =	ssyncset.done $0x0  }
0xa1: {  	[sflag:s22] =	ssyncadd.s32 s5;
	_ =	sdelay $0x1  }
0xa2: {  	s23 =	simm.s32 $0x1B8B  }
0xa3: {  	_ =	swait.ge [sflag:s23], $0x1  }
0xa4: {  	[sflag:s23] =	ssyncset.done $0x0  }
0xa5: {  	s25 =	simm.s32 $0x1B8E;
	s24 =	sld [smem:$0x3FFE];
	[sflag:s23] =	ssyncadd.s32 $0xFFFFFFFF  }
0xa6: {  	s26 =	simm.s32 $execute0_lowered;
	[smem:$0x3FD2] =	sst s25  }
0xa7: {  	s6 =	sshll.u32 s26, $0x1;
	_ =	strace $0x80000046;
	[dreg:$0x1] =	wrdreg $0xFFFFFFFF  }
0xa8: {  	s28 =	simm.s32 $_size_execute0_lowered;
	s4 =	sadd.s32 s4, s6;
	[dreg:$0x0] =	wrdreg $0x0  }
0xa9: {  	s6 =	sshll.u32 s28, $0x1;
	[dreg:$0x2] =	wrdreg s4  }
0xaa: {  	[dreg:$0x3] =	wrdreg s6  }
0xab: {  	[dreg:$0x4] =	wrdreg $0xC0  }
0xac: {  	_ =	task [dreg:s8], $0x5FFFF  }
0xad: {  	[dreg:$0x1] =	wrdreg $0xFFFFFFFF  }
0xae: {  	[dreg:$0x0] =	wrdreg $0x60  }
0xaf: {  	[dreg:$0x2] =	wrdreg s2  }
0xb0: {  	[dreg:$0x3] =	wrdreg s18  }
0xb1: {  	[dreg:$0x4] =	wrdreg s24  }
0xb2: {  	[dreg:$0x5] =	wrdreg $0xCF500  }
0xb3: {  	[dreg:$0x6] =	wrdreg $0xC5800  }
0xb4: {  	[dreg:$0x7] =	wrdreg $0xCA680  }
0xb5: {  	[dreg:$0x8] =	wrdreg $0x9  }
0xb6: {  	_ =	task.clear_ibuf [dreg:s8], $0x9FFFF;
	_ =	strace $0x90000046  }
0xb7: {  	s29 =	simm.s32 $0x9;
	_ =	strace $0x80000048  }
0xb8: {  	_ =	swait.ge [sflag:s29], $0x1  }
0xb9: {  	[sflag:s29] =	ssyncadd.s32 $0xFFFFFFFF  }
0xba: {  	_ =	strace $0x90000048  }
0xbb: {  	_ =	sfence  }
0xbc: {  	s30 =	sld [smem:$0x0];
	_ =	sdelay $0x2  }
0xbd: {  	s31 =	sshll.u32 s1, $0xD;
	s1 =	sshrl.u32 s1, $0x2  }
0xbe: {  	s3 =	sand.u32 $0x4000, s31;
	s1 =	sadd.s32 s1, s30  }
0xbf: {  	s0 =	sor.u32 s3, s0;
	s1 =	sshll.u32 s1, $0x11  }
0xc0: {  	s0 =	sor.u32 s1, s0  }
0xc1: {  	s0 =	sadd.s32 $0x8F2B, s0  }
0xc2: {  	[sflag:s0] =	ssyncadd.remote.s32 $0x1  }
0xc3: {  	_ =	sfence.sel $0xFFFF  }
0xc4: {  	[dreg:$0x0] =	wrdreg $0xFFFFFFFF;
	(pc) =	sbr.abs _section_cstart, $3  }
0xc5: {  	[dreg:$0x1] =	wrdreg $0xFFFFFFFF  }
0xc6: {  	_ =	task.clear_ibuf [dreg:s8], $0x2FFFF;
	_ =	strace $0x9FFFFFFF  }
0xc7: {  	(tm) =	ssettm $0x7FFFFFFF  }
tec
execute0_lowered:
.L_overlay_start_1:
0x0: {  	(tag) =	ssettag $0x1  }
0x1: {  	s0 =	rddreg [dreg:$0x1]  }
0x2: {  	s2 =	rddreg [dreg:$0x2]  }
0x3: {  	s1 =	rddreg [dreg:$0x3]  }
0x4: {  	s12 =	rddreg [dreg:$0x4]  }
0x5: {  	s13 =	rddreg [dreg:$0x5];
	s5 =	simm.s32 $0x0;
	s3 =	srdreg.scid  }
0x6: {  	s18 =	stileid.u32;
	s15 =	simm.s32 $0x500;
	s17 =	simm.s32 $0x2  }
0x7: {  	s19 =	simm.s32 $0xBD80;
	s20 =	simm.s32 $0xF00;
	s28 =	simm.s32 $0x1  }
0x8: {  	s29 =	simm.s32 $0xBC80;
	s30 =	simm.s32 $0xB480;
	s31 =	simm.s32 $0x0  }
0x9: {  	[smem:$0x7FF] =	sst s5;
	s3 =	sand.u32 $0x1, s3;
	s11 =	smul.u32 $0x4E0, s18  }
0xa: {  	p0 =	seq.s32 s18, $0xF;
	s9 =	sshll.u32 s18, $0x7;
	s14 =	sshll.u32 s18, $0x4  }
0xb: {  	s25 =	sshll.u32 s18, $0x8;
	p1 =	sgt.u32 s18, $0x2;
	s4 =	smul.u32 $0x1300, s3  }
0xc: {  	s6 =	ssub.s32 $0x2, s3;
	_ =	strace $0x80000047;
	s22 =	smul.u32 $0x9D0, s3  }
0xd: {  	v0 =	vlaneseq.u32;
	s15 =	simm.s32 @!p0 $0x4E0;
	s9 =	sadd.s32 s9, s1;
	s24 =	smul.u32 $0x4E20, s3  }
0xe: {  	v1 =	vmul.u32 $0xFFFFFFFF, v0;
	p0 =	sne.s32 s18, $0xF;
	s7 =	sshrl.u32 s6, $0x1;
	s23 =	sshrl.u32 s11, $0x3  }
0xf: {  	v5 =	vimm.s32 $0x0;
	s10 =	sadd.s32 s11, s12;
	s11 =	sadd.s32 s11, s13;
	s12 =	sadd.s32 $0x4E00, s12  }
0x10: {  	vm1 =	vcmask $0x300;
	vm2 =	vcmask $0x704;
	s13 =	sadd.s32 $0x4E00, s13;
	v1 =	vadd.s32 s15, v1;
	s15 =	sor.u32 $0x100, s14;
	s2 =	sadd.s32 s4, s2  }
.Ltmp0:
0x11: {  	v8 =	vimm.s32 $0x2710;
	v9 =	vimm.s32 $0x4E20;
	v10 =	vimm.s32 $0x2711;
	s21 =	ssub.s32 s6, s7;
	s7 =	simm.s32 $0x500;
	(pc) =	sbr.rel .LBB2_1-.Ltmp0, $4  }
0x12: {  	v11 =	vimm.s32 $0x3A98;
	v12 =	vimm.s32 $0x1;
	vm3 =	vcmask $0x3F1C;
	s0 =	sadd.s32 s0, s22;
	s26 =	sshll.u32 s15, $0x4;
	s22 =	simm.s32 $0x10  }
0x13: {  	vm4 =	vcmask $0x3F18;
	v7 =	vmov s18;
	v6 =	vmul.u32 $0x80, v0;
	s8 =	sadd.s32 s23, s0;
	s2 =	sadd.s32 $0x400, s2;
	s16 =	smax.u32 s21, $0x1  }
0x14: {  	vm5 =	vcmask $0x3F14;
	v2 =	vor.u32 s14, v0;
	vm0 =	vgt.u32 v7, v0;
	s21 =	simm.s32 $0x5D80;
	s23 =	sadd.s32 s25, s2;
	s0 =	sadd.s32 s26, s2  }
0x15: {  	v7 =	vor.u32 $0x1, v6;
	v3 =	vmov s24;
	v4 =	vor.u32 s15, v0;
	s25 =	simm.s32 $0xAC00;
	s26 =	simm.s32 $0xAC80;
	[dreg:$0x7] =	wrdreg s0  }
.LBB2_10:
0x16: {  	s1 =	simm.f32 $1.000000000e+00  }
0x17: {  	v14 =	vsel vm6, v14, v15;
	s1 =	simm.s32 @!p3 $0x0  }
0x18: {  	v14 =	vmul.f32 s1, v14  }
0x19: {  	s4 =	sadd.s32 $0x80, s3  }
0x1a: {  	[tilespmem:s4+$0x0] =	vst v14  }
0x1b: {  	s6 =	sadd.s32 $0x80, s6;
	v14 =	vld.idx.msk [tilespmem:v13+s29+$0x0], $0xffff  }
0x1c: {  	v15 =	vld [tilespmem:s6+$0x0];
	_ =	sdelay $0x3  }
0x1d: {  	vm7 =	veq.s32 v14, v0  }
0x1e: {  	v15 =	vnsel vm7, $0x0, v15  }
0x1f: {  	(xrf2) =	vadd.scan.msk.f32 $0xffff, v15;
	_ =	sdelay $0x1  }
0x20: {  	v13 =	vshll.u32 v13, $0x7  }
0x21: {  	v15 =	vor.u32 $0x4, v13;
	_ =	sdelay $0x2  }
0x22: {  	v13 =	vor.u32 $0x5, v13;
	_ =	sdelay $0x1  }
0x23: {  	v15 =	vld.idx.msk [tilespmem:v15+s26+$0x0], $0xffff;
	_ =	sdelay $0x1  }
0x24: {  	v16 =	vld [tilespmem:s6+$0xFFFFFFFA];
	v17, _, _ =	vpop (xrf2)  }
0x25: {  	v14 =	vcvt.s32.f32 v14;
	v13 =	vld.idx.msk [tilespmem:v13+s26+$0x0], $0xffff;
	v17 =	vbroadcast v17, $0xF;
	_ =	sdelay $0x1  }
0x26: {  	v18 =	vmul.f32 $4.096000000e+03, v14;
	v15 =	vmul.f32 v17, v15  }
0x27: {  	v14 =	vsel vm3, $0x0, v14  }
0x28: {  	s2 =	sadd.s32 s2, s15;
	v16 =	vadd.f32 v18, v16;
	v14 =	vsel vm4, v14, v15  }
0x29: {  	p2 =	slt.s32 s2, s0;
	s0 =	simm.f32 $1.000000000e+00;
	v13 =	vsel vm5, v14, v13  }
0x2a: {  	s0 =	simm.s32 @!p2 $0x0;
	v13 =	vsel vm6, v16, v13  }
0x2b: {  	v13 =	vmul.f32 s0, v13  }
0x2c: {  	s18 =	sadd.s32 $0x80, s4  }
0x2d: {  	s24 =	rddreg [dreg:$0x7];
	[tilespmem:s18+$0x0] =	vst v13  }
0x2e: {  	[hbm4b:s24+s5] =	stream.linear.scatter [tilespmem:s30], [sflag:$0x2], $0x800, $0x38;
	[tilespmem:$0xCF60] =	vst v63  }
0x2f: {  	_ =	swait.ge [sflag:s17], $0x800  }
0x30: {  	[sflag:s17] =	ssyncset.done $0x0  }
0x31: {  	[sflag:s17] =	ssyncadd.s32 $0xFFFFF800  }
.LBB2_11:
0x32: {  	s31 =	sadd.s32 $0x1, s31  }
0x33: {  	p2 =	sne.s32 s31, s16  }
.Ltmp1:
0x34: {  	_ = 	snop;
	(pc) =	sbr.rel @!p2 .LBB2_12-.Ltmp1, $2  }
0x35: {  	_ =	sdelay $0x1  }
0x36: {  	[bflag:$0x0] =	sbarrier.arrive $0xFFFF;
	_ =	sdelay $0x1  }
.LBB2_1:
0x37: {  	[tilespmem:s5], [sflag:$0x2] =	stream.linear.gather [hbm4b:s8+s5], $0x500, $0x38;
	[tilespmem:$0xCF60] =	vst v63  }
0x38: {  	_ =	swait.ge [sflag:s17], $0x500  }
0x39: {  	[sflag:s17] =	ssyncset.done $0x0  }
0x3a: {  	[sflag:s17] =	ssyncadd.s32 $0xFFFFFB00  }
0x3b: {  	v13 =	vld [tilespmem:s5+$0x0];
	_ =	sdelay $0x4  }
0x3c: {  	v14 =	vshrl.u32 v13, $0x1  }
0x3d: {  	v15 =	vand.u32 $0x7FFF, v13;
	v14 =	vand.u32 $0x1555, v14  }
0x3e: {  	v14 =	vsub.s32 v15, v14  }
0x3f: {  	v15 =	vshrl.u32 v14, $0x2  }
0x40: {  	v14 =	vand.u32 $0x3333, v14;
	v15 =	vand.u32 $0x3333, v15  }
0x41: {  	v14 =	vadd.s32 v14, v15  }
0x42: {  	v15 =	vshrl.u32 v14, $0x4  }
0x43: {  	v14 =	vadd.s32 v14, v15  }
0x44: {  	v14 =	vand.u32 $0xF0F, v14  }
0x45: {  	v15 =	vshrl.u32 v14, $0x8  }
0x46: {  	v16 =	vmov s5;
	v13 =	vand.u32 $0xFFFF8000, v13;
	v14 =	vadd.s32 v14, v15  }
0x47: {  	vm6 =	vlt.u32 v16, v1;
	vm7 =	veq.s32 v13, $0x8000;
	v13 =	vand.u32 $0x1F, v14  }
0x48: {  	vm7 =	vmand vm6, vm7;
	v13 =	vnsel vm6, $0x0, v13  }
0x49: {  	v14 =	vsel vm7, $0x1, v5;
	(xrf0) =	vadd.scan.msk.s32 $0xffff, v13  }
0x4a: {  	(xrf0) =	vadd.scan.msk.s32 $0xffff, v14;
	_ =	sdelay $0x4  }
0x4b: {  	v13, _, _ =	vpop (xrf0)  }
0x4c: {  	v14 =	vadd.s32 s5, v13;
	v15, _, _ =	vpop (xrf0);
	(v2sf) =	vpush v13, $0xF  }
0x4d: {  	s0 =	simm.s32 $0xA00;
	[tilespmem:s7+$0x0] =	vst v14;
	v14 =	vadd.s32 s5, v15;
	(v2sf) =	vpush v15, $0xF  }
0x4e: {  	s3 =	simm.s32 $0x10;
	s4 =	simm.s32 $0x20;
	s2 =	simm.s32 $0x0;
	[tilespmem:s0+$0x0] =	vst v14  }
0x4f: {  	s18 =	simm.s32 $0x0;
	s6 =	simm.s32 $0x500;
	s24 =	simm.s32 $0x10;
	v13 =	vld [tilespmem:s3+$0x0]  }
.LBB2_2:
0x50: {  	p2 =	sne.s32 s4, $0x4F0;
	_ =	sdelay $0x3  }
0x51: {  	v14 =	vand.u32 $0xFFFF8000, v13;
	v15 =	vshrl.u32 v13, $0x1  }
0x52: {  	v13 =	vand.u32 $0x7FFF, v13;
	v15 =	vand.u32 $0x1555, v15  }
0x53: {  	v13 =	vsub.s32 v13, v15  }
0x54: {  	v15 =	vshrl.u32 v13, $0x2  }
0x55: {  	v13 =	vand.u32 $0x3333, v13;
	v15 =	vand.u32 $0x3333, v15  }
0x56: {  	v13 =	vadd.s32 v13, v15  }
0x57: {  	v15 =	vshrl.u32 v13, $0x4  }
0x58: {  	v13 =	vadd.s32 v13, v15;
	s1 =	spop (v2sf)  }
0x59: {  	v13 =	vand.u32 $0xF0F, v13;
	s2 =	sadd.s32 s2, s1;
	s1 =	spop (v2sf)  }
0x5a: {  	v15 =	vshrl.u32 v13, $0x8;
	s18 =	sadd.s32 s18, s1  }
0x5b: {  	v16 =	vmov s3;
	s3 =	smov.u32 s4;
	v13 =	vadd.s32 v13, v15  }
0x5c: {  	vm6 =	vlt.u32 v16, v1;
	vm7 =	veq.s32 v14, $0x8000;
	v13 =	vand.u32 $0x1F, v13  }
0x5d: {  	vm7 =	vmand vm6, vm7;
	v13 =	vnsel vm6, $0x0, v13  }
0x5e: {  	v14 =	vsel vm7, $0x1, v5;
	(xrf0) =	vadd.scan.msk.s32 $0xffff, v13  }
0x5f: {  	(xrf0) =	vadd.scan.msk.s32 $0xffff, v14;
	_ =	sdelay $0x4  }
.Ltmp2:
0x60: {  	v13, _, _ =	vpop (xrf0);
	(pc) =	sbr.rel @p2 .LBB2_2-.Ltmp2, $4  }
0x61: {  	s6 =	sadd.s32 $0x10, s6;
	v14 =	vadd.s32 s2, v13;
	v15, _, _ =	vpop (xrf0);
	(v2sf) =	vpush v13, $0xF  }
0x62: {  	s0 =	sadd.s32 $0x10, s0;
	[tilespmem:s6+$0x0] =	vst v14;
	v13 =	vadd.s32 s18, v15;
	(v2sf) =	vpush v15, $0xF  }
0x63: {  	s24 =	sadd.s32 $0x10, s24;
	[tilespmem:s0+$0x0] =	vst v13  }
0x64: {  	s4 =	sadd.s32 $0x10, s4;
	v13 =	vld [tilespmem:s24+$0x0]  }
0x65: {  	_ =	sdelay $0x3  }
0x66: {  	v14 =	vshrl.u32 v13, $0x1  }
0x67: {  	v15 =	vand.u32 $0x7FFF, v13;
	v14 =	vand.u32 $0x1555, v14  }
0x68: {  	v14 =	vsub.s32 v15, v14  }
0x69: {  	v15 =	vshrl.u32 v14, $0x2  }
0x6a: {  	v14 =	vand.u32 $0x3333, v14;
	v15 =	vand.u32 $0x3333, v15  }
0x6b: {  	v14 =	vadd.s32 v14, v15  }
0x6c: {  	v15 =	vshrl.u32 v14, $0x4  }
0x6d: {  	v14 =	vadd.s32 v14, v15  }
0x6e: {  	v14 =	vand.u32 $0xF0F, v14  }
0x6f: {  	v15 =	vshrl.u32 v14, $0x8  }
0x70: {  	v16 =	vmov s3;
	v14 =	vadd.s32 v14, v15  }
0x71: {  	vm6 =	vlt.u32 v16, v1;
	v13 =	vand.u32 $0xFFFF8000, v13;
	v14 =	vand.u32 $0x1F, v14  }
0x72: {  	vm7 =	veq.s32 v13, $0x8000;
	v13 =	vnsel vm6, $0x0, v14  }
0x73: {  	vm6 =	vmand vm6, vm7;
	(xrf0) =	vadd.scan.msk.s32 $0xffff, v13  }
0x74: {  	v13 =	vsel vm6, $0x1, v5  }
0x75: {  	(xrf0) =	vadd.scan.msk.s32 $0xffff, v13;
	_ =	sdelay $0x3  }
0x76: {  	v13, _, _ =	vpop (xrf0)  }
0x77: {  	(v2sf) =	vpush v13, $0xF  }
0x78: {  	v14, _, _ =	vpop (xrf0)  }
0x79: {  	(v2sf) =	vpush v14, $0xF;
	_ =	sdelay $0xa  }
0x7a: {  	s1 =	spop (v2sf)  }
0x7b: {  	s24 =	spop (v2sf)  }
0x7c: {  	s1 =	sadd.s32 s2, s1;
	s4 =	spop (v2sf)  }
0x7d: {  	s2 =	sadd.s32 s1, s4  }
0x7e: {  	s3 =	sadd.s32 s18, s24;
	s24 =	sadd.s32 $0x10, s6;
	v13 =	vadd.s32 s1, v13;
	s4 =	spop (v2sf);
	v15 =	vmov s2  }
0x7f: {  	s0 =	sadd.s32 $0x10, s0;
	[tilespmem:s24+$0x0] =	vst v13;
	v13 =	vadd.s32 s3, v14;
	s6 =	sadd.s32 s3, s4;
	v14 =	vnsel vm1, $0x0, v15  }
0x80: {  	[tilespmem:s0+$0x0] =	vst v13;
	v13 =	vsel vm2, s6, v14  }
0x81: {  	s18 =	simm.s32 $0xBD00;
	[tilespmem:$0xBD00] =	vst v13  }
0x82: {  	[spmem:s9] =	stream.linear.scatter [tilespmem:s18], [sflag:$0x2], $0x80, $0x38;
	[tilespmem:$0xCF60] =	vst v63  }
0x83: {  	_ =	swait.ge [sflag:s17], $0x80  }
0x84: {  	[sflag:s17] =	ssyncset.done $0x0  }
0x85: {  	[sflag:s17] =	ssyncadd.s32 $0xFFFFFF80  }
0x86: {  	[bflag:$0x0] =	sbarrier.arrive $0xFFFF  }
0x87: {  	s24 =	rddreg [dreg:$0x3]  }
0x88: {  	[tilespmem:s19], [sflag:$0x2] =	stream.linear.gather [spmem:s24], $0x800, $0x38;
	[tilespmem:$0xCF60] =	vst v63  }
0x89: {  	_ =	swait.ge [sflag:s17], $0x800  }
0x8a: {  	[sflag:s17] =	ssyncset.done $0x0  }
0x8b: {  	[sflag:s17] =	ssyncadd.s32 $0xFFFFF800  }
0x8c: {  	v13 =	vld.idx.msk [tilespmem:v6+s19+$0x0], $0xffff  }
0x8d: {  	v14 =	vld.idx.msk [tilespmem:v7+s19+$0x0], $0xffff;
	_ =	sdelay $0x3  }
0x8e: {  	v15 =	vnsel vm0, $0x0, v13  }
0x8f: {  	v14 =	vnsel vm0, $0x0, v14;
	(xrf0) =	vadd.scan.msk.s32 $0xffff, v15  }
0x90: {  	(xrf0) =	vadd.scan.msk.s32 $0xffff, v14;
	_ =	sdelay $0x1  }
0x91: {  	s0 =	simm.s32 $0x0  }
0x92: {  	v16 =	vld [tilespmem:s0+$0xA00]  }
0x93: {  	v17 =	vld [tilespmem:s0+$0x500]  }
0x94: {  	v18 =	vld [tilespmem:s0+$0x0];
	v14, _, _ =	vpop (xrf0)  }
0x95: {  	v15, _, _ =	vpop (xrf0)  }
0x96: {  	v15 =	vbroadcast v15, $0xF  }
0x97: {  	v14 =	vbroadcast v14, $0xF  }
0x98: {  	v16 =	vadd.s32 v15, v16  }
0x99: {  	s2 =	simm.s32 $0x10;
	v18 =	vand.u32 $0xFFFF, v18;
	v17 =	vadd.s32 v14, v17;
	v19 =	vshll.u32 v16, $0x10  }
0x9a: {  	s3 =	simm.s32 $0x80;
	v16 =	vld [tilespmem:s2+$0xA00];
	[tilespmem:s0+$0x500] =	vst v17;
	v17 =	vor.u32 v18, v19  }
.LBB2_4:
0x9b: {  	p2 =	sne.s32 s3, $0x13C0;
	v18 =	vld [tilespmem:s2+$0x500];
	[tilespmem:s0+$0x0] =	vst v17;
	s0 =	smov.u32 s2  }
0x9c: {  	v17 =	vld [tilespmem:s0+$0x0];
	_ =	sdelay $0x1  }
.Ltmp3:
0x9d: {  	(pc) =	sbr.rel @p2 .LBB2_4-.Ltmp3, $4  }
0x9e: {  	_ = 	snop  }
0x9f: {  	v16 =	vadd.s32 v15, v16  }
0xa0: {  	s2 =	sshra.s32 s3, $0x2;
	v18 =	vadd.s32 v14, v18;
	v19 =	vshll.u32 v16, $0x10;
	v17 =	vand.u32 $0xFFFF, v17  }
0xa1: {  	s3 =	sadd.s32 $0x40, s3;
	v16 =	vld [tilespmem:s2+$0xA00];
	[tilespmem:s0+$0x500] =	vst v18;
	v17 =	vor.u32 v17, v19  }
0xa2: {  	(xrf0) =	vadd.scan.msk.s32 $0xffff, v13;
	_ =	sdelay $0x5  }
0xa3: {  	v13, _, _ =	vpop (xrf0)  }
0xa4: {  	(v2sf) =	vpush v13, $0xF;
	_ =	sdelay $0x4  }
0xa5: {  	v18 =	vld [tilespmem:s2+$0x500];
	[tilespmem:s0+$0x0] =	vst v17  }
0xa6: {  	v17 =	vld [tilespmem:s2+$0x0];
	_ =	sdelay $0x3  }
0xa7: {  	v15 =	vadd.s32 v15, v16  }
0xa8: {  	v14 =	vadd.s32 v14, v18;
	v15 =	vshll.u32 v15, $0x10;
	v16 =	vand.u32 $0xFFFF, v17  }
0xa9: {  	[tilespmem:s2+$0x500] =	vst v14;
	v14 =	vor.u32 v16, v15  }
0xaa: {  	[tilespmem:s2+$0x0] =	vst v14  }
0xab: {  	[spmem:s10] =	stream.linear.scatter [tilespmem:s7], [sflag:$0x2], $0x4E0, $0x38;
	[tilespmem:$0xCF60] =	vst v63  }
0xac: {  	s0 =	spop (v2sf)  }
0xad: {  	_ =	swait.ge [sflag:s17], $0x4E0  }
0xae: {  	[sflag:s17] =	ssyncset.done $0x0  }
0xaf: {  	[sflag:s17] =	ssyncadd.s32 $0xFFFFFB20  }
0xb0: {  	[spmem:s11] =	stream.linear.scatter [tilespmem:s5], [sflag:$0x2], $0x4E0, $0x38;
	[tilespmem:$0xCF60] =	vst v63  }
0xb1: {  	_ =	swait.ge [sflag:s17], $0x4E0  }
0xb2: {  	[sflag:s17] =	ssyncset.done $0x0  }
0xb3: {  	s1 =	simm.s32 @!p0 $0x9E0;
	[sflag:s17] =	ssyncadd.s32 $0xFFFFFB20  }
0xb4: {  	[spmem:s12] =	stream.linear.scatter @!p0 [tilespmem:s1], [sflag:$0x2], $0x20, $0x38;
	[tilespmem:$0xCF60] =	vst v63  }
0xb5: {  	s1 =	simm.s32 @!p0 $0x2  }
0xb6: {  	_ =	swait.ge @!p0 [sflag:s1], $0x20  }
0xb7: {  	[sflag:s1] =	ssyncset.done @!p0 $0x0  }
0xb8: {  	s2 =	simm.s32 @!p0 $0x4E0;
	[sflag:s1] =	ssyncadd.s32 @!p0 $0xFFFFFFE0  }
0xb9: {  	[spmem:s13] =	stream.linear.scatter @!p0 [tilespmem:s2], [sflag:$0x2], $0x20, $0x38;
	[tilespmem:$0xCF60] =	vst v63  }
0xba: {  	_ =	swait.ge @!p0 [sflag:s1], $0x20  }
0xbb: {  	[sflag:s1] =	ssyncset.done @!p0 $0x0  }
0xbc: {  	[sflag:s1] =	ssyncadd.s32 @!p0 $0xFFFFFFE0  }
0xbd: {  	[bflag:$0x0] =	sbarrier.arrive $0xFFFF  }
0xbe: {  	s6 =	rddreg [dreg:$0x4]  }
0xbf: {  	[tilespmem:s20], [sflag:$0x2] =	stream.linear.gather [spmem:s6], $0x4E80, $0x38;
	[tilespmem:$0xCF60] =	vst v63  }
0xc0: {  	_ =	swait.ge [sflag:s17], $0x4E80  }
0xc1: {  	[sflag:s17] =	ssyncset.done $0x0  }
0xc2: {  	[sflag:s17] =	ssyncadd.s32 $0xFFFFB180  }
0xc3: {  	s18 =	rddreg [dreg:$0x5]  }
0xc4: {  	[tilespmem:s21], [sflag:$0x2] =	stream.linear.gather [spmem:s18], $0x4E80, $0x38;
	[tilespmem:$0xCF60] =	vst v63  }
0xc5: {  	_ =	swait.ge [sflag:s17], $0x4E80  }
0xc6: {  	[sflag:s17] =	ssyncset.done $0x0  }
0xc7: {  	[sflag:s17] =	ssyncadd.s32 $0xFFFFB180  }
0xc8: {  	v14 =	vld.idx.msk [tilespmem:v8+s20+$0x0], $0xffff;
	_ =	sdelay $0x4  }
0xc9: {  	vm6 =	vgt.s32 v14, v2  }
0xca: {  	v15 =	vsel vm6, $0x1388, v11;
	_ =	sdelay $0x4  }
0xcb: {  	v16 =	vld.idx.msk [tilespmem:v15+s20+$0x0], $0xffff;
	_ =	sdelay $0x4  }
0xcc: {  	v17 =	vsel vm6, $0x2710, v9;
	vm7 =	vgt.s32 v16, v2  }
0xcd: {  	v16 =	vsel vm6, $0x0, v10;
	v17 =	vsel vm7, v15, v17;
	v15 =	vor.u32 $0x1, v15  }
0xce: {  	v15 =	vsel vm7, v16, v15;
	v16 =	vadd.s32 $0xFFFFFFFF, v17  }
0xcf: {  	v16 =	vadd.s32 v16, v15  }
0xd0: {  	v16 =	vadd.s32 $0x1, v16  }
0xd1: {  	v16 =	vshrl.u32 v16, $0x1;
	_ =	sdelay $0x4  }
0xd2: {  	v18 =	vld.idx.msk [tilespmem:v16+s20+$0x0], $0xffff;
	_ =	sdelay $0x4  }
0xd3: {  	vm6 =	vgt.s32 v18, v2;
	v18 =	vor.u32 $0x1, v16  }
0xd4: {  	v16 =	vsel vm6, v16, v17;
	v15 =	vsel vm6, v15, v18  }
0xd5: {  	v17 =	vadd.s32 v16, v15  }
0xd6: {  	v17 =	vshrl.u32 v17, $0x1;
	_ =	sdelay $0x4  }
0xd7: {  	v18 =	vld.idx.msk [tilespmem:v17+s20+$0x0], $0xffff;
	_ =	sdelay $0x4  }
0xd8: {  	vm6 =	vgt.s32 v18, v2;
	v18 =	vadd.s32 $0x1, v17  }
0xd9: {  	v16 =	vsel vm6, v17, v16;
	v15 =	vsel vm6, v15, v18  }
0xda: {  	v17 =	vadd.s32 v16, v15  }
0xdb: {  	v17 =	vshrl.u32 v17, $0x1;
	_ =	sdelay $0x4  }
0xdc: {  	v18 =	vld.idx.msk [tilespmem:v17+s20+$0x0], $0xffff;
	_ =	sdelay $0x4  }
0xdd: {  	vm6 =	vgt.s32 v18, v2;
	v18 =	vadd.s32 $0x1, v17  }
0xde: {  	v16 =	vsel vm6, v17, v16;
	v15 =	vsel vm6, v15, v18  }
0xdf: {  	v17 =	vadd.s32 v16, v15  }
0xe0: {  	v17 =	vshrl.u32 v17, $0x1;
	_ =	sdelay $0x4  }
0xe1: {  	v18 =	vld.idx.msk [tilespmem:v17+s20+$0x0], $0xffff;
	_ =	sdelay $0x4  }
0xe2: {  	vm6 =	vgt.s32 v18, v2;
	v18 =	vadd.s32 $0x1, v17  }
0xe3: {  	v16 =	vsel vm6, v17, v16;
	v15 =	vsel vm6, v15, v18  }
0xe4: {  	v17 =	vadd.s32 v16, v15  }
0xe5: {  	v17 =	vshrl.u32 v17, $0x1;
	_ =	sdelay $0x4  }
0xe6: {  	v18 =	vld.idx.msk [tilespmem:v17+s20+$0x0], $0xffff;
	_ =	sdelay $0x4  }
0xe7: {  	vm6 =	vgt.s32 v18, v2;
	v18 =	vadd.s32 $0x1, v17  }
0xe8: {  	v16 =	vsel vm6, v17, v16;
	v15 =	vsel vm6, v15, v18  }
0xe9: {  	v17 =	vadd.s32 v16, v15  }
0xea: {  	v17 =	vshrl.u32 v17, $0x1;
	_ =	sdelay $0x4  }
0xeb: {  	v18 =	vld.idx.msk [tilespmem:v17+s20+$0x0], $0xffff;
	_ =	sdelay $0x4  }
0xec: {  	vm6 =	vgt.s32 v18, v2;
	v18 =	vadd.s32 $0x1, v17  }
0xed: {  	v16 =	vsel vm6, v17, v16;
	v15 =	vsel vm6, v15, v18  }
0xee: {  	v17 =	vadd.s32 v16, v15  }
0xef: {  	v17 =	vshrl.u32 v17, $0x1;
	_ =	sdelay $0x4  }
0xf0: {  	v18 =	vld.idx.msk [tilespmem:v17+s20+$0x0], $0xffff;
	_ =	sdelay $0x4  }
0xf1: {  	vm6 =	vgt.s32 v18, v2;
	v18 =	vadd.s32 $0x1, v17  }
0xf2: {  	v16 =	vsel vm6, v17, v16;
	v15 =	vsel vm6, v15, v18  }
0xf3: {  	v17 =	vadd.s32 v16, v15  }
0xf4: {  	v17 =	vshrl.u32 v17, $0x1;
	_ =	sdelay $0x4  }
0xf5: {  	v18 =	vld.idx.msk [tilespmem:v17+s20+$0x0], $0xffff;
	_ =	sdelay $0x4  }
0xf6: {  	vm6 =	vgt.s32 v18, v2;
	v18 =	vadd.s32 $0x1, v17  }
0xf7: {  	v16 =	vsel vm6, v17, v16;
	v15 =	vsel vm6, v15, v18  }
0xf8: {  	v17 =	vadd.s32 v16, v15  }
0xf9: {  	v17 =	vshrl.u32 v17, $0x1;
	_ =	sdelay $0x4  }
0xfa: {  	v18 =	vld.idx.msk [tilespmem:v17+s20+$0x0], $0xffff;
	_ =	sdelay $0x4  }
0xfb: {  	vm6 =	vgt.s32 v18, v2;
	v18 =	vadd.s32 $0x1, v17  }
0xfc: {  	v16 =	vsel vm6, v17, v16;
	v15 =	vsel vm6, v15, v18  }
0xfd: {  	v17 =	vadd.s32 v16, v15  }
0xfe: {  	v17 =	vshrl.u32 v17, $0x1;
	_ =	sdelay $0x4  }
0xff: {  	v18 =	vld.idx.msk [tilespmem:v17+s20+$0x0], $0xffff;
	_ =	sdelay $0x4  }
0x100: {  	vm6 =	vgt.s32 v18, v2;
	v18 =	vadd.s32 $0x1, v17  }
0x101: {  	v16 =	vsel vm6, v17, v16;
	v15 =	vsel vm6, v15, v18  }
0x102: {  	v17 =	vadd.s32 v16, v15  }
0x103: {  	v17 =	vshrl.u32 v17, $0x1;
	_ =	sdelay $0x4  }
0x104: {  	v18 =	vld.idx.msk [tilespmem:v17+s20+$0x0], $0xffff;
	_ =	sdelay $0x4  }
0x105: {  	vm6 =	vgt.s32 v18, v2;
	v18 =	vadd.s32 $0x1, v17  }
0x106: {  	v16 =	vsel vm6, v17, v16;
	v15 =	vsel vm6, v15, v18  }
0x107: {  	v17 =	vadd.s32 v16, v15  }
0x108: {  	v17 =	vshrl.u32 v17, $0x1;
	_ =	sdelay $0x4  }
0x109: {  	v18 =	vld.idx.msk [tilespmem:v17+s20+$0x0], $0xffff;
	_ =	sdelay $0x4  }
0x10a: {  	vm6 =	vgt.s32 v18, v2;
	v18 =	vadd.s32 $0x1, v17  }
0x10b: {  	v16 =	vsel vm6, v17, v16;
	v15 =	vsel vm6, v15, v18  }
0x10c: {  	v16 =	vadd.s32 v16, v15  }
0x10d: {  	v16 =	vshrl.u32 v16, $0x1  }
0x10e: {  	v16 =	vmin.u32 v16, $0x4E1F;
	_ =	sdelay $0x4  }
0x10f: {  	v17 =	vld.idx.msk [tilespmem:v16+s20+$0x0], $0xffff;
	_ =	sdelay $0x3  }
0x110: {  	v13 =	vbroadcast v13, $0xF  }
0x111: {  	v16 =	vadd.s32 $0x1, v16;
	vm6 =	vgt.s32 v17, v2  }
0x112: {  	v15 =	vsel vm6, v15, v16;
	vm6 =	vlt.s32 v2, v13  }
0x113: {  	v15 =	vnsel vm6, $0x0, v15;
	_ =	sdelay $0x4  }
0x114: {  	v15 =	vld.idx.msk [tilespmem:v15+s21+$0x0], $0xffff;
	_ =	sdelay $0x4  }
0x115: {  	s6 =	sadd.s32 $0xFFFFFFFF, s0;
	v15 =	vshrl.u32 v15, $0x10  }
0x116: {  	p2 =	sgt.s32 s6, $0x0;
	v15 =	vmax.u32 v15, $0x1  }
0x117: {  	s6 =	simm.s32 @!p2 $0x0;
	v15 =	vsub.s32 v15, v12  }
0x118: {  	v17 =	vmin.u32 v15, s6  }
0x119: {  	vm6 =	vgt.s32 v14, v17  }
0x11a: {  	v14 =	vsel vm6, $0x1388, v11;
	_ =	sdelay $0x4  }
0x11b: {  	v15 =	vld.idx.msk [tilespmem:v14+s20+$0x0], $0xffff;
	_ =	sdelay $0x4  }
0x11c: {  	v16 =	vsel vm6, $0x2710, v9;
	vm7 =	vgt.s32 v15, v17  }
0x11d: {  	v15 =	vsel vm6, $0x0, v10;
	v16 =	vsel vm7, v14, v16;
	v14 =	vor.u32 $0x1, v14  }
0x11e: {  	v14 =	vsel vm7, v15, v14;
	v15 =	vadd.s32 $0xFFFFFFFF, v16  }
0x11f: {  	v15 =	vadd.s32 v15, v14  }
0x120: {  	v15 =	vadd.s32 $0x1, v15  }
0x121: {  	v15 =	vshrl.u32 v15, $0x1;
	_ =	sdelay $0x4  }
0x122: {  	v18 =	vld.idx.msk [tilespmem:v15+s20+$0x0], $0xffff;
	_ =	sdelay $0x4  }
0x123: {  	vm6 =	vgt.s32 v18, v17;
	v18 =	vor.u32 $0x1, v15  }
0x124: {  	v15 =	vsel vm6, v15, v16;
	v14 =	vsel vm6, v14, v18  }
0x125: {  	v16 =	vadd.s32 v15, v14  }
0x126: {  	v16 =	vshrl.u32 v16, $0x1;
	_ =	sdelay $0x4  }
0x127: {  	v18 =	vld.idx.msk [tilespmem:v16+s20+$0x0], $0xffff;
	_ =	sdelay $0x4  }
0x128: {  	vm6 =	vgt.s32 v18, v17;
	v18 =	vadd.s32 $0x1, v16  }
0x129: {  	v15 =	vsel vm6, v16, v15;
	v14 =	vsel vm6, v14, v18  }
0x12a: {  	v16 =	vadd.s32 v15, v14  }
0x12b: {  	v16 =	vshrl.u32 v16, $0x1;
	_ =	sdelay $0x4  }
0x12c: {  	v18 =	vld.idx.msk [tilespmem:v16+s20+$0x0], $0xffff;
	_ =	sdelay $0x4  }
0x12d: {  	vm6 =	vgt.s32 v18, v17;
	v18 =	vadd.s32 $0x1, v16  }
0x12e: {  	v15 =	vsel vm6, v16, v15;
	v14 =	vsel vm6, v14, v18  }
0x12f: {  	v16 =	vadd.s32 v15, v14  }
0x130: {  	v16 =	vshrl.u32 v16, $0x1;
	_ =	sdelay $0x4  }
0x131: {  	v18 =	vld.idx.msk [tilespmem:v16+s20+$0x0], $0xffff;
	_ =	sdelay $0x4  }
0x132: {  	vm6 =	vgt.s32 v18, v17;
	v18 =	vadd.s32 $0x1, v16  }
0x133: {  	v15 =	vsel vm6, v16, v15;
	v14 =	vsel vm6, v14, v18  }
0x134: {  	v16 =	vadd.s32 v15, v14  }
0x135: {  	v16 =	vshrl.u32 v16, $0x1;
	_ =	sdelay $0x4  }
0x136: {  	v18 =	vld.idx.msk [tilespmem:v16+s20+$0x0], $0xffff;
	_ =	sdelay $0x4  }
0x137: {  	vm6 =	vgt.s32 v18, v17;
	v18 =	vadd.s32 $0x1, v16  }
0x138: {  	v15 =	vsel vm6, v16, v15;
	v14 =	vsel vm6, v14, v18  }
0x139: {  	v16 =	vadd.s32 v15, v14  }
0x13a: {  	v16 =	vshrl.u32 v16, $0x1;
	_ =	sdelay $0x4  }
0x13b: {  	v18 =	vld.idx.msk [tilespmem:v16+s20+$0x0], $0xffff;
	_ =	sdelay $0x4  }
0x13c: {  	vm6 =	vgt.s32 v18, v17;
	v18 =	vadd.s32 $0x1, v16  }
0x13d: {  	v15 =	vsel vm6, v16, v15;
	v14 =	vsel vm6, v14, v18  }
0x13e: {  	v16 =	vadd.s32 v15, v14  }
0x13f: {  	v16 =	vshrl.u32 v16, $0x1;
	_ =	sdelay $0x4  }
0x140: {  	v18 =	vld.idx.msk [tilespmem:v16+s20+$0x0], $0xffff;
	_ =	sdelay $0x4  }
0x141: {  	vm6 =	vgt.s32 v18, v17;
	v18 =	vadd.s32 $0x1, v16  }
0x142: {  	v15 =	vsel vm6, v16, v15;
	v14 =	vsel vm6, v14, v18  }
0x143: {  	v16 =	vadd.s32 v15, v14  }
0x144: {  	v16 =	vshrl.u32 v16, $0x1;
	_ =	sdelay $0x4  }
0x145: {  	v18 =	vld.idx.msk [tilespmem:v16+s20+$0x0], $0xffff;
	_ =	sdelay $0x4  }
0x146: {  	vm6 =	vgt.s32 v18, v17;
	v18 =	vadd.s32 $0x1, v16  }
0x147: {  	v15 =	vsel vm6, v16, v15;
	v14 =	vsel vm6, v14, v18  }
0x148: {  	v16 =	vadd.s32 v15, v14  }
0x149: {  	v16 =	vshrl.u32 v16, $0x1;
	_ =	sdelay $0x4  }
0x14a: {  	v18 =	vld.idx.msk [tilespmem:v16+s20+$0x0], $0xffff;
	_ =	sdelay $0x4  }
0x14b: {  	vm6 =	vgt.s32 v18, v17;
	v18 =	vadd.s32 $0x1, v16  }
0x14c: {  	v15 =	vsel vm6, v16, v15;
	v14 =	vsel vm6, v14, v18  }
0x14d: {  	v16 =	vadd.s32 v15, v14  }
0x14e: {  	v16 =	vshrl.u32 v16, $0x1;
	_ =	sdelay $0x4  }
0x14f: {  	v18 =	vld.idx.msk [tilespmem:v16+s20+$0x0], $0xffff;
	_ =	sdelay $0x4  }
0x150: {  	vm6 =	vgt.s32 v18, v17;
	v18 =	vadd.s32 $0x1, v16  }
0x151: {  	v15 =	vsel vm6, v16, v15;
	v14 =	vsel vm6, v14, v18  }
0x152: {  	v16 =	vadd.s32 v15, v14  }
0x153: {  	v16 =	vshrl.u32 v16, $0x1;
	_ =	sdelay $0x4  }
0x154: {  	v18 =	vld.idx.msk [tilespmem:v16+s20+$0x0], $0xffff;
	_ =	sdelay $0x4  }
0x155: {  	vm6 =	vgt.s32 v18, v17;
	v18 =	vadd.s32 $0x1, v16  }
0x156: {  	v15 =	vsel vm6, v16, v15;
	v14 =	vsel vm6, v14, v18  }
0x157: {  	v16 =	vadd.s32 v15, v14  }
0x158: {  	v16 =	vshrl.u32 v16, $0x1;
	_ =	sdelay $0x4  }
0x159: {  	v18 =	vld.idx.msk [tilespmem:v16+s20+$0x0], $0xffff;
	_ =	sdelay $0x4  }
0x15a: {  	vm6 =	vgt.s32 v18, v17;
	v18 =	vadd.s32 $0x1, v16  }
0x15b: {  	v15 =	vsel vm6, v16, v15;
	v14 =	vsel vm6, v14, v18  }
0x15c: {  	v15 =	vadd.s32 v15, v14  }
0x15d: {  	v15 =	vshrl.u32 v15, $0x1  }
0x15e: {  	v15 =	vmin.u32 v15, $0x4E1F;
	_ =	sdelay $0x4  }
0x15f: {  	v16 =	vld.idx.msk [tilespmem:v15+s20+$0x0], $0xffff;
	_ =	sdelay $0x4  }
0x160: {  	v15 =	vadd.s32 $0x1, v15;
	vm6 =	vgt.s32 v16, v17  }
0x161: {  	v14 =	vsel vm6, v14, v15;
	vm6 =	vlt.s32 v17, v13  }
0x162: {  	v14 =	vnsel vm6, $0x0, v14;
	_ =	sdelay $0x2  }
0x163: {  	v15 =	vmax.u32 v14, $0x1  }
0x164: {  	v15 =	vsub.s32 v15, v12  }
0x165: {  	v16 =	vld.idx.msk [tilespmem:v14+s21+$0x0], $0xffff;
	_ =	sdelay $0x3  }
0x166: {  	v15 =	vld.idx.msk [tilespmem:v15+s20+$0x0], $0xffff  }
0x167: {  	vm7 =	veq.s32 v14, $0x0;
	v19 =	vand.u32 $0x1, v16  }
0x168: {  	v20 =	vshrl.u32 v16, $0x1;
	v53 =	vshrl.u32 v16, $0x3;
	v54 =	vshrl.u32 v16, $0x4  }
0x169: {  	v55 =	vshrl.u32 v16, $0x5;
	v56 =	vshrl.u32 v16, $0x6;
	v57 =	vshrl.u32 v16, $0x7  }
0x16a: {  	v58 =	vshrl.u32 v16, $0x8;
	v59 =	vshrl.u32 v16, $0x9;
	v60 =	vshrl.u32 v16, $0xA  }
0x16b: {  	v61 =	vshrl.u32 v16, $0xB;
	v62 =	vshrl.u32 v16, $0xC;
	v18 =	vsel vm7, $0x0, v15  }
0x16c: {  	v63 =	vshrl.u32 v16, $0xD;
	vm7 =	veq.s32 v19, $0x1;
	v15 =	vsub.s32 v17, v18  }
0x16d: {  	vm8 =	veq.s32 v17, v18;
	v17 =	vand.u32 $0x1, v20;
	v18 =	vshrl.u32 v16, $0x2  }
0x16e: {  	v16 =	vand.u32 $0x4000, v16;
	vm7 =	vmand vm8, vm7;
	vm8 =	veq.s32 v17, $0x1  }
0x16f: {  	vm9 =	veq.s32 v19, v15;
	v17 =	vadd.s32 v19, v17;
	v18 =	vand.u32 $0x1, v18  }
0x170: {  	vm8 =	vmand vm9, vm8;
	vm15 =	vmneg vm7;
	vm12 =	veq.s32 v18, $0x1  }
0x171: {  	vm10 =	veq.s32 v17, v15;
	v17 =	vadd.s32 v18, v17;
	v18 =	vand.u32 $0x1, v53  }
0x172: {  	vm9 =	vmand vm8, vm15;
	vm7 =	vmor vm7, vm8;
	vm8 =	vmand vm10, vm12  }
0x173: {  	vm14 =	veq.s32 v18, $0x1;
	vm11 =	veq.s32 v17, v15;
	v17 =	vadd.s32 v18, v17  }
0x174: {  	v18 =	vand.u32 $0x1, v54;
	v19 =	vsel vm9, $0x1, v5;
	vm13 =	vmneg vm7  }
0x175: {  	vm7 =	vmor vm8, vm7;
	vm15 =	vmand vm11, vm14;
	vm8 =	vmand vm8, vm13  }
0x176: {  	vm12 =	vmneg vm7;
	vm7 =	vmor vm15, vm7;
	vm13 =	veq.s32 v17, v15  }
0x177: {  	v17 =	vadd.s32 v18, v17;
	v19 =	vsel vm8, $0x2, v19;
	vm8 =	vmand vm15, vm12  }
0x178: {  	vm14 =	vmneg vm7;
	v19 =	vsel vm8, $0x3, v19;
	vm8 =	veq.s32 v18, $0x1  }
0x179: {  	vm12 =	veq.s32 v17, v15;
	v18 =	vand.u32 $0x1, v55;
	vm8 =	vmand vm13, vm8  }
0x17a: {  	vm15 =	veq.s32 v18, $0x1;
	v17 =	vadd.s32 v18, v17;
	v18 =	vand.u32 $0x1, v56  }
0x17b: {  	vm9 =	vmand vm8, vm14;
	vm7 =	vmor vm8, vm7;
	vm8 =	vmand vm12, vm15  }
0x17c: {  	vm14 =	veq.s32 v18, $0x1;
	vm15 =	veq.s32 v17, v15;
	v17 =	vadd.s32 v18, v17  }
0x17d: {  	v18 =	vand.u32 $0x1, v57;
	v19 =	vsel vm9, $0x4, v19;
	vm13 =	vmneg vm7  }
0x17e: {  	vm7 =	vmor vm8, vm7;
	vm12 =	vmand vm15, vm14;
	vm14 =	veq.s32 v17, v15  }
0x17f: {  	v17 =	vadd.s32 v18, v17;
	vm8 =	vmand vm8, vm13;
	vm13 =	vmneg vm7  }
0x180: {  	vm7 =	vmor vm12, vm7;
	v19 =	vsel vm8, $0x5, v19;
	vm8 =	vmand vm12, vm13  }
0x181: {  	vm15 =	vmneg vm7;
	v19 =	vsel vm8, $0x6, v19;
	vm8 =	veq.s32 v18, $0x1  }
0x182: {  	vm13 =	veq.s32 v17, v15;
	v18 =	vand.u32 $0x1, v58;
	vm8 =	vmand vm14, vm8  }
0x183: {  	vm12 =	veq.s32 v18, $0x1;
	v17 =	vadd.s32 v18, v17;
	v18 =	vand.u32 $0x1, v59  }
0x184: {  	vm9 =	vmand vm8, vm15;
	vm7 =	vmor vm8, vm7;
	vm8 =	vmand vm13, vm12  }
0x185: {  	vm15 =	veq.s32 v18, $0x1;
	vm12 =	veq.s32 v17, v15;
	v17 =	vadd.s32 v18, v17  }
0x186: {  	v18 =	vand.u32 $0x1, v60;
	v19 =	vsel vm9, $0x7, v19;
	vm14 =	vmneg vm7  }
0x187: {  	vm7 =	vmor vm8, vm7;
	vm13 =	vmand vm12, vm15;
	vm15 =	veq.s32 v17, v15  }
0x188: {  	v17 =	vadd.s32 v18, v17;
	vm8 =	vmand vm8, vm14;
	vm14 =	vmneg vm7  }
0x189: {  	vm7 =	vmor vm13, vm7;
	v19 =	vsel vm8, $0x8, v19;
	vm8 =	vmand vm13, vm14  }
0x18a: {  	vm12 =	vmneg vm7;
	v19 =	vsel vm8, $0x9, v19;
	vm8 =	veq.s32 v18, $0x1  }
0x18b: {  	vm14 =	veq.s32 v17, v15;
	v18 =	vand.u32 $0x1, v61;
	vm8 =	vmand vm15, vm8  }
0x18c: {  	vm13 =	veq.s32 v18, $0x1;
	v17 =	vadd.s32 v18, v17;
	v18 =	vand.u32 $0x1, v62  }
0x18d: {  	vm9 =	vmand vm8, vm12;
	vm7 =	vmor vm8, vm7;
	vm8 =	vmand vm14, vm13  }
0x18e: {  	vm12 =	veq.s32 v18, $0x1;
	vm13 =	veq.s32 v17, v15;
	v17 =	vadd.s32 v18, v17  }
0x18f: {  	v18 =	vand.u32 $0x1, v63;
	v19 =	vsel vm9, $0xA, v19;
	vm15 =	vmneg vm7  }
0x190: {  	vm7 =	vmor vm8, vm7;
	vm14 =	vmand vm13, vm12;
	vm12 =	veq.s32 v17, v15  }
0x191: {  	v17 =	vadd.s32 v18, v17;
	vm8 =	vmand vm8, vm15;
	vm15 =	vmneg vm7  }
0x192: {  	vm7 =	vmor vm14, vm7;
	v19 =	vsel vm8, $0xB, v19;
	vm8 =	vmand vm14, vm15  }
0x193: {  	vm13 =	vmneg vm7;
	v19 =	vsel vm8, $0xC, v19;
	vm8 =	veq.s32 v18, $0x1  }
0x194: {  	vm14 =	veq.s32 v16, $0x0;
	vm15 =	vne.s32 v17, v15;
	vm8 =	vmand vm12, vm8  }
0x195: {  	vm9 =	vmand vm8, vm13;
	vm7 =	vmor vm8, vm7;
	vm8 =	vmor vm14, vm15  }
0x196: {  	v15 =	vsel vm9, $0xD, v19;
	vm7 =	vmor vm8, vm7  }
0x197: {  	v14 =	vadd.s32 v3, v14;
	v15 =	vnsel vm7, $0xE, v15  }
0x198: {  	s24 =	simm.s32 $0x0;
	[tilespmem:$0xAC00] =	vst v14;
	v15 =	vnsel vm6, $0x0, v15  }
0x199: {  	s2 =	rddreg [dreg:$0x0];
	v14 =	vmov s24;
	[tilespmem:$0xBC80] =	vst v15  }
0x19a: {  	[tilespmem:s26], [sflag:$0x1] =	stream.indirect.gather [hbm4b:s2+s22], $0x80, s25, s22, $0xb8;
	[tilespmem:$0xCF60] =	vst v63  }
0x19b: {  	_ =	swait.ge [sflag:s28], $0x800  }
0x19c: {  	[sflag:s28] =	ssyncset.done $0x0  }
0x19d: {  	[sflag:s28] =	ssyncadd.s32 $0xFFFFF800  }
0x19e: {  	s3 =	simm.s32 $0xAC86;
	v15 =	vld.idx.msk [tilespmem:v14+s29+$0x0], $0xffff  }
0x19f: {  	v16 =	vld [tilespmem:s3+$0x0];
	_ =	sdelay $0x3  }
0x1a0: {  	vm6 =	veq.s32 v15, v0  }
0x1a1: {  	v16 =	vnsel vm6, $0x0, v16  }
0x1a2: {  	(xrf2) =	vadd.scan.msk.f32 $0xffff, v16;
	_ =	sdelay $0x1  }
0x1a3: {  	v14 =	vshll.u32 v14, $0x7  }
0x1a4: {  	v16 =	vor.u32 $0x4, v14;
	_ =	sdelay $0x2  }
0x1a5: {  	v14 =	vor.u32 $0x5, v14;
	_ =	sdelay $0x1  }
0x1a6: {  	v16 =	vld.idx.msk [tilespmem:v16+s26+$0x0], $0xffff;
	_ =	sdelay $0x1  }
0x1a7: {  	v17 =	vld [tilespmem:s3+$0xFFFFFFFA];
	v18, _, _ =	vpop (xrf2)  }
0x1a8: {  	v15 =	vcvt.s32.f32 v15;
	v14 =	vld.idx.msk [tilespmem:v14+s26+$0x0], $0xffff;
	v18 =	vbroadcast v18, $0xF;
	_ =	sdelay $0x1  }
0x1a9: {  	v19 =	vmul.f32 $4.096000000e+03, v15;
	v16 =	vmul.f32 v18, v16  }
0x1aa: {  	v15 =	vsel vm3, $0x0, v15  }
0x1ab: {  	s4 =	simm.s32 $0x1;
	s18 =	sadd.s32 $0x0, s14;
	v17 =	vadd.f32 v19, v17;
	v15 =	vsel vm4, v15, v16  }
0x1ac: {  	s1 =	simm.f32 $1.000000000e+00;
	p2 =	slt.s32 s18, s0;
	vm6 =	vmmov $0xf;
	v16 =	vmov s4;
	v14 =	vsel vm5, v15, v14  }
0x1ad: {  	s1 =	simm.s32 @!p2 $0x0;
	v14 =	vsel vm6, v17, v14  }
0x1ae: {  	v14 =	vmul.f32 s1, v14  }
0x1af: {  	s18 =	simm.s32 $0xB480  }
0x1b0: {  	[tilespmem:s18+$0x0] =	vst v14  }
0x1b1: {  	s3 =	simm.s32 $0xAD06;
	v14 =	vld.idx.msk [tilespmem:v16+s29+$0x0], $0xffff  }
0x1b2: {  	v15 =	vld [tilespmem:s3+$0x0];
	_ =	sdelay $0x3  }
0x1b3: {  	vm7 =	veq.s32 v14, v0  }
0x1b4: {  	v15 =	vnsel vm7, $0x0, v15  }
0x1b5: {  	(xrf2) =	vadd.scan.msk.f32 $0xffff, v15;
	_ =	sdelay $0x1  }
0x1b6: {  	v15 =	vshll.u32 v16, $0x7  }
0x1b7: {  	v16 =	vor.u32 $0x4, v15;
	_ =	sdelay $0x2  }
0x1b8: {  	v15 =	vor.u32 $0x5, v15;
	_ =	sdelay $0x1  }
0x1b9: {  	v16 =	vld.idx.msk [tilespmem:v16+s26+$0x0], $0xffff;
	_ =	sdelay $0x1  }
0x1ba: {  	v17 =	vld [tilespmem:s3+$0xFFFFFFFA];
	v18, _, _ =	vpop (xrf2)  }
0x1bb: {  	v19 =	vld.idx.msk [tilespmem:v15+s26+$0x0], $0xffff;
	v15 =	vbroadcast v18, $0xF  }
0x1bc: {  	v14 =	vcvt.s32.f32 v14  }
0x1bd: {  	v15 =	vmul.f32 v15, v16  }
0x1be: {  	v18 =	vsel vm3, $0x0, v14;
	v16 =	vmul.f32 $4.096000000e+03, v14  }
0x1bf: {  	s24 =	sadd.s32 $0x1, s14;
	s2 =	simm.s32 $0x2;
	v14 =	vmov s6;
	v18 =	vsel vm4, v18, v15  }
0x1c0: {  	p3 =	slt.s32 s24, s0;
	s4 =	simm.s32 $0x3;
	v16 =	vadd.f32 v16, v17;
	v15 =	vmov s2;
	v17 =	vsel vm5, v18, v19  }
.LBB2_6:
0x1c1: {  	s1 =	simm.f32 $1.000000000e+00  }
0x1c2: {  	p2 =	sne.s32 s4, $0xF;
	v16 =	vsel vm6, v16, v17;
	s1 =	simm.s32 @!p3 $0x0  }
0x1c3: {  	v16 =	vmul.f32 s1, v16  }
0x1c4: {  	s18 =	sadd.s32 $0x80, s18  }
0x1c5: {  	[tilespmem:s18+$0x0] =	vst v16  }
0x1c6: {  	v16 =	vld.idx.msk [tilespmem:v15+s29+$0x0], $0xffff  }
0x1c7: {  	s3 =	sadd.s32 $0x80, s3  }
0x1c8: {  	v17 =	vld [tilespmem:s3+$0x0];
	_ =	sdelay $0x3  }
0x1c9: {  	vm7 =	veq.s32 v16, v0  }
0x1ca: {  	v17 =	vnsel vm7, $0x0, v17  }
0x1cb: {  	(xrf2) =	vadd.scan.msk.f32 $0xffff, v17  }
0x1cc: {  	v15 =	vshll.u32 v15, $0x7  }
0x1cd: {  	v17 =	vor.u32 $0x4, v15;
	_ =	sdelay $0x2  }
0x1ce: {  	v15 =	vor.u32 $0x5, v15;
	_ =	sdelay $0x1  }
0x1cf: {  	v17 =	vld.idx.msk [tilespmem:v17+s26+$0x0], $0xffff;
	_ =	sdelay $0x1  }
0x1d0: {  	v18 =	vld [tilespmem:s3+$0xFFFFFFFA]  }
0x1d1: {  	v19 =	vld.idx.msk [tilespmem:v15+s26+$0x0], $0xffff;
	v15, _, _ =	vpop (xrf2)  }
0x1d2: {  	v16 =	vcvt.s32.f32 v16;
	v15 =	vbroadcast v15, $0xF  }
.Ltmp4:
0x1d3: {  	(pc) =	sbr.rel @p2 .LBB2_6-.Ltmp4, $4  }
0x1d4: {  	v20 =	vmul.f32 $4.096000000e+03, v16;
	v15 =	vmul.f32 v15, v17  }
0x1d5: {  	v17 =	vsel vm3, $0x0, v16  }
0x1d6: {  	s1 =	sadd.s32 s2, s14;
	s2 =	smov.u32 s4;
	v16 =	vadd.f32 v20, v18;
	v17 =	vsel vm4, v17, v15  }
0x1d7: {  	s4 =	sadd.s32 $0x1, s4;
	p3 =	slt.s32 s1, s0;
	v15 =	vmov s2;
	v17 =	vsel vm5, v17, v19  }
0x1d8: {  	s1 =	simm.f32 $1.000000000e+00  }
0x1d9: {  	v16 =	vsel vm6, v16, v17;
	s1 =	simm.s32 @!p3 $0x0  }
0x1da: {  	v16 =	vmul.f32 s1, v16  }
0x1db: {  	s24 =	sadd.s32 $0x80, s18  }
0x1dc: {  	[tilespmem:s24+$0x0] =	vst v16  }
0x1dd: {  	s3 =	sadd.s32 $0x80, s3;
	v16 =	vld.idx.msk [tilespmem:v15+s29+$0x0], $0xffff  }
0x1de: {  	v62 =	vld [tilespmem:s3+$0x0];
	_ =	sdelay $0x3  }
0x1df: {  	vm6 =	veq.s32 v16, v0  }
0x1e0: {  	v17 =	vnsel vm6, $0x0, v62  }
0x1e1: {  	(xrf2) =	vadd.scan.msk.f32 $0xffff, v17;
	_ =	sdelay $0x1  }
0x1e2: {  	v15 =	vshll.u32 v15, $0x7  }
0x1e3: {  	v63 =	vor.u32 $0x4, v15;
	_ =	sdelay $0x2  }
0x1e4: {  	v15 =	vor.u32 $0x5, v15;
	_ =	sdelay $0x1  }
0x1e5: {  	v17 =	vld.idx.msk [tilespmem:v63+s26+$0x0], $0xffff;
	_ =	sdelay $0x1  }
0x1e6: {  	v18 =	vld [tilespmem:s3+$0xFFFFFFFA];
	v19, _, _ =	vpop (xrf2)  }
0x1e7: {  	v16 =	vcvt.s32.f32 v16;
	v15 =	vld.idx.msk [tilespmem:v15+s26+$0x0], $0xffff;
	v19 =	vbroadcast v19, $0xF;
	_ =	sdelay $0x1  }
0x1e8: {  	v20 =	vmul.f32 $4.096000000e+03, v16;
	v17 =	vmul.f32 v19, v17  }
0x1e9: {  	v16 =	vsel vm3, $0x0, v16  }
0x1ea: {  	s2 =	sadd.s32 s2, s14;
	v18 =	vadd.f32 v20, v18;
	v16 =	vsel vm4, v16, v17  }
0x1eb: {  	p2 =	slt.s32 s2, s0;
	s2 =	simm.f32 $1.000000000e+00;
	vm6 =	vmmov $0xf;
	v15 =	vsel vm5, v16, v15  }
0x1ec: {  	s2 =	simm.s32 @!p2 $0x0;
	v15 =	vsel vm6, v18, v15  }
0x1ed: {  	v15 =	vmul.f32 s2, v15  }
0x1ee: {  	s1 =	sadd.s32 $0x80, s24  }
.Ltmp5:
0x1ef: {  	[tilespmem:s1+$0x0] =	vst v15;
	(pc) =	sbr.rel @p1 .LBB2_11-.Ltmp5, $4  }
0x1f0: {  	[hbm4b:s23+s5] =	stream.linear.scatter [tilespmem:s30], [sflag:$0x2], $0x800, $0x38;
	[tilespmem:$0xCF60] =	vst v63  }
0x1f1: {  	_ =	swait.ge [sflag:s17], $0x800  }
0x1f2: {  	[sflag:s17] =	ssyncset.done $0x0  }
0x1f3: {  	[sflag:s17] =	ssyncadd.s32 $0xFFFFF800  }
0x1f4: {  	_ =	sdelay $0x3  }
0x1f5: {  	v15 =	vld.idx.msk [tilespmem:v8+s20+$0x0], $0xffff;
	_ =	sdelay $0x4  }
0x1f6: {  	vm7 =	vgt.s32 v15, v4  }
0x1f7: {  	v16 =	vsel vm7, $0x1388, v11;
	_ =	sdelay $0x4  }
0x1f8: {  	v17 =	vld.idx.msk [tilespmem:v16+s20+$0x0], $0xffff;
	_ =	sdelay $0x4  }
0x1f9: {  	v18 =	vsel vm7, $0x2710, v9;
	vm8 =	vgt.s32 v17, v4  }
0x1fa: {  	v17 =	vsel vm7, $0x0, v10;
	v18 =	vsel vm8, v16, v18;
	v16 =	vor.u32 $0x1, v16  }
0x1fb: {  	v16 =	vsel vm8, v17, v16;
	v17 =	vadd.s32 $0xFFFFFFFF, v18  }
0x1fc: {  	v17 =	vadd.s32 v17, v16  }
0x1fd: {  	v17 =	vadd.s32 $0x1, v17  }
0x1fe: {  	v17 =	vshrl.u32 v17, $0x1;
	_ =	sdelay $0x4  }
0x1ff: {  	v19 =	vld.idx.msk [tilespmem:v17+s20+$0x0], $0xffff;
	_ =	sdelay $0x4  }
0x200: {  	v43 =	vor.u32 $0x1, v17;
	vm7 =	vgt.s32 v19, v4  }
0x201: {  	v17 =	vsel vm7, v17, v18;
	v16 =	vsel vm7, v16, v43  }
0x202: {  	v18 =	vadd.s32 v17, v16  }
0x203: {  	v18 =	vshrl.u32 v18, $0x1;
	_ =	sdelay $0x4  }
0x204: {  	v44 =	vld.idx.msk [tilespmem:v18+s20+$0x0], $0xffff;
	_ =	sdelay $0x4  }
0x205: {  	v45 =	vadd.s32 $0x1, v18;
	vm7 =	vgt.s32 v44, v4  }
0x206: {  	v17 =	vsel vm7, v18, v17;
	v16 =	vsel vm7, v16, v45  }
0x207: {  	v18 =	vadd.s32 v17, v16  }
0x208: {  	v18 =	vshrl.u32 v18, $0x1;
	_ =	sdelay $0x4  }
0x209: {  	v46 =	vld.idx.msk [tilespmem:v18+s20+$0x0], $0xffff;
	_ =	sdelay $0x4  }
0x20a: {  	v47 =	vadd.s32 $0x1, v18;
	vm7 =	vgt.s32 v46, v4  }
0x20b: {  	v17 =	vsel vm7, v18, v17;
	v16 =	vsel vm7, v16, v47  }
0x20c: {  	v18 =	vadd.s32 v17, v16  }
0x20d: {  	v18 =	vshrl.u32 v18, $0x1;
	_ =	sdelay $0x4  }
0x20e: {  	v48 =	vld.idx.msk [tilespmem:v18+s20+$0x0], $0xffff;
	_ =	sdelay $0x4  }
0x20f: {  	v49 =	vadd.s32 $0x1, v18;
	vm7 =	vgt.s32 v48, v4  }
0x210: {  	v17 =	vsel vm7, v18, v17;
	v16 =	vsel vm7, v16, v49  }
0x211: {  	v18 =	vadd.s32 v17, v16  }
0x212: {  	v18 =	vshrl.u32 v18, $0x1;
	_ =	sdelay $0x4  }
0x213: {  	v50 =	vld.idx.msk [tilespmem:v18+s20+$0x0], $0xffff;
	_ =	sdelay $0x4  }
0x214: {  	v51 =	vadd.s32 $0x1, v18;
	vm7 =	vgt.s32 v50, v4  }
0x215: {  	v17 =	vsel vm7, v18, v17;
	v16 =	vsel vm7, v16, v51  }
0x216: {  	v18 =	vadd.s32 v17, v16  }
0x217: {  	v18 =	vshrl.u32 v18, $0x1;
	_ =	sdelay $0x4  }
0x218: {  	v52 =	vld.idx.msk [tilespmem:v18+s20+$0x0], $0xffff;
	_ =	sdelay $0x4  }
0x219: {  	v53 =	vadd.s32 $0x1, v18;
	vm7 =	vgt.s32 v52, v4  }
0x21a: {  	v17 =	vsel vm7, v18, v17;
	v16 =	vsel vm7, v16, v53  }
0x21b: {  	v18 =	vadd.s32 v17, v16  }
0x21c: {  	v18 =	vshrl.u32 v18, $0x1;
	_ =	sdelay $0x4  }
0x21d: {  	v54 =	vld.idx.msk [tilespmem:v18+s20+$0x0], $0xffff;
	_ =	sdelay $0x4  }
0x21e: {  	v55 =	vadd.s32 $0x1, v18;
	vm7 =	vgt.s32 v54, v4  }
0x21f: {  	v17 =	vsel vm7, v18, v17;
	v16 =	vsel vm7, v16, v55  }
0x220: {  	v18 =	vadd.s32 v17, v16  }
0x221: {  	v18 =	vshrl.u32 v18, $0x1;
	_ =	sdelay $0x4  }
0x222: {  	v56 =	vld.idx.msk [tilespmem:v18+s20+$0x0], $0xffff;
	_ =	sdelay $0x4  }
0x223: {  	v57 =	vadd.s32 $0x1, v18;
	vm7 =	vgt.s32 v56, v4  }
0x224: {  	v17 =	vsel vm7, v18, v17;
	v16 =	vsel vm7, v16, v57  }
0x225: {  	v18 =	vadd.s32 v17, v16  }
0x226: {  	v18 =	vshrl.u32 v18, $0x1;
	_ =	sdelay $0x4  }
0x227: {  	v58 =	vld.idx.msk [tilespmem:v18+s20+$0x0], $0xffff;
	_ =	sdelay $0x4  }
0x228: {  	v59 =	vadd.s32 $0x1, v18;
	vm7 =	vgt.s32 v58, v4  }
0x229: {  	v17 =	vsel vm7, v18, v17;
	v16 =	vsel vm7, v16, v59  }
0x22a: {  	v18 =	vadd.s32 v17, v16  }
0x22b: {  	v18 =	vshrl.u32 v18, $0x1;
	_ =	sdelay $0x4  }
0x22c: {  	v60 =	vld.idx.msk [tilespmem:v18+s20+$0x0], $0xffff;
	_ =	sdelay $0x4  }
0x22d: {  	v61 =	vadd.s32 $0x1, v18;
	vm7 =	vgt.s32 v60, v4  }
0x22e: {  	v17 =	vsel vm7, v18, v17;
	v16 =	vsel vm7, v16, v61  }
0x22f: {  	v18 =	vadd.s32 v17, v16  }
0x230: {  	v18 =	vshrl.u32 v18, $0x1;
	_ =	sdelay $0x4  }
0x231: {  	v62 =	vld.idx.msk [tilespmem:v18+s20+$0x0], $0xffff;
	_ =	sdelay $0x4  }
0x232: {  	v63 =	vadd.s32 $0x1, v18;
	vm7 =	vgt.s32 v62, v4  }
0x233: {  	v17 =	vsel vm7, v18, v17;
	v16 =	vsel vm7, v16, v63  }
0x234: {  	v18 =	vadd.s32 v17, v16  }
0x235: {  	v18 =	vshrl.u32 v18, $0x1;
	_ =	sdelay $0x4  }
0x236: {  	v21 =	vld.idx.msk [tilespmem:v18+s20+$0x0], $0xffff;
	_ =	sdelay $0x4  }
0x237: {  	v22 =	vadd.s32 $0x1, v18;
	vm7 =	vgt.s32 v21, v4  }
0x238: {  	v17 =	vsel vm7, v18, v17;
	v16 =	vsel vm7, v16, v22  }
0x239: {  	v17 =	vadd.s32 v17, v16  }
0x23a: {  	v17 =	vshrl.u32 v17, $0x1  }
0x23b: {  	v17 =	vmin.u32 v17, $0x4E1F;
	_ =	sdelay $0x4  }
0x23c: {  	v23 =	vld.idx.msk [tilespmem:v17+s20+$0x0], $0xffff;
	_ =	sdelay $0x4  }
0x23d: {  	v17 =	vadd.s32 $0x1, v17;
	vm7 =	vgt.s32 v23, v4  }
0x23e: {  	v16 =	vsel vm7, v16, v17;
	vm7 =	vlt.s32 v4, v13  }
0x23f: {  	v16 =	vnsel vm7, $0x0, v16;
	_ =	sdelay $0x4  }
0x240: {  	v16 =	vld.idx.msk [tilespmem:v16+s21+$0x0], $0xffff;
	_ =	sdelay $0x4  }
0x241: {  	v16 =	vshrl.u32 v16, $0x10  }
0x242: {  	v16 =	vmax.u32 v16, $0x1  }
0x243: {  	v16 =	vsub.s32 v16, v12  }
0x244: {  	vm7 =	vlt.s32 v14, v16  }
0x245: {  	v16 =	vsel vm7, v14, v16  }
0x246: {  	vm7 =	vgt.s32 v15, v16  }
0x247: {  	v14 =	vsel vm7, $0x1388, v11;
	_ =	sdelay $0x4  }
0x248: {  	v15 =	vld.idx.msk [tilespmem:v14+s20+$0x0], $0xffff;
	_ =	sdelay $0x4  }
0x249: {  	v17 =	vsel vm7, $0x2710, v9;
	vm8 =	vgt.s32 v15, v16  }
0x24a: {  	v15 =	vsel vm7, $0x0, v10;
	v17 =	vsel vm8, v14, v17;
	v14 =	vor.u32 $0x1, v14  }
0x24b: {  	v14 =	vsel vm8, v15, v14;
	v15 =	vadd.s32 $0xFFFFFFFF, v17  }
0x24c: {  	v15 =	vadd.s32 v15, v14  }
0x24d: {  	v15 =	vadd.s32 $0x1, v15  }
0x24e: {  	v15 =	vshrl.u32 v15, $0x1;
	_ =	sdelay $0x4  }
0x24f: {  	v24 =	vld.idx.msk [tilespmem:v15+s20+$0x0], $0xffff;
	_ =	sdelay $0x4  }
0x250: {  	v25 =	vor.u32 $0x1, v15;
	vm7 =	vgt.s32 v24, v16  }
0x251: {  	v15 =	vsel vm7, v15, v17;
	v14 =	vsel vm7, v14, v25  }
0x252: {  	v17 =	vadd.s32 v15, v14  }
0x253: {  	v17 =	vshrl.u32 v17, $0x1;
	_ =	sdelay $0x4  }
0x254: {  	v26 =	vld.idx.msk [tilespmem:v17+s20+$0x0], $0xffff;
	_ =	sdelay $0x4  }
0x255: {  	v27 =	vadd.s32 $0x1, v17;
	vm7 =	vgt.s32 v26, v16  }
0x256: {  	v15 =	vsel vm7, v17, v15;
	v14 =	vsel vm7, v14, v27  }
0x257: {  	v17 =	vadd.s32 v15, v14  }
0x258: {  	v17 =	vshrl.u32 v17, $0x1;
	_ =	sdelay $0x4  }
0x259: {  	v28 =	vld.idx.msk [tilespmem:v17+s20+$0x0], $0xffff;
	_ =	sdelay $0x4  }
0x25a: {  	v29 =	vadd.s32 $0x1, v17;
	vm7 =	vgt.s32 v28, v16  }
0x25b: {  	v15 =	vsel vm7, v17, v15;
	v14 =	vsel vm7, v14, v29  }
0x25c: {  	v17 =	vadd.s32 v15, v14  }
0x25d: {  	v17 =	vshrl.u32 v17, $0x1;
	_ =	sdelay $0x4  }
0x25e: {  	v30 =	vld.idx.msk [tilespmem:v17+s20+$0x0], $0xffff;
	_ =	sdelay $0x4  }
0x25f: {  	v31 =	vadd.s32 $0x1, v17;
	vm7 =	vgt.s32 v30, v16  }
0x260: {  	v15 =	vsel vm7, v17, v15;
	v14 =	vsel vm7, v14, v31  }
0x261: {  	v17 =	vadd.s32 v15, v14  }
0x262: {  	v17 =	vshrl.u32 v17, $0x1;
	_ =	sdelay $0x4  }
0x263: {  	v32 =	vld.idx.msk [tilespmem:v17+s20+$0x0], $0xffff;
	_ =	sdelay $0x4  }
0x264: {  	v33 =	vadd.s32 $0x1, v17;
	vm7 =	vgt.s32 v32, v16  }
0x265: {  	v15 =	vsel vm7, v17, v15;
	v14 =	vsel vm7, v14, v33  }
0x266: {  	v17 =	vadd.s32 v15, v14  }
0x267: {  	v17 =	vshrl.u32 v17, $0x1;
	_ =	sdelay $0x4  }
0x268: {  	v34 =	vld.idx.msk [tilespmem:v17+s20+$0x0], $0xffff;
	_ =	sdelay $0x4  }
0x269: {  	v35 =	vadd.s32 $0x1, v17;
	vm7 =	vgt.s32 v34, v16  }
0x26a: {  	v15 =	vsel vm7, v17, v15;
	v14 =	vsel vm7, v14, v35  }
0x26b: {  	v17 =	vadd.s32 v15, v14  }
0x26c: {  	v17 =	vshrl.u32 v17, $0x1;
	_ =	sdelay $0x4  }
0x26d: {  	v36 =	vld.idx.msk [tilespmem:v17+s20+$0x0], $0xffff;
	_ =	sdelay $0x4  }
0x26e: {  	v37 =	vadd.s32 $0x1, v17;
	vm7 =	vgt.s32 v36, v16  }
0x26f: {  	v15 =	vsel vm7, v17, v15;
	v14 =	vsel vm7, v14, v37  }
0x270: {  	v17 =	vadd.s32 v15, v14  }
0x271: {  	v17 =	vshrl.u32 v17, $0x1;
	_ =	sdelay $0x4  }
0x272: {  	v38 =	vld.idx.msk [tilespmem:v17+s20+$0x0], $0xffff;
	_ =	sdelay $0x4  }
0x273: {  	v39 =	vadd.s32 $0x1, v17;
	vm7 =	vgt.s32 v38, v16  }
0x274: {  	v15 =	vsel vm7, v17, v15;
	v14 =	vsel vm7, v14, v39  }
0x275: {  	v17 =	vadd.s32 v15, v14  }
0x276: {  	v17 =	vshrl.u32 v17, $0x1;
	_ =	sdelay $0x4  }
0x277: {  	v40 =	vld.idx.msk [tilespmem:v17+s20+$0x0], $0xffff;
	_ =	sdelay $0x4  }
0x278: {  	v41 =	vadd.s32 $0x1, v17;
	vm7 =	vgt.s32 v40, v16  }
0x279: {  	v15 =	vsel vm7, v17, v15;
	v14 =	vsel vm7, v14, v41  }
0x27a: {  	v17 =	vadd.s32 v15, v14  }
0x27b: {  	v17 =	vshrl.u32 v17, $0x1;
	_ =	sdelay $0x4  }
0x27c: {  	v42 =	vld.idx.msk [tilespmem:v17+s20+$0x0], $0xffff;
	_ =	sdelay $0x4  }
0x27d: {  	v43 =	vadd.s32 $0x1, v17;
	vm7 =	vgt.s32 v42, v16  }
0x27e: {  	v15 =	vsel vm7, v17, v15;
	v14 =	vsel vm7, v14, v43  }
0x27f: {  	v17 =	vadd.s32 v15, v14  }
0x280: {  	v17 =	vshrl.u32 v17, $0x1;
	_ =	sdelay $0x4  }
0x281: {  	v44 =	vld.idx.msk [tilespmem:v17+s20+$0x0], $0xffff;
	_ =	sdelay $0x4  }
0x282: {  	v45 =	vadd.s32 $0x1, v17;
	vm7 =	vgt.s32 v44, v16  }
0x283: {  	v15 =	vsel vm7, v17, v15;
	v14 =	vsel vm7, v14, v45  }
0x284: {  	v17 =	vadd.s32 v15, v14  }
0x285: {  	v17 =	vshrl.u32 v17, $0x1;
	_ =	sdelay $0x4  }
0x286: {  	v46 =	vld.idx.msk [tilespmem:v17+s20+$0x0], $0xffff;
	_ =	sdelay $0x4  }
0x287: {  	v47 =	vadd.s32 $0x1, v17;
	vm7 =	vgt.s32 v46, v16  }
0x288: {  	v15 =	vsel vm7, v17, v15;
	v14 =	vsel vm7, v14, v47  }
0x289: {  	v15 =	vadd.s32 v15, v14  }
0x28a: {  	v15 =	vshrl.u32 v15, $0x1  }
0x28b: {  	v15 =	vmin.u32 v15, $0x4E1F;
	_ =	sdelay $0x4  }
0x28c: {  	v17 =	vld.idx.msk [tilespmem:v15+s20+$0x0], $0xffff;
	_ =	sdelay $0x4  }
0x28d: {  	v15 =	vadd.s32 $0x1, v15;
	vm7 =	vgt.s32 v17, v16  }
0x28e: {  	v14 =	vsel vm7, v14, v15;
	vm7 =	vlt.s32 v16, v13  }
0x28f: {  	v13 =	vnsel vm7, $0x0, v14;
	_ =	sdelay $0x2  }
0x290: {  	v14 =	vmax.u32 v13, $0x1  }
0x291: {  	v14 =	vsub.s32 v14, v12  }
0x292: {  	v15 =	vld.idx.msk [tilespmem:v13+s21+$0x0], $0xffff;
	_ =	sdelay $0x3  }
0x293: {  	v14 =	vld.idx.msk [tilespmem:v14+s20+$0x0], $0xffff  }
0x294: {  	vm8 =	veq.s32 v13, $0x0;
	v48 =	vand.u32 $0x1, v15  }
0x295: {  	v49 =	vshrl.u32 v15, $0x1;
	v51 =	vshrl.u32 v15, $0x3;
	v52 =	vshrl.u32 v15, $0x4  }
0x296: {  	v53 =	vshrl.u32 v15, $0x5;
	v54 =	vshrl.u32 v15, $0x6;
	v55 =	vshrl.u32 v15, $0x7  }
0x297: {  	v56 =	vshrl.u32 v15, $0x8;
	v57 =	vshrl.u32 v15, $0x9;
	v58 =	vshrl.u32 v15, $0xA  }
0x298: {  	v59 =	vshrl.u32 v15, $0xB;
	v60 =	vshrl.u32 v15, $0xC;
	v17 =	vsel vm8, $0x0, v14  }
0x299: {  	v61 =	vshrl.u32 v15, $0xD;
	vm8 =	veq.s32 v48, $0x1;
	v14 =	vsub.s32 v16, v17  }
0x29a: {  	vm9 =	veq.s32 v16, v17;
	v16 =	vand.u32 $0x1, v49;
	v17 =	vshrl.u32 v15, $0x2  }
0x29b: {  	v15 =	vand.u32 $0x4000, v15;
	vm8 =	vmand vm9, vm8;
	vm15 =	veq.s32 v16, $0x1  }
0x29c: {  	vm10 =	veq.s32 v48, v14;
	v16 =	vadd.s32 v48, v16;
	v17 =	vand.u32 $0x1, v17  }
0x29d: {  	vm9 =	vmand vm10, vm15;
	vm12 =	vmneg vm8;
	vm13 =	veq.s32 v17, $0x1  }
0x29e: {  	vm11 =	veq.s32 v16, v14;
	v16 =	vadd.s32 v17, v16;
	v17 =	vand.u32 $0x1, v51  }
0x29f: {  	vm10 =	vmand vm9, vm12;
	vm8 =	vmor vm8, vm9;
	vm9 =	vmand vm11, vm13  }
0x2a0: {  	vm11 =	veq.s32 v17, $0x1;
	vm12 =	veq.s32 v16, v14;
	v16 =	vadd.s32 v17, v16  }
0x2a1: {  	v17 =	vand.u32 $0x1, v52;
	v50 =	vsel vm10, $0x1, v5;
	vm10 =	vmneg vm8  }
0x2a2: {  	vm8 =	vmor vm9, vm8;
	vm14 =	vmand vm12, vm11;
	vm13 =	veq.s32 v17, $0x1  }
0x2a3: {  	vm9 =	vmand vm9, vm10;
	vm15 =	vmneg vm8;
	vm8 =	vmor vm14, vm8  }
0x2a4: {  	v18 =	vsel vm9, $0x2, v50;
	vm12 =	vmand vm14, vm15;
	vm14 =	veq.s32 v16, v14  }
0x2a5: {  	vm15 =	vmneg vm8;
	v16 =	vadd.s32 v17, v16;
	v17 =	vand.u32 $0x1, v53  }
0x2a6: {  	v18 =	vsel vm12, $0x3, v18;
	vm9 =	vmand vm14, vm13;
	vm12 =	veq.s32 v17, $0x1  }
0x2a7: {  	vm13 =	veq.s32 v16, v14;
	v16 =	vadd.s32 v17, v16;
	v17 =	vand.u32 $0x1, v54  }
0x2a8: {  	vm10 =	vmand vm9, vm15;
	vm8 =	vmor vm9, vm8;
	vm9 =	vmand vm13, vm12  }
0x2a9: {  	vm11 =	veq.s32 v17, $0x1;
	vm12 =	veq.s32 v16, v14;
	v16 =	vadd.s32 v17, v16  }
0x2aa: {  	v17 =	vand.u32 $0x1, v55;
	v18 =	vsel vm10, $0x4, v18;
	vm10 =	vmneg vm8  }
0x2ab: {  	vm8 =	vmor vm9, vm8;
	vm14 =	vmand vm12, vm11;
	vm13 =	veq.s32 v17, $0x1  }
0x2ac: {  	vm9 =	vmand vm9, vm10;
	vm15 =	vmneg vm8;
	vm8 =	vmor vm14, vm8  }
0x2ad: {  	v18 =	vsel vm9, $0x5, v18;
	vm12 =	vmand vm14, vm15;
	vm14 =	veq.s32 v16, v14  }
0x2ae: {  	vm15 =	vmneg vm8;
	v16 =	vadd.s32 v17, v16;
	v17 =	vand.u32 $0x1, v56  }
0x2af: {  	v18 =	vsel vm12, $0x6, v18;
	vm9 =	vmand vm14, vm13;
	vm12 =	veq.s32 v17, $0x1  }
0x2b0: {  	vm13 =	veq.s32 v16, v14;
	v16 =	vadd.s32 v17, v16;
	v17 =	vand.u32 $0x1, v57  }
0x2b1: {  	vm10 =	vmand vm9, vm15;
	vm8 =	vmor vm9, vm8;
	vm9 =	vmand vm13, vm12  }
0x2b2: {  	vm11 =	veq.s32 v17, $0x1;
	vm12 =	veq.s32 v16, v14;
	v16 =	vadd.s32 v17, v16  }
0x2b3: {  	v17 =	vand.u32 $0x1, v58;
	v18 =	vsel vm10, $0x7, v18;
	vm10 =	vmneg vm8  }
0x2b4: {  	vm8 =	vmor vm9, vm8;
	vm14 =	vmand vm12, vm11;
	vm13 =	veq.s32 v17, $0x1  }
0x2b5: {  	vm9 =	vmand vm9, vm10;
	vm15 =	vmneg vm8;
	vm8 =	vmor vm14, vm8  }
0x2b6: {  	v18 =	vsel vm9, $0x8, v18;
	vm12 =	vmand vm14, vm15;
	vm14 =	veq.s32 v16, v14  }
0x2b7: {  	vm15 =	vmneg vm8;
	v16 =	vadd.s32 v17, v16;
	v17 =	vand.u32 $0x1, v59  }
0x2b8: {  	v18 =	vsel vm12, $0x9, v18;
	vm9 =	vmand vm14, vm13;
	vm12 =	veq.s32 v17, $0x1  }
0x2b9: {  	vm13 =	veq.s32 v16, v14;
	v16 =	vadd.s32 v17, v16;
	v17 =	vand.u32 $0x1, v60  }
0x2ba: {  	vm10 =	vmand vm9, vm15;
	vm8 =	vmor vm9, vm8;
	vm9 =	vmand vm13, vm12  }
0x2bb: {  	vm11 =	veq.s32 v17, $0x1;
	vm12 =	veq.s32 v16, v14;
	v16 =	vadd.s32 v17, v16  }
0x2bc: {  	v17 =	vand.u32 $0x1, v61;
	v18 =	vsel vm10, $0xA, v18;
	vm10 =	vmneg vm8  }
0x2bd: {  	vm8 =	vmor vm9, vm8;
	vm14 =	vmand vm12, vm11;
	vm13 =	veq.s32 v17, $0x1  }
0x2be: {  	vm11 =	veq.s32 v15, $0x0;
	vm9 =	vmand vm9, vm10;
	vm15 =	vmneg vm8  }
0x2bf: {  	vm8 =	vmor vm14, vm8;
	v18 =	vsel vm9, $0xB, v18;
	vm12 =	vmand vm14, vm15  }
0x2c0: {  	vm14 =	veq.s32 v16, v14;
	v16 =	vadd.s32 v17, v16;
	vm10 =	vmneg vm8  }
0x2c1: {  	v18 =	vsel vm12, $0xC, v18;
	vm9 =	vmand vm14, vm13;
	vm12 =	vne.s32 v16, v14  }
0x2c2: {  	vm10 =	vmand vm9, vm10;
	vm8 =	vmor vm9, vm8;
	vm15 =	vmor vm11, vm12  }
0x2c3: {  	v14 =	vsel vm10, $0xD, v18;
	vm8 =	vmor vm15, vm8  }
0x2c4: {  	v13 =	vadd.s32 v3, v13;
	v14 =	vnsel vm8, $0xE, v14  }
0x2c5: {  	s1 =	simm.s32 $0x0;
	[tilespmem:$0xAC00] =	vst v13;
	v14 =	vnsel vm7, $0x0, v14  }
0x2c6: {  	s4 =	rddreg [dreg:$0x0];
	v13 =	vmov s1;
	[tilespmem:$0xBC80] =	vst v14  }
0x2c7: {  	[tilespmem:s26], [sflag:$0x1] =	stream.indirect.gather [hbm4b:s4+s22], $0x80, s25, s22, $0xb8;
	[tilespmem:$0xCF60] =	vst v63  }
0x2c8: {  	_ =	swait.ge [sflag:s28], $0x800  }
0x2c9: {  	[sflag:s28] =	ssyncset.done $0x0  }
0x2ca: {  	[sflag:s28] =	ssyncadd.s32 $0xFFFFF800  }
0x2cb: {  	s6 =	simm.s32 $0xAC86;
	v14 =	vld.idx.msk [tilespmem:v13+s29+$0x0], $0xffff  }
0x2cc: {  	v15 =	vld [tilespmem:s6+$0x0];
	_ =	sdelay $0x3  }
0x2cd: {  	vm7 =	veq.s32 v14, v0  }
0x2ce: {  	v15 =	vnsel vm7, $0x0, v15  }
0x2cf: {  	(xrf2) =	vadd.scan.msk.f32 $0xffff, v15;
	_ =	sdelay $0x1  }
0x2d0: {  	v13 =	vshll.u32 v13, $0x7  }
0x2d1: {  	v15 =	vor.u32 $0x4, v13;
	_ =	sdelay $0x2  }
0x2d2: {  	v13 =	vor.u32 $0x5, v13;
	_ =	sdelay $0x1  }
0x2d3: {  	v15 =	vld.idx.msk [tilespmem:v15+s26+$0x0], $0xffff;
	_ =	sdelay $0x1  }
0x2d4: {  	v16 =	vld [tilespmem:s6+$0xFFFFFFFA];
	v17, _, _ =	vpop (xrf2)  }
0x2d5: {  	v14 =	vcvt.s32.f32 v14;
	v13 =	vld.idx.msk [tilespmem:v13+s26+$0x0], $0xffff;
	v17 =	vbroadcast v17, $0xF;
	_ =	sdelay $0x1  }
0x2d6: {  	v62 =	vmul.f32 $4.096000000e+03, v14;
	v15 =	vmul.f32 v17, v15  }
0x2d7: {  	v14 =	vsel vm3, $0x0, v14  }
0x2d8: {  	s18 =	simm.s32 $0x1;
	s2 =	sadd.s32 $0x0, s15;
	v16 =	vadd.f32 v62, v16;
	v14 =	vsel vm4, v14, v15  }
0x2d9: {  	p2 =	slt.s32 s2, s0;
	s1 =	simm.f32 $1.000000000e+00;
	v15 =	vmov s18;
	v13 =	vsel vm5, v14, v13  }
0x2da: {  	s1 =	simm.s32 @!p2 $0x0;
	v13 =	vsel vm6, v16, v13  }
0x2db: {  	v13 =	vmul.f32 s1, v13  }
0x2dc: {  	s3 =	simm.s32 $0xB480  }
0x2dd: {  	[tilespmem:s3+$0x0] =	vst v13  }
0x2de: {  	s6 =	simm.s32 $0xAD06;
	v13 =	vld.idx.msk [tilespmem:v15+s29+$0x0], $0xffff  }
0x2df: {  	v14 =	vld [tilespmem:s6+$0x0];
	_ =	sdelay $0x3  }
0x2e0: {  	vm7 =	veq.s32 v13, v0  }
0x2e1: {  	v14 =	vnsel vm7, $0x0, v14  }
0x2e2: {  	(xrf2) =	vadd.scan.msk.f32 $0xffff, v14;
	_ =	sdelay $0x1  }
0x2e3: {  	v14 =	vshll.u32 v15, $0x7  }
0x2e4: {  	v15 =	vor.u32 $0x4, v14;
	_ =	sdelay $0x2  }
0x2e5: {  	v14 =	vor.u32 $0x5, v14;
	_ =	sdelay $0x1  }
0x2e6: {  	v15 =	vld.idx.msk [tilespmem:v15+s26+$0x0], $0xffff;
	_ =	sdelay $0x1  }
0x2e7: {  	v16 =	vld [tilespmem:s6+$0xFFFFFFFA];
	v17, _, _ =	vpop (xrf2)  }
0x2e8: {  	v63 =	vld.idx.msk [tilespmem:v14+s26+$0x0], $0xffff;
	v14 =	vbroadcast v17, $0xF  }
0x2e9: {  	v13 =	vcvt.s32.f32 v13  }
0x2ea: {  	v14 =	vmul.f32 v14, v15  }
0x2eb: {  	v15 =	vmul.f32 $4.096000000e+03, v13;
	v13 =	vsel vm3, $0x0, v13  }
0x2ec: {  	s24 =	sadd.s32 $0x1, s15;
	s2 =	simm.s32 $0x2;
	v17 =	vsel vm4, v13, v14  }
0x2ed: {  	p3 =	slt.s32 s24, s0;
	s4 =	simm.s32 $0x3;
	v14 =	vadd.f32 v15, v16;
	v13 =	vmov s2;
	v15 =	vsel vm5, v17, v63  }
.LBB2_9:
0x2ee: {  	s1 =	simm.f32 $1.000000000e+00  }
0x2ef: {  	p2 =	sne.s32 s4, $0xF;
	v14 =	vsel vm6, v14, v15;
	s1 =	simm.s32 @!p3 $0x0  }
0x2f0: {  	v14 =	vmul.f32 s1, v14  }
0x2f1: {  	s3 =	sadd.s32 $0x80, s3  }
0x2f2: {  	[tilespmem:s3+$0x0] =	vst v14  }
0x2f3: {  	v14 =	vld.idx.msk [tilespmem:v13+s29+$0x0], $0xffff  }
0x2f4: {  	s6 =	sadd.s32 $0x80, s6  }
0x2f5: {  	v15 =	vld [tilespmem:s6+$0x0];
	_ =	sdelay $0x3  }
0x2f6: {  	vm7 =	veq.s32 v14, v0  }
0x2f7: {  	v15 =	vnsel vm7, $0x0, v15  }
0x2f8: {  	(xrf2) =	vadd.scan.msk.f32 $0xffff, v15  }
0x2f9: {  	v13 =	vshll.u32 v13, $0x7  }
0x2fa: {  	v15 =	vor.u32 $0x4, v13;
	_ =	sdelay $0x2  }
0x2fb: {  	v13 =	vor.u32 $0x5, v13;
	_ =	sdelay $0x1  }
0x2fc: {  	v15 =	vld.idx.msk [tilespmem:v15+s26+$0x0], $0xffff;
	_ =	sdelay $0x1  }
0x2fd: {  	v16 =	vld [tilespmem:s6+$0xFFFFFFFA]  }
0x2fe: {  	v17 =	vld.idx.msk [tilespmem:v13+s26+$0x0], $0xffff;
	v13, _, _ =	vpop (xrf2)  }
0x2ff: {  	v14 =	vcvt.s32.f32 v14;
	v13 =	vbroadcast v13, $0xF  }
.Ltmp6:
0x300: {  	(pc) =	sbr.rel @p2 .LBB2_9-.Ltmp6, $4  }
0x301: {  	v18 =	vmul.f32 $4.096000000e+03, v14;
	v13 =	vmul.f32 v13, v15  }
0x302: {  	v15 =	vsel vm3, $0x0, v14  }
0x303: {  	s1 =	sadd.s32 s2, s15;
	s2 =	smov.u32 s4;
	v14 =	vadd.f32 v18, v16;
	v15 =	vsel vm4, v15, v13  }
0x304: {  	s4 =	sadd.s32 $0x1, s4;
	p3 =	slt.s32 s1, s0;
	v13 =	vmov s2;
	v15 =	vsel vm5, v15, v17  }
.Ltmp7:
0x305: {  	_ = 	snop;
	(pc) =	sbr.rel .LBB2_10-.Ltmp7, $1  }
0x306: {  	_ =	sdelay $0x3  }
.LBB2_12:
0x307: {  	_ =	sfence.sel $0x180000  }
0x308: {  	[bflag:$0x0] =	sbarrier.arrive $0xFFFF  }
0x309: {  	_ =	strace $0x90000047  }
0x30a: {  	s0 =	stileid.u32;
	[bflag:$0x2] =	sbarrier.arrive $0xFFFF  }
0x30b: {  	p0 =	sne.s32 s0, $0x0;
	s0 =	rddreg [dreg:$0x6]  }
0x30c: {  	s0 =	sadd.s32 @!p0 $0x100000, s0  }
0x30d: {  	[sflag:s0] =	ssyncadd.tile.s32 @!p0 $0x1;
	_ =	shalt  }
.Lfunc_end2:
_tile_overlayer_lowered:
.L_overlay_start_2:
0x30e: {  	(tag) =	ssettag $0x2  }
0x30f: {  	s0 =	rddreg [dreg:$0x0];
	s2 =	stileid.u32  }
0x310: {  	s1 =	rddreg [dreg:$0x1];
	p0 =	sne.s32 s2, $0x0  }
0x311: {  	s3 =	rddreg [dreg:$0x2];
	[bflag:$0x3] =	sbarrier.arrive $0xFFFF;
	s2 =	simm.s32 @!p0 $0x1C02  }
0x312: {  	[timem:s3], [sflag:s2] =	dma.local @!p0 [hbm:s0], s1  }
0x313: {  	s0 =	simm.s32 @!p0 $0x2  }
0x314: {  	_ =	swait.ge @!p0 [sflag:s0], s1  }
0x315: {  	s1 =	ssub.s32 @!p0 $0x0, s1;
	[sflag:s0] =	ssyncset.done @!p0 $0x0  }
0x316: {  	[sflag:s0] =	ssyncadd.s32 @!p0 s1  }
0x317: {  	[bflag:$0x3] =	sbarrier.arrive $0xFFFF  }
0x318: {  	_ =	shalt  }

</sc_bundles>
